<compile_context>
chip_gen: v7x
topology: tpu7x:2x2x1
jax: 0.10.2.dev20260603
libtpu: 0.0.44.dev20260713+nightly
codegen_flags: <defaults>
</compile_context>

<pallas_src>
import functools

import jax
import jax.numpy as jnp
import numpy as np
from jax.experimental import pallas as pl
from jax.experimental.pallas import tpu as pltpu

_PH = jax.lax.Precision.HIGHEST

N_SAMPLES = 32768
N_FRAMES = 128
MDIM = 128
KEEP = 16
DILS = (1, 3, 9, 27, 1)
BLK = 128
NBLK = N_SAMPLES // BLK



def _conv_pool_body(xp_ref, m1_ref, m0_ref, m2_ref, out_ref):
    b = pl.program_id(0)
    h = pl.program_id(1)
    base = h * 128
    lhs0 = xp_ref[b, pl.ds(base + 0, 128), :]
    lhs1 = xp_ref[b, pl.ds(base + 1, 128), :]
    lhs2 = xp_ref[b, pl.ds(base + 2, 128), :]
    full = jnp.dot(lhs1, m1_ref[...], preferred_element_type=jnp.float32, precision=_PH)
    left = jnp.dot(lhs0, m0_ref[...], preferred_element_type=jnp.float32, precision=_PH)
    right = jnp.dot(lhs2, m2_ref[...], preferred_element_type=jnp.float32, precision=_PH)
    acc = full + jnp.concatenate([left, right], axis=1)
    acc = jnp.abs(acc).reshape(128, 128, 128).sum(axis=1)
    pooled = acc.reshape(64, 2, 128).sum(axis=1) * (1.0 / 256.0)
    out_ref[0] = pooled


def _toeplitz_from_z(z):
    b = jnp.broadcast_to(z[None], (128, 256, 128)).reshape(128 * 256, 128)
    return b[: 128 * 255].reshape(128, 255, 128)[:, :128, :]


def _stage_a(x, fb_w):
    xp = jnp.pad(x, ((0, 0), (BLK, BLK))).reshape(8, NBLK + 2, BLK)
    w = fb_w[:, 0, :]
    wrt = w[:, ::-1].T
    zf = jnp.zeros((129, 128), jnp.float32)
    z1 = jnp.concatenate([wrt[64:], zf[:128], wrt[:64]], axis=0)
    z0 = jnp.concatenate([zf, wrt[65:], zf[:64]], axis=0)
    z2 = jnp.concatenate([zf[:64], wrt[:64], zf[:128]], axis=0)
    m1 = _toeplitz_from_z(z1).reshape(128, 128 * 128)
    m0 = _toeplitz_from_z(z0)[:, :64, :].reshape(128, 64 * 128)
    m2 = _toeplitz_from_z(z2)[:, 64:, :].reshape(128, 64 * 128)
    return pl.pallas_call(
        _conv_pool_body,
        grid=(8, 2),
        in_specs=[
            pl.BlockSpec((8, NBLK + 2, BLK), lambda b, h: (0, 0, 0)),
            pl.BlockSpec((128, 128 * 128), lambda b, h: (0, 0)),
            pl.BlockSpec((128, 64 * 128), lambda b, h: (0, 0)),
            pl.BlockSpec((128, 64 * 128), lambda b, h: (0, 0)),
        ],
        out_specs=pl.BlockSpec((1, 64, 128), lambda b, h: (b, h, 0)),
        out_shape=jax.ShapeDtypeStruct((8, N_FRAMES, 128), jnp.float32),
    )(xp, m1, m0, m2)



def _stage_b_body(pooled_ref, rw1t_ref, rw2t_ref, post_ref, dilw_ref,
                  vecs_ref, idx_ref):
    pooled = pooled_ref[...]
    flat = pooled.reshape(8 * 128, 128)
    base = jnp.dot(flat, rw1t_ref[...], preferred_element_type=jnp.float32, precision=_PH)
    posw = jnp.dot(post_ref[...], rw2t_ref[...],
                   preferred_element_type=jnp.float32, precision=_PH)
    a = base.reshape(8, 128, 128) + posw[None]
    for i, d in enumerate(DILS):
        w0 = dilw_ref[i, 0]
        w1 = dilw_ref[i, 1]
        w2 = dilw_ref[i, 2]
        zpad = jnp.zeros((8, d, 128), jnp.float32)
        left = jnp.concatenate([zpad, a[:, :128 - d, :]], axis=1)
        right = jnp.concatenate([a[:, d:, :], zpad], axis=1)
        h = (jnp.dot(left.reshape(8 * 128, 128), w0,
                     preferred_element_type=jnp.float32, precision=_PH)
             + jnp.dot(a.reshape(8 * 128, 128), w1,
                       preferred_element_type=jnp.float32, precision=_PH)
             + jnp.dot(right.reshape(8 * 128, 128), w2,
                       preferred_element_type=jnp.float32, precision=_PH))
        h = h.reshape(8, 128, 128)
        a = jnp.where(h >= 0, h, 0.01 * h) + a
    norms2 = jnp.sum(a * a, axis=2)
    iota = jax.lax.broadcasted_iota(jnp.int32, (8, 128), 1)
    idxacc = jnp.zeros((8, 128), jnp.int32)
    onehots = []
    nn = norms2
    for j in range(KEEP):
        m = jnp.max(nn, axis=1, keepdims=True)
        sel = jnp.min(jnp.where(nn == m, iota, 128), axis=1, keepdims=True)
        oh = iota == sel
        onehots.append(oh.astype(jnp.float32))
        idxacc = jnp.where(iota == j, sel, idxacc)
        nn = jnp.where(oh, -1.0, nn)
    idx_ref[...] = idxacc
    p = jnp.stack(onehots, axis=1)
    for b in range(8):
        vecs_ref[pl.ds(16 * b, 16), :] = jnp.dot(
            p[b], a[b], preferred_element_type=jnp.float32, precision=_PH)


def _stage_b(pooled, reduce_w, dil_ws):
    rw1t = reduce_w[:, :128].T
    rw2t = jnp.pad(reduce_w[:, 128:], ((0, 0), (0, 7))).T
    pos = jnp.linspace(-1.0, 1.0, N_FRAMES, dtype=jnp.float32)
    feats = [pos]
    for i in range(16):
        feats.append(jnp.sin(pos * (2.0 ** i) * np.pi))
        feats.append(jnp.cos(pos * (2.0 ** i) * np.pi))
    posm = jnp.stack(feats, axis=0)
    post = jnp.pad(posm, ((0, 7), (0, 0))).T
    dilw = jnp.stack([jnp.stack([w[:, :, k].T for k in range(3)])
                      for w in dil_ws])
    return pl.pallas_call(
        _stage_b_body,
        out_shape=[
            jax.ShapeDtypeStruct((8 * KEEP, 128), jnp.float32),
            jax.ShapeDtypeStruct((8, 128), jnp.int32),
        ],
    )(pooled, rw1t, rw2t, post, dilw)



def _decode_body(vecs_ref, w_ref, out_ref):
    ev = jax.lax.dot_general(
        vecs_ref[...], w_ref[...],
        dimension_numbers=(((1,), (1,)), ((), ())),
        preferred_element_type=jnp.float32, precision=_PH)
    out_ref[...] = jnp.tanh(ev)


def _stage_c(vecs, W_event):
    nch = 8
    cw = N_SAMPLES // nch
    return pl.pallas_call(
        _decode_body,
        grid=(nch,),
        in_specs=[
            pl.BlockSpec((8 * KEEP, 128), lambda j: (0, 0)),
            pl.BlockSpec((cw, 128), lambda j: (j, 0)),
        ],
        out_specs=pl.BlockSpec((8 * KEEP, cw), lambda j: (0, j)),
        out_shape=jax.ShapeDtypeStruct((8 * KEEP, N_SAMPLES), jnp.float32),
    )(vecs, W_event)



WIN = N_SAMPLES // 4


def _sc_scatter_body(ev_hbm, idx_hbm, out_hbm, idx_v, buf, acc):
    c = jax.lax.axis_index("c")
    s = jax.lax.axis_index("s")
    w = s * 2 + c
    b = w // 4
    q = w % 4
    w0 = q * WIN
    pltpu.sync_copy(idx_hbm.at[pl.ds(pl.multiple_of(b * KEEP, 8), KEEP)],
                    idx_v)
    iv = idx_v[...]

    def zbody(i, _):
        acc[pl.ds(i * 16, 16)] = jnp.zeros((16,), jnp.float32)
        return 0
    jax.lax.fori_loop(0, WIN // 16, zbody, 0)

    for e in range(KEEP):
        start = iv[e] * 256
        off_c = jnp.maximum(0, w0 - start)
        d0 = jnp.maximum(0, start - w0)
        nvec = (WIN - d0) // 16

        @pl.when(start < w0 + WIN)
        def _():
            src = pl.multiple_of((b * KEEP + e) * N_SAMPLES + off_c, 256)
            pltpu.sync_copy(ev_hbm.at[pl.ds(src, WIN)], buf)

            def abody(i, _):
                o = pl.multiple_of(d0 + i * 16, 16)
                acc[pl.ds(o, 16)] += buf[pl.ds(i * 16, 16)]
                return 0
            jax.lax.fori_loop(0, nvec, abody, 0)

    dst = pl.multiple_of(b * N_SAMPLES + w0, 256)
    pltpu.sync_copy(acc, out_hbm.at[pl.ds(dst, WIN)])


def _stage_d(events, idx16):
    from jax.experimental.pallas import tpu_sc as plsc
    mesh = plsc.VectorSubcoreMesh(core_axis_name="c", subcore_axis_name="s")
    run = functools.partial(
        pl.kernel,
        out_type=jax.ShapeDtypeStruct((8 * N_SAMPLES,), jnp.float32),
        mesh=mesh,
        scratch_types=[
            pltpu.VMEM((KEEP,), jnp.int32),
            pltpu.VMEM((WIN,), jnp.float32),
            pltpu.VMEM((WIN,), jnp.float32),
        ],
    )(_sc_scatter_body)
    res = run(events.reshape(8 * KEEP * N_SAMPLES), idx16.reshape(8 * KEEP))
    return res.reshape(8, 1, N_SAMPLES)


def kernel(x, fb_w, reduce_w, dil_w0, dil_w1, dil_w2, dil_w3, dil_w4, W_event):
    pooled = _stage_a(x, fb_w)
    vecs, idxout = _stage_b(pooled, reduce_w,
                            (dil_w0, dil_w1, dil_w2, dil_w3, dil_w4))
    idx16 = idxout[:, :KEEP]
    events = _stage_c(vecs, W_event)
    return _stage_d(events, idx16)

# --- scband reference (transcript-rebuilt; emitter-appended) ---
"""Pipeline reference for scband-summarizer-32435593019624 (READ-ONLY COPY).

The authoritative reference and input builder live on the scoring server;
editing this copy changes nothing except your own understanding.
"""

import jax, jax.numpy as jnp
import numpy as np

N_SAMPLES = 32768
N_FRAMES = 128
MODEL_DIM = 128
KEEP = 16
DILATIONS = [1, 3, 9, 27, 1]


def conv1d(x, w, dilation=1):
    k = w.shape[-1]
    pad_total = (k - 1) * dilation
    pad_l = pad_total // 2
    pad_r = pad_total - pad_l
    return jax.lax.conv_general_dilated(
        x, w, window_strides=(1,), padding=[(pad_l, pad_r)],
        rhs_dilation=(dilation,), dimension_numbers=('NCH', 'OIH', 'NCH'))


def pos_encoded(n_frames, n_freqs=16):
    pos = jnp.linspace(-1.0, 1.0, n_frames, dtype=jnp.float32)
    feats = [pos]
    for i in range(n_freqs):
        feats.append(jnp.sin(pos * (2.0 ** i) * np.pi))
        feats.append(jnp.cos(pos * (2.0 ** i) * np.pi))
    return jnp.stack(feats, axis=0)  # [33, n_frames]


def setup_inputs(seed: int = 0) -> dict:
    key = jax.random.key(seed)
    ks = jax.random.split(key, 10)
    inp = {}
    inp['x'] = jax.random.normal(ks[0], (8, N_SAMPLES), dtype=jnp.float32)
    inp['fb_w'] = jax.random.normal(ks[1], (128, 1, 128), dtype=jnp.float32) * 0.1
    inp['reduce_w'] = jax.random.normal(ks[2], (128, 161), dtype=jnp.float32) * 0.1
    for i in range(5):
        inp['dil_w%d' % i] = jax.random.normal(ks[3 + i], (128, 128, 3), dtype=jnp.float32) * 0.1
    inp['W_event'] = jax.random.normal(ks[8], (N_SAMPLES, MODEL_DIM), dtype=jnp.float32) * 0.05
    return inp


def reference(x, fb_w, reduce_w, dil_w0, dil_w1, dil_w2, dil_w3, dil_w4, W_event):
    B = x.shape[0]
    a = x.reshape(B, 1, N_SAMPLES)
    # filterbank convolve + abs
    a = jnp.abs(conv1d(a, fb_w))  # [B, 128, n_samples]
    # temporal pooling to n_frames
    a = a.reshape(B, 128, N_FRAMES, N_SAMPLES // N_FRAMES).mean(axis=-1)  # [B, 128, 128]
    # positional encoding (33 channels)
    pos = pos_encoded(N_FRAMES)
    pos = jnp.broadcast_to(pos[None], (B, 33, N_FRAMES))
    a = jnp.concatenate([a, pos], axis=1)  # [B, 161, 128]
    # 1x1 reduce
    a = conv1d(a, reduce_w[:, :, None])  # [B, 128, 128]
    # dilated context stack with residuals
    for w, d in zip([dil_w0, dil_w1, dil_w2, dil_w3, dil_w4], DILATIONS):
        a = jax.nn.leaky_relu(conv1d(a, w, d)) + a
    # vectorwise sparsity: keep top-16 frames by vector norm
    norms = jnp.linalg.norm(a, axis=1)  # [B, n_frames]
    _, idx = jax.lax.top_k(norms, KEEP)  # [B, 16]
    vecs = jnp.take_along_axis(a, idx[:, None, :], axis=2)  # [B, 128, 16]
    vecs = vecs.transpose(0, 2, 1).reshape(-1, MODEL_DIM)  # [B*16, 128]
    # event decoder (synthesize per-event waveform)
    events = jnp.tanh(vecs @ W_event.T)  # [B*16, n_samples]
    events = events.reshape(B, KEEP, N_SAMPLES)
    # scatter-add events into double-length output buffer at idx*256
    starts = idx * 256  # [B, 16], max 127*256 = 32512; end <= 65280 < 2*n_samples
    positions = starts[:, :, None] + jnp.arange(N_SAMPLES)[None, None, :]  # [B,16,n_samples]
    batch_idx = jnp.arange(B)[:, None, None]
    out = jnp.zeros((B, 2 * N_SAMPLES), dtype=events.dtype)
    out = out.at[batch_idx, positions].add(events)
    out = out[:, :N_SAMPLES].reshape(B, 1, N_SAMPLES)
    return out

if __name__ == "__main__":
    import jax
    _d = setup_inputs()
    print(jax.jit(kernel)(*tuple(_d.values())))

</pallas_src>

<mosaic_0001>
#map = affine_map<(d0, d1) -> (0)>
module attributes {stable_mosaic.version = 14 : i64} {
  func.func @_sc_scatter_body(%arg0: i32, %arg1: i32, %arg2: memref<4194304xf32, #tpu.memory_space<hbm>>, %arg3: memref<128xi32, #tpu.memory_space<hbm>>, %arg4: memref<262144xf32, #tpu.memory_space<hbm>>, %arg5: memref<16xi32, #tpu.memory_space<vmem>>, %arg6: memref<8192xf32, #tpu.memory_space<vmem>>, %arg7: memref<8192xf32, #tpu.memory_space<vmem>>) attributes {dimension_semantics = [#tpu.dimension_semantics<core_parallel>, #tpu.dimension_semantics<subcore_parallel>], iteration_bounds = array<i64: 2, 16>, scalar_prefetch = 0 : i64, scratch_operands = 3 : i64, tpu.core_type = #tpu.core_type<sc_vector_subcore>, window_params = [{transform_indices = #map}, {transform_indices = #map}, {transform_indices = #map}]} {
    %mul3A = arith.constant 2 : i32
    %mul3A_0 = arith.muli %arg1, %mul3A : i32
    %add3A = arith.addi %mul3A_0, %arg0 : i32
    %jit3A = arith.constant 4 : i32
    %div3A = arith.divsi %add3A, %jit3A : i32
    %sign3A = arith.constant 0 : i32
    %sign3A_1 = arith.cmpi sgt, %add3A, %sign3A : i32
    %sign3A_2 = arith.extui %sign3A_1 : i1 to i32
    %sign3A_3 = arith.constant 0 : i32
    %sign3A_4 = arith.cmpi slt, %add3A, %sign3A_3 : i32
    %sign3A_5 = arith.extui %sign3A_4 : i1 to i32
    %sign3A_6 = arith.subi %sign3A_2, %sign3A_5 : i32
    %sign3A_7 = arith.constant 0 : i32
    %sign3A_8 = arith.cmpi sgt, %jit3A, %sign3A_7 : i32
    %sign3A_9 = arith.extui %sign3A_8 : i1 to i32
    %sign3A_10 = arith.constant 0 : i32
    %sign3A_11 = arith.cmpi slt, %jit3A, %sign3A_10 : i32
    %sign3A_12 = arith.extui %sign3A_11 : i1 to i32
    %sign3A_13 = arith.subi %sign3A_9, %sign3A_12 : i32
    %ne3A = arith.cmpi ne, %sign3A_6, %sign3A_13 : i32
    %rem3A = arith.remsi %add3A, %jit3A : i32
    %ne3A_14 = arith.constant 0 : i32
    %ne3A_15 = arith.cmpi ne, %rem3A, %ne3A_14 : i32
    %and3A = arith.andi %ne3A, %ne3A_15 : i1
    %sub3A = arith.constant 1 : i32
    %sub3A_16 = arith.subi %div3A, %sub3A : i32
    %select_n3A = arith.select %and3A, %sub3A_16, %div3A : i32
    %jit3A_17 = arith.constant 4 : i32
    %eq3A = arith.constant 0 : i32
    %eq3A_18 = arith.cmpi eq, %jit3A_17, %eq3A : i32
    %jit3A_19 = arith.constant 1 : i32
    %select_n3A_20 = arith.select %eq3A_18, %jit3A_19, %jit3A_17 : i32
    %rem3A_21 = arith.remsi %add3A, %select_n3A_20 : i32
    %ne3A_22 = arith.constant 0 : i32
    %ne3A_23 = arith.cmpi ne, %rem3A_21, %ne3A_22 : i32
    %lt3A = arith.constant 0 : i32
    %lt3A_24 = arith.cmpi slt, %rem3A_21, %lt3A : i32
    %lt3A_25 = arith.constant 0 : i32
    %lt3A_26 = arith.cmpi slt, %select_n3A_20, %lt3A_25 : i32
    %ne3A_27 = arith.xori %lt3A_24, %lt3A_26 : i1
    %and3A_28 = arith.andi %ne3A_27, %ne3A_23 : i1
    %add3A_29 = arith.addi %rem3A_21, %select_n3A_20 : i32
    %select_n3A_30 = arith.select %and3A_28, %add3A_29, %rem3A_21 : i32
    %mul3A_31 = arith.constant 8192 : i32
    %mul3A_32 = arith.muli %select_n3A_30, %mul3A_31 : i32
    %mul3A_33 = arith.constant 16 : i32
    %mul3A_34 = arith.muli %select_n3A, %mul3A_33 : i32
    %multiple_of3A = tpu.assume_multiple %mul3A_34, 8 : i32
    "tpu.region"() ({
      %run_scoped3A = tpu.sem_alloc : memref<!tpu.dma_semaphore, #tpu.memory_space<semaphore_mem>>
      %dma_start3A = tpu.memref_slice %arg3[%multiple_of3A] : memref<128xi32, #tpu.memory_space<hbm>> -> memref<16xi32, #tpu.memory_space<hbm>>
      %dma_start3A_714 = tpu.memref_slice %arg3[%multiple_of3A] : memref<128xi32, #tpu.memory_space<hbm>> -> memref<16xi32, #tpu.memory_space<hbm>>
      tpu.enqueue_dma source(%dma_start3A_714 : memref<16xi32, #tpu.memory_space<hbm>>) target(%arg5 : memref<16xi32, #tpu.memory_space<vmem>>) target_semaphore(%run_scoped3A : memref<!tpu.dma_semaphore, #tpu.memory_space<semaphore_mem>>)
      %dma_wait3A = tpu.memref_slice %arg3[%multiple_of3A] : memref<128xi32, #tpu.memory_space<hbm>> -> memref<16xi32, #tpu.memory_space<hbm>>
      %dma_wait3A_715 = tpu.memref_slice %arg3[%multiple_of3A] : memref<128xi32, #tpu.memory_space<hbm>> -> memref<16xi32, #tpu.memory_space<hbm>>
      tpu.wait_dma2 semaphore(%run_scoped3A : memref<!tpu.dma_semaphore, #tpu.memory_space<semaphore_mem>>) src(%dma_wait3A_715 : memref<16xi32, #tpu.memory_space<hbm>>) dst(%arg5 : memref<16xi32, #tpu.memory_space<vmem>>)
      tpu.yield
    }) : () -> ()
    %get3A = arith.constant 0 : index
    %get3A_35 = tpu.vector_load %arg5[%get3A] {strides = array<i32>} : memref<16xi32, #tpu.memory_space<vmem>>, vector<16xi32>,
    %get3A_36 = vector.shape_cast %get3A_35 : vector<16xi32> to vector<16xi32>
    %scan3A = arith.constant 0 : i32
    %scan3A_37 = arith.constant 0 : i32
    %scan3A_38 = arith.constant 512 : i32
    %scan3A_39 = arith.addi %scan3A_37, %scan3A_38 : i32
    %scan3A_40 = arith.constant 1 : i32
    %scan3A_41 = scf.for %scan3A_714 = %scan3A_37 to %scan3A_39 step %scan3A_40 iter_args(%scan3A_715 = %scan3A) -> (i32)  : i32 {
      %broadcast_in_dim3A = arith.constant 0.000000e+00 : f32
      %broadcast_in_dim3A_716 = vector.broadcast %broadcast_in_dim3A : f32 to vector<16xf32>
      %mul3A_717 = arith.constant 16 : i32
      %mul3A_718 = arith.muli %scan3A_714, %mul3A_717 : i32
      %swap3A = arith.index_cast %mul3A_718 : i32 to index
      %swap3A_719 = tpu.vector_load %arg7[%swap3A] {strides = array<i32>} : memref<8192xf32, #tpu.memory_space<vmem>>, vector<16xf32>,
      %swap3A_720 = vector.shape_cast %swap3A_719 : vector<16xf32> to vector<16xf32>
      %swap3A_721 = vector.shape_cast %broadcast_in_dim3A_716 : vector<16xf32> to vector<16xf32>
      tpu.vector_store %arg7[%swap3A], %swap3A_721 {strides = array<i32>} : memref<8192xf32, #tpu.memory_space<vmem>>, vector<16xf32>,
      %scan3A_722 = arith.constant 0 : i32
      scf.yield %scan3A_722 : i32
    }
    %scan3A_42 = arith.constant 512 : i32
    %slice3A = vector.extract_strided_slice %get3A_36 {offsets = [0], sizes = [1], strides = [1]} : vector<16xi32> to vector<1xi32>
    %squeeze3A = vector.extract %slice3A[0] : i32 from vector<1xi32>
    %mul3A_43 = arith.constant 256 : i32
    %mul3A_44 = arith.muli %squeeze3A, %mul3A_43 : i32
    %sub3A_45 = arith.subi %mul3A_32, %mul3A_44 : i32
    %max3A = arith.constant 0 : i32
    %max3A_46 = arith.maxsi %max3A, %sub3A_45 : i32
    %sub3A_47 = arith.subi %mul3A_44, %mul3A_32 : i32
    %max3A_48 = arith.constant 0 : i32
    %max3A_49 = arith.maxsi %max3A_48, %sub3A_47 : i32
    %sub3A_50 = arith.constant 8192 : i32
    %sub3A_51 = arith.subi %sub3A_50, %max3A_49 : i32
    %jit3A_52 = arith.constant 16 : i32
    %div3A_53 = arith.divsi %sub3A_51, %jit3A_52 : i32
    %sign3A_54 = arith.constant 0 : i32
    %sign3A_55 = arith.cmpi sgt, %sub3A_51, %sign3A_54 : i32
    %sign3A_56 = arith.extui %sign3A_55 : i1 to i32
    %sign3A_57 = arith.constant 0 : i32
    %sign3A_58 = arith.cmpi slt, %sub3A_51, %sign3A_57 : i32
    %sign3A_59 = arith.extui %sign3A_58 : i1 to i32
    %sign3A_60 = arith.subi %sign3A_56, %sign3A_59 : i32
    %sign3A_61 = arith.constant 0 : i32
    %sign3A_62 = arith.cmpi sgt, %jit3A_52, %sign3A_61 : i32
    %sign3A_63 = arith.extui %sign3A_62 : i1 to i32
    %sign3A_64 = arith.constant 0 : i32
    %sign3A_65 = arith.cmpi slt, %jit3A_52, %sign3A_64 : i32
    %sign3A_66 = arith.extui %sign3A_65 : i1 to i32
    %sign3A_67 = arith.subi %sign3A_63, %sign3A_66 : i32
    %ne3A_68 = arith.cmpi ne, %sign3A_60, %sign3A_67 : i32
    %rem3A_69 = arith.remsi %sub3A_51, %jit3A_52 : i32
    %ne3A_70 = arith.constant 0 : i32
    %ne3A_71 = arith.cmpi ne, %rem3A_69, %ne3A_70 : i32
    %and3A_72 = arith.andi %ne3A_68, %ne3A_71 : i1
    %sub3A_73 = arith.constant 1 : i32
    %sub3A_74 = arith.subi %div3A_53, %sub3A_73 : i32
    %select_n3A_75 = arith.select %and3A_72, %sub3A_74, %div3A_53 : i32
    %add3A_76 = arith.constant 8192 : i32
    %add3A_77 = arith.addi %mul3A_32, %add3A_76 : i32
    %lt3A_78 = arith.cmpi slt, %mul3A_44, %add3A_77 : i32
    %convert_element_type3A = arith.extui %lt3A_78 : i1 to i32
    %cond3A = arith.constant 0 : i32
    %cond3A_79 = arith.cmpi ne, %convert_element_type3A, %cond3A : i32
    scf.if %cond3A_79 {
      %mul3A_714 = arith.constant 16 : i32
      %mul3A_715 = arith.muli %select_n3A, %mul3A_714 : i32
      %add3A_716 = arith.constant 0 : i32
      %add3A_717 = arith.addi %mul3A_715, %add3A_716 : i32
      %mul3A_718 = arith.constant 32768 : i32
      %mul3A_719 = arith.muli %add3A_717, %mul3A_718 : i32
      %add3A_720 = arith.addi %mul3A_719, %max3A_46 : i32
      %multiple_of3A_721 = tpu.assume_multiple %add3A_720, 256 : i32
      "tpu.region"() ({
        %run_scoped3A = tpu.sem_alloc : memref<!tpu.dma_semaphore, #tpu.memory_space<semaphore_mem>>
        %dma_start3A = tpu.memref_slice %arg2[%multiple_of3A_721] : memref<4194304xf32, #tpu.memory_space<hbm>> -> memref<8192xf32, #tpu.memory_space<hbm>>
        %dma_start3A_733 = tpu.memref_slice %arg2[%multiple_of3A_721] : memref<4194304xf32, #tpu.memory_space<hbm>> -> memref<8192xf32, #tpu.memory_space<hbm>>
        tpu.enqueue_dma source(%dma_start3A_733 : memref<8192xf32, #tpu.memory_space<hbm>>) target(%arg6 : memref<8192xf32, #tpu.memory_space<vmem>>) target_semaphore(%run_scoped3A : memref<!tpu.dma_semaphore, #tpu.memory_space<semaphore_mem>>)
        %dma_wait3A = tpu.memref_slice %arg2[%multiple_of3A_721] : memref<4194304xf32, #tpu.memory_space<hbm>> -> memref<8192xf32, #tpu.memory_space<hbm>>
        %dma_wait3A_734 = tpu.memref_slice %arg2[%multiple_of3A_721] : memref<4194304xf32, #tpu.memory_space<hbm>> -> memref<8192xf32, #tpu.memory_space<hbm>>
        tpu.wait_dma2 semaphore(%run_scoped3A : memref<!tpu.dma_semaphore, #tpu.memory_space<semaphore_mem>>) src(%dma_wait3A_734 : memref<8192xf32, #tpu.memory_space<hbm>>) dst(%arg6 : memref<8192xf32, #tpu.memory_space<vmem>>)
        tpu.yield
      }) : () -> ()
      %while3A = arith.constant 0 : i32
      %while3A_722 = arith.constant 0 : i32
      %while3A_723 = arith.subi %select_n3A_75, %while3A : i32
      %while3A_724 = arith.addi %while3A, %while3A_723 : i32
      %while3A_725 = arith.constant 1 : i32
      %while3A_726 = arith.divsi %while3A_723, %while3A_725 : i32
      %while3A_727 = arith.muli %while3A_726, %while3A_725 : i32
      %while3A_728 = arith.addi %while3A, %while3A_727 : i32
      %while3A_729 = arith.constant 1 : i32
      %while3A_730 = scf.for %while3A_733 = %while3A to %while3A_728 step %while3A_729 iter_args(%while3A_734 = %while3A_722) -> (i32)  : i32 {
        %mul3A_735 = arith.constant 16 : i32
        %mul3A_736 = arith.muli %while3A_733, %mul3A_735 : i32
        %add3A_737 = arith.addi %max3A_49, %mul3A_736 : i32
        %multiple_of3A_738 = tpu.assume_multiple %add3A_737, 16 : i32
        %get3A_739 = arith.index_cast %multiple_of3A_738 : i32 to index
        %get3A_740 = tpu.vector_load %arg7[%get3A_739] {strides = array<i32>} : memref<8192xf32, #tpu.memory_space<vmem>>, vector<16xf32>,
        %get3A_741 = vector.shape_cast %get3A_740 : vector<16xf32> to vector<16xf32>
        %mul3A_742 = arith.constant 16 : i32
        %mul3A_743 = arith.muli %while3A_733, %mul3A_742 : i32
        %get3A_744 = arith.index_cast %mul3A_743 : i32 to index
        %get3A_745 = tpu.vector_load %arg6[%get3A_744] {strides = array<i32>} : memref<8192xf32, #tpu.memory_space<vmem>>, vector<16xf32>,
        %get3A_746 = vector.shape_cast %get3A_745 : vector<16xf32> to vector<16xf32>
        %add3A_747 = arith.addf %get3A_741, %get3A_746 : vector<16xf32>
        %swap3A = arith.index_cast %multiple_of3A_738 : i32 to index
        %swap3A_748 = tpu.vector_load %arg7[%swap3A] {strides = array<i32>} : memref<8192xf32, #tpu.memory_space<vmem>>, vector<16xf32>,
        %swap3A_749 = vector.shape_cast %swap3A_748 : vector<16xf32> to vector<16xf32>
        %swap3A_750 = vector.shape_cast %add3A_747 : vector<16xf32> to vector<16xf32>
        tpu.vector_store %arg7[%swap3A], %swap3A_750 {strides = array<i32>} : memref<8192xf32, #tpu.memory_space<vmem>>, vector<16xf32>,
        %while3A_751 = arith.constant 0 : i32
        scf.yield %while3A_751 : i32
      }
      %while3A_731 = arith.constant 1 : i32
      %while3A_732 = scf.for %while3A_733 = %while3A_728 to %while3A_724 step %while3A_731 iter_args(%while3A_734 = %while3A_730) -> (i32)  : i32 {
        %mul3A_735 = arith.constant 16 : i32
        %mul3A_736 = arith.muli %while3A_733, %mul3A_735 : i32
        %add3A_737 = arith.addi %max3A_49, %mul3A_736 : i32
        %multiple_of3A_738 = tpu.assume_multiple %add3A_737, 16 : i32
        %get3A_739 = arith.index_cast %multiple_of3A_738 : i32 to index
        %get3A_740 = tpu.vector_load %arg7[%get3A_739] {strides = array<i32>} : memref<8192xf32, #tpu.memory_space<vmem>>, vector<16xf32>,
        %get3A_741 = vector.shape_cast %get3A_740 : vector<16xf32> to vector<16xf32>
        %mul3A_742 = arith.constant 16 : i32
        %mul3A_743 = arith.muli %while3A_733, %mul3A_742 : i32
        %get3A_744 = arith.index_cast %mul3A_743 : i32 to index
        %get3A_745 = tpu.vector_load %arg6[%get3A_744] {strides = array<i32>} : memref<8192xf32, #tpu.memory_space<vmem>>, vector<16xf32>,
        %get3A_746 = vector.shape_cast %get3A_745 : vector<16xf32> to vector<16xf32>
        %add3A_747 = arith.addf %get3A_741, %get3A_746 : vector<16xf32>
        %swap3A = arith.index_cast %multiple_of3A_738 : i32 to index
        %swap3A_748 = tpu.vector_load %arg7[%swap3A] {strides = array<i32>} : memref<8192xf32, #tpu.memory_space<vmem>>, vector<16xf32>,
        %swap3A_749 = vector.shape_cast %swap3A_748 : vector<16xf32> to vector<16xf32>
        %swap3A_750 = vector.shape_cast %add3A_747 : vector<16xf32> to vector<16xf32>
        tpu.vector_store %arg7[%swap3A], %swap3A_750 {strides = array<i32>} : memref<8192xf32, #tpu.memory_space<vmem>>, vector<16xf32>,
        %while3A_751 = arith.constant 0 : i32
        scf.yield %while3A_751 : i32
      }
    } else {
    }
    %slice3A_80 = vector.extract_strided_slice %get3A_36 {offsets = [1], sizes = [1], strides = [1]} : vector<16xi32> to vector<1xi32>
    %squeeze3A_81 = vector.extract %slice3A_80[0] : i32 from vector<1xi32>
    %mul3A_82 = arith.constant 256 : i32
    %mul3A_83 = arith.muli %squeeze3A_81, %mul3A_82 : i32
    %sub3A_84 = arith.subi %mul3A_32, %mul3A_83 : i32
    %max3A_85 = arith.constant 0 : i32
    %max3A_86 = arith.maxsi %max3A_85, %sub3A_84 : i32
    %sub3A_87 = arith.subi %mul3A_83, %mul3A_32 : i32
    %max3A_88 = arith.constant 0 : i32
    %max3A_89 = arith.maxsi %max3A_88, %sub3A_87 : i32
    %sub3A_90 = arith.constant 8192 : i32
    %sub3A_91 = arith.subi %sub3A_90, %max3A_89 : i32
    %jit3A_92 = arith.constant 16 : i32
    %div3A_93 = arith.divsi %sub3A_91, %jit3A_92 : i32
    %sign3A_94 = arith.constant 0 : i32
    %sign3A_95 = arith.cmpi sgt, %sub3A_91, %sign3A_94 : i32
    %sign3A_96 = arith.extui %sign3A_95 : i1 to i32
    %sign3A_97 = arith.constant 0 : i32
    %sign3A_98 = arith.cmpi slt, %sub3A_91, %sign3A_97 : i32
    %sign3A_99 = arith.extui %sign3A_98 : i1 to i32
    %sign3A_100 = arith.subi %sign3A_96, %sign3A_99 : i32
    %sign3A_101 = arith.constant 0 : i32
    %sign3A_102 = arith.cmpi sgt, %jit3A_92, %sign3A_101 : i32
    %sign3A_103 = arith.extui %sign3A_102 : i1 to i32
    %sign3A_104 = arith.constant 0 : i32
    %sign3A_105 = arith.cmpi slt, %jit3A_92, %sign3A_104 : i32
    %sign3A_106 = arith.extui %sign3A_105 : i1 to i32
    %sign3A_107 = arith.subi %sign3A_103, %sign3A_106 : i32
    %ne3A_108 = arith.cmpi ne, %sign3A_100, %sign3A_107 : i32
    %rem3A_109 = arith.remsi %sub3A_91, %jit3A_92 : i32
    %ne3A_110 = arith.constant 0 : i32
    %ne3A_111 = arith.cmpi ne, %rem3A_109, %ne3A_110 : i32
    %and3A_112 = arith.andi %ne3A_108, %ne3A_111 : i1
    %sub3A_113 = arith.constant 1 : i32
    %sub3A_114 = arith.subi %div3A_93, %sub3A_113 : i32
    %select_n3A_115 = arith.select %and3A_112, %sub3A_114, %div3A_93 : i32
    %add3A_116 = arith.constant 8192 : i32
    %add3A_117 = arith.addi %mul3A_32, %add3A_116 : i32
    %lt3A_118 = arith.cmpi slt, %mul3A_83, %add3A_117 : i32
    %convert_element_type3A_119 = arith.extui %lt3A_118 : i1 to i32
    %cond3A_120 = arith.constant 0 : i32
    %cond3A_121 = arith.cmpi ne, %convert_element_type3A_119, %cond3A_120 : i32
    scf.if %cond3A_121 {
      %mul3A_714 = arith.constant 16 : i32
      %mul3A_715 = arith.muli %select_n3A, %mul3A_714 : i32
      %add3A_716 = arith.constant 1 : i32
      %add3A_717 = arith.addi %mul3A_715, %add3A_716 : i32
      %mul3A_718 = arith.constant 32768 : i32
      %mul3A_719 = arith.muli %add3A_717, %mul3A_718 : i32
      %add3A_720 = arith.addi %mul3A_719, %max3A_86 : i32
      %multiple_of3A_721 = tpu.assume_multiple %add3A_720, 256 : i32
      "tpu.region"() ({
        %run_scoped3A = tpu.sem_alloc : memref<!tpu.dma_semaphore, #tpu.memory_space<semaphore_mem>>
        %dma_start3A = tpu.memref_slice %arg2[%multiple_of3A_721] : memref<4194304xf32, #tpu.memory_space<hbm>> -> memref<8192xf32, #tpu.memory_space<hbm>>
        %dma_start3A_733 = tpu.memref_slice %arg2[%multiple_of3A_721] : memref<4194304xf32, #tpu.memory_space<hbm>> -> memref<8192xf32, #tpu.memory_space<hbm>>
        tpu.enqueue_dma source(%dma_start3A_733 : memref<8192xf32, #tpu.memory_space<hbm>>) target(%arg6 : memref<8192xf32, #tpu.memory_space<vmem>>) target_semaphore(%run_scoped3A : memref<!tpu.dma_semaphore, #tpu.memory_space<semaphore_mem>>)
        %dma_wait3A = tpu.memref_slice %arg2[%multiple_of3A_721] : memref<4194304xf32, #tpu.memory_space<hbm>> -> memref<8192xf32, #tpu.memory_space<hbm>>
        %dma_wait3A_734 = tpu.memref_slice %arg2[%multiple_of3A_721] : memref<4194304xf32, #tpu.memory_space<hbm>> -> memref<8192xf32, #tpu.memory_space<hbm>>
        tpu.wait_dma2 semaphore(%run_scoped3A : memref<!tpu.dma_semaphore, #tpu.memory_space<semaphore_mem>>) src(%dma_wait3A_734 : memref<8192xf32, #tpu.memory_space<hbm>>) dst(%arg6 : memref<8192xf32, #tpu.memory_space<vmem>>)
        tpu.yield
      }) : () -> ()
      %while3A = arith.constant 0 : i32
      %while3A_722 = arith.constant 0 : i32
      %while3A_723 = arith.subi %select_n3A_115, %while3A : i32
      %while3A_724 = arith.addi %while3A, %while3A_723 : i32
      %while3A_725 = arith.constant 1 : i32
      %while3A_726 = arith.divsi %while3A_723, %while3A_725 : i32
      %while3A_727 = arith.muli %while3A_726, %while3A_725 : i32
      %while3A_728 = arith.addi %while3A, %while3A_727 : i32
      %while3A_729 = arith.constant 1 : i32
      %while3A_730 = scf.for %while3A_733 = %while3A to %while3A_728 step %while3A_729 iter_args(%while3A_734 = %while3A_722) -> (i32)  : i32 {
        %mul3A_735 = arith.constant 16 : i32
        %mul3A_736 = arith.muli %while3A_733, %mul3A_735 : i32
        %add3A_737 = arith.addi %max3A_89, %mul3A_736 : i32
        %multiple_of3A_738 = tpu.assume_multiple %add3A_737, 16 : i32
        %get3A_739 = arith.index_cast %multiple_of3A_738 : i32 to index
        %get3A_740 = tpu.vector_load %arg7[%get3A_739] {strides = array<i32>} : memref<8192xf32, #tpu.memory_space<vmem>>, vector<16xf32>,
        %get3A_741 = vector.shape_cast %get3A_740 : vector<16xf32> to vector<16xf32>
        %mul3A_742 = arith.constant 16 : i32
        %mul3A_743 = arith.muli %while3A_733, %mul3A_742 : i32
        %get3A_744 = arith.index_cast %mul3A_743 : i32 to index
        %get3A_745 = tpu.vector_load %arg6[%get3A_744] {strides = array<i32>} : memref<8192xf32, #tpu.memory_space<vmem>>, vector<16xf32>,
        %get3A_746 = vector.shape_cast %get3A_745 : vector<16xf32> to vector<16xf32>
        %add3A_747 = arith.addf %get3A_741, %get3A_746 : vector<16xf32>
        %swap3A = arith.index_cast %multiple_of3A_738 : i32 to index
        %swap3A_748 = tpu.vector_load %arg7[%swap3A] {strides = array<i32>} : memref<8192xf32, #tpu.memory_space<vmem>>, vector<16xf32>,
        %swap3A_749 = vector.shape_cast %swap3A_748 : vector<16xf32> to vector<16xf32>
        %swap3A_750 = vector.shape_cast %add3A_747 : vector<16xf32> to vector<16xf32>
        tpu.vector_store %arg7[%swap3A], %swap3A_750 {strides = array<i32>} : memref<8192xf32, #tpu.memory_space<vmem>>, vector<16xf32>,
        %while3A_751 = arith.constant 0 : i32
        scf.yield %while3A_751 : i32
      }
      %while3A_731 = arith.constant 1 : i32
      %while3A_732 = scf.for %while3A_733 = %while3A_728 to %while3A_724 step %while3A_731 iter_args(%while3A_734 = %while3A_730) -> (i32)  : i32 {
        %mul3A_735 = arith.constant 16 : i32
        %mul3A_736 = arith.muli %while3A_733, %mul3A_735 : i32
        %add3A_737 = arith.addi %max3A_89, %mul3A_736 : i32
        %multiple_of3A_738 = tpu.assume_multiple %add3A_737, 16 : i32
        %get3A_739 = arith.index_cast %multiple_of3A_738 : i32 to index
        %get3A_740 = tpu.vector_load %arg7[%get3A_739] {strides = array<i32>} : memref<8192xf32, #tpu.memory_space<vmem>>, vector<16xf32>,
        %get3A_741 = vector.shape_cast %get3A_740 : vector<16xf32> to vector<16xf32>
        %mul3A_742 = arith.constant 16 : i32
        %mul3A_743 = arith.muli %while3A_733, %mul3A_742 : i32
        %get3A_744 = arith.index_cast %mul3A_743 : i32 to index
        %get3A_745 = tpu.vector_load %arg6[%get3A_744] {strides = array<i32>} : memref<8192xf32, #tpu.memory_space<vmem>>, vector<16xf32>,
        %get3A_746 = vector.shape_cast %get3A_745 : vector<16xf32> to vector<16xf32>
        %add3A_747 = arith.addf %get3A_741, %get3A_746 : vector<16xf32>
        %swap3A = arith.index_cast %multiple_of3A_738 : i32 to index
        %swap3A_748 = tpu.vector_load %arg7[%swap3A] {strides = array<i32>} : memref<8192xf32, #tpu.memory_space<vmem>>, vector<16xf32>,
        %swap3A_749 = vector.shape_cast %swap3A_748 : vector<16xf32> to vector<16xf32>
        %swap3A_750 = vector.shape_cast %add3A_747 : vector<16xf32> to vector<16xf32>
        tpu.vector_store %arg7[%swap3A], %swap3A_750 {strides = array<i32>} : memref<8192xf32, #tpu.memory_space<vmem>>, vector<16xf32>,
        %while3A_751 = arith.constant 0 : i32
        scf.yield %while3A_751 : i32
      }
    } else {
    }
    %slice3A_122 = vector.extract_strided_slice %get3A_36 {offsets = [2], sizes = [1], strides = [1]} : vector<16xi32> to vector<1xi32>
    %squeeze3A_123 = vector.extract %slice3A_122[0] : i32 from vector<1xi32>
    %mul3A_124 = arith.constant 256 : i32
    %mul3A_125 = arith.muli %squeeze3A_123, %mul3A_124 : i32
    %sub3A_126 = arith.subi %mul3A_32, %mul3A_125 : i32
    %max3A_127 = arith.constant 0 : i32
    %max3A_128 = arith.maxsi %max3A_127, %sub3A_126 : i32
    %sub3A_129 = arith.subi %mul3A_125, %mul3A_32 : i32
    %max3A_130 = arith.constant 0 : i32
    %max3A_131 = arith.maxsi %max3A_130, %sub3A_129 : i32
    %sub3A_132 = arith.constant 8192 : i32
    %sub3A_133 = arith.subi %sub3A_132, %max3A_131 : i32
    %jit3A_134 = arith.constant 16 : i32
    %div3A_135 = arith.divsi %sub3A_133, %jit3A_134 : i32
    %sign3A_136 = arith.constant 0 : i32
    %sign3A_137 = arith.cmpi sgt, %sub3A_133, %sign3A_136 : i32
    %sign3A_138 = arith.extui %sign3A_137 : i1 to i32
    %sign3A_139 = arith.constant 0 : i32
    %sign3A_140 = arith.cmpi slt, %sub3A_133, %sign3A_139 : i32
    %sign3A_141 = arith.extui %sign3A_140 : i1 to i32
    %sign3A_142 = arith.subi %sign3A_138, %sign3A_141 : i32
    %sign3A_143 = arith.constant 0 : i32
    %sign3A_144 = arith.cmpi sgt, %jit3A_134, %sign3A_143 : i32
    %sign3A_145 = arith.extui %sign3A_144 : i1 to i32
    %sign3A_146 = arith.constant 0 : i32
    %sign3A_147 = arith.cmpi slt, %jit3A_134, %sign3A_146 : i32
    %sign3A_148 = arith.extui %sign3A_147 : i1 to i32
    %sign3A_149 = arith.subi %sign3A_145, %sign3A_148 : i32
    %ne3A_150 = arith.cmpi ne, %sign3A_142, %sign3A_149 : i32
    %rem3A_151 = arith.remsi %sub3A_133, %jit3A_134 : i32
    %ne3A_152 = arith.constant 0 : i32
    %ne3A_153 = arith.cmpi ne, %rem3A_151, %ne3A_152 : i32
    %and3A_154 = arith.andi %ne3A_150, %ne3A_153 : i1
    %sub3A_155 = arith.constant 1 : i32
    %sub3A_156 = arith.subi %div3A_135, %sub3A_155 : i32
    %select_n3A_157 = arith.select %and3A_154, %sub3A_156, %div3A_135 : i32
    %add3A_158 = arith.constant 8192 : i32
    %add3A_159 = arith.addi %mul3A_32, %add3A_158 : i32
    %lt3A_160 = arith.cmpi slt, %mul3A_125, %add3A_159 : i32
    %convert_element_type3A_161 = arith.extui %lt3A_160 : i1 to i32
    %cond3A_162 = arith.constant 0 : i32
    %cond3A_163 = arith.cmpi ne, %convert_element_type3A_161, %cond3A_162 : i32
    scf.if %cond3A_163 {
      %mul3A_714 = arith.constant 16 : i32
      %mul3A_715 = arith.muli %select_n3A, %mul3A_714 : i32
      %add3A_716 = arith.constant 2 : i32
      %add3A_717 = arith.addi %mul3A_715, %add3A_716 : i32
      %mul3A_718 = arith.constant 32768 : i32
      %mul3A_719 = arith.muli %add3A_717, %mul3A_718 : i32
      %add3A_720 = arith.addi %mul3A_719, %max3A_128 : i32
      %multiple_of3A_721 = tpu.assume_multiple %add3A_720, 256 : i32
      "tpu.region"() ({
        %run_scoped3A = tpu.sem_alloc : memref<!tpu.dma_semaphore, #tpu.memory_space<semaphore_mem>>
        %dma_start3A = tpu.memref_slice %arg2[%multiple_of3A_721] : memref<4194304xf32, #tpu.memory_space<hbm>> -> memref<8192xf32, #tpu.memory_space<hbm>>
        %dma_start3A_733 = tpu.memref_slice %arg2[%multiple_of3A_721] : memref<4194304xf32, #tpu.memory_space<hbm>> -> memref<8192xf32, #tpu.memory_space<hbm>>
        tpu.enqueue_dma source(%dma_start3A_733 : memref<8192xf32, #tpu.memory_space<hbm>>) target(%arg6 : memref<8192xf32, #tpu.memory_space<vmem>>) target_semaphore(%run_scoped3A : memref<!tpu.dma_semaphore, #tpu.memory_space<semaphore_mem>>)
        %dma_wait3A = tpu.memref_slice %arg2[%multiple_of3A_721] : memref<4194304xf32, #tpu.memory_space<hbm>> -> memref<8192xf32, #tpu.memory_space<hbm>>
        %dma_wait3A_734 = tpu.memref_slice %arg2[%multiple_of3A_721] : memref<4194304xf32, #tpu.memory_space<hbm>> -> memref<8192xf32, #tpu.memory_space<hbm>>
        tpu.wait_dma2 semaphore(%run_scoped3A : memref<!tpu.dma_semaphore, #tpu.memory_space<semaphore_mem>>) src(%dma_wait3A_734 : memref<8192xf32, #tpu.memory_space<hbm>>) dst(%arg6 : memref<8192xf32, #tpu.memory_space<vmem>>)
        tpu.yield
      }) : () -> ()
      %while3A = arith.constant 0 : i32
      %while3A_722 = arith.constant 0 : i32
      %while3A_723 = arith.subi %select_n3A_157, %while3A : i32
      %while3A_724 = arith.addi %while3A, %while3A_723 : i32
      %while3A_725 = arith.constant 1 : i32
      %while3A_726 = arith.divsi %while3A_723, %while3A_725 : i32
      %while3A_727 = arith.muli %while3A_726, %while3A_725 : i32
      %while3A_728 = arith.addi %while3A, %while3A_727 : i32
      %while3A_729 = arith.constant 1 : i32
      %while3A_730 = scf.for %while3A_733 = %while3A to %while3A_728 step %while3A_729 iter_args(%while3A_734 = %while3A_722) -> (i32)  : i32 {
        %mul3A_735 = arith.constant 16 : i32
        %mul3A_736 = arith.muli %while3A_733, %mul3A_735 : i32
        %add3A_737 = arith.addi %max3A_131, %mul3A_736 : i32
        %multiple_of3A_738 = tpu.assume_multiple %add3A_737, 16 : i32
        %get3A_739 = arith.index_cast %multiple_of3A_738 : i32 to index
        %get3A_740 = tpu.vector_load %arg7[%get3A_739] {strides = array<i32>} : memref<8192xf32, #tpu.memory_space<vmem>>, vector<16xf32>,
        %get3A_741 = vector.shape_cast %get3A_740 : vector<16xf32> to vector<16xf32>
        %mul3A_742 = arith.constant 16 : i32
        %mul3A_743 = arith.muli %while3A_733, %mul3A_742 : i32
        %get3A_744 = arith.index_cast %mul3A_743 : i32 to index
        %get3A_745 = tpu.vector_load %arg6[%get3A_744] {strides = array<i32>} : memref<8192xf32, #tpu.memory_space<vmem>>, vector<16xf32>,
        %get3A_746 = vector.shape_cast %get3A_745 : vector<16xf32> to vector<16xf32>
        %add3A_747 = arith.addf %get3A_741, %get3A_746 : vector<16xf32>
        %swap3A = arith.index_cast %multiple_of3A_738 : i32 to index
        %swap3A_748 = tpu.vector_load %arg7[%swap3A] {strides = array<i32>} : memref<8192xf32, #tpu.memory_space<vmem>>, vector<16xf32>,
        %swap3A_749 = vector.shape_cast %swap3A_748 : vector<16xf32> to vector<16xf32>
        %swap3A_750 = vector.shape_cast %add3A_747 : vector<16xf32> to vector<16xf32>
        tpu.vector_store %arg7[%swap3A], %swap3A_750 {strides = array<i32>} : memref<8192xf32, #tpu.memory_space<vmem>>, vector<16xf32>,
        %while3A_751 = arith.constant 0 : i32
        scf.yield %while3A_751 : i32
      }
      %while3A_731 = arith.constant 1 : i32
      %while3A_732 = scf.for %while3A_733 = %while3A_728 to %while3A_724 step %while3A_731 iter_args(%while3A_734 = %while3A_730) -> (i32)  : i32 {
        %mul3A_735 = arith.constant 16 : i32
        %mul3A_736 = arith.muli %while3A_733, %mul3A_735 : i32
        %add3A_737 = arith.addi %max3A_131, %mul3A_736 : i32
        %multiple_of3A_738 = tpu.assume_multiple %add3A_737, 16 : i32
        %get3A_739 = arith.index_cast %multiple_of3A_738 : i32 to index
        %get3A_740 = tpu.vector_load %arg7[%get3A_739] {strides = array<i32>} : memref<8192xf32, #tpu.memory_space<vmem>>, vector<16xf32>,
        %get3A_741 = vector.shape_cast %get3A_740 : vector<16xf32> to vector<16xf32>
        %mul3A_742 = arith.constant 16 : i32
        %mul3A_743 = arith.muli %while3A_733, %mul3A_742 : i32
        %get3A_744 = arith.index_cast %mul3A_743 : i32 to index
        %get3A_745 = tpu.vector_load %arg6[%get3A_744] {strides = array<i32>} : memref<8192xf32, #tpu.memory_space<vmem>>, vector<16xf32>,
        %get3A_746 = vector.shape_cast %get3A_745 : vector<16xf32> to vector<16xf32>
        %add3A_747 = arith.addf %get3A_741, %get3A_746 : vector<16xf32>
        %swap3A = arith.index_cast %multiple_of3A_738 : i32 to index
        %swap3A_748 = tpu.vector_load %arg7[%swap3A] {strides = array<i32>} : memref<8192xf32, #tpu.memory_space<vmem>>, vector<16xf32>,
        %swap3A_749 = vector.shape_cast %swap3A_748 : vector<16xf32> to vector<16xf32>
        %swap3A_750 = vector.shape_cast %add3A_747 : vector<16xf32> to vector<16xf32>
        tpu.vector_store %arg7[%swap3A], %swap3A_750 {strides = array<i32>} : memref<8192xf32, #tpu.memory_space<vmem>>, vector<16xf32>,
        %while3A_751 = arith.constant 0 : i32
        scf.yield %while3A_751 : i32
      }
    } else {
    }
    %slice3A_164 = vector.extract_strided_slice %get3A_36 {offsets = [3], sizes = [1], strides = [1]} : vector<16xi32> to vector<1xi32>
    %squeeze3A_165 = vector.extract %slice3A_164[0] : i32 from vector<1xi32>
    %mul3A_166 = arith.constant 256 : i32
    %mul3A_167 = arith.muli %squeeze3A_165, %mul3A_166 : i32
    %sub3A_168 = arith.subi %mul3A_32, %mul3A_167 : i32
    %max3A_169 = arith.constant 0 : i32
    %max3A_170 = arith.maxsi %max3A_169, %sub3A_168 : i32
    %sub3A_171 = arith.subi %mul3A_167, %mul3A_32 : i32
    %max3A_172 = arith.constant 0 : i32
    %max3A_173 = arith.maxsi %max3A_172, %sub3A_171 : i32
    %sub3A_174 = arith.constant 8192 : i32
    %sub3A_175 = arith.subi %sub3A_174, %max3A_173 : i32
    %jit3A_176 = arith.constant 16 : i32
    %div3A_177 = arith.divsi %sub3A_175, %jit3A_176 : i32
    %sign3A_178 = arith.constant 0 : i32
    %sign3A_179 = arith.cmpi sgt, %sub3A_175, %sign3A_178 : i32
    %sign3A_180 = arith.extui %sign3A_179 : i1 to i32
    %sign3A_181 = arith.constant 0 : i32
    %sign3A_182 = arith.cmpi slt, %sub3A_175, %sign3A_181 : i32
    %sign3A_183 = arith.extui %sign3A_182 : i1 to i32
    %sign3A_184 = arith.subi %sign3A_180, %sign3A_183 : i32
    %sign3A_185 = arith.constant 0 : i32
    %sign3A_186 = arith.cmpi sgt, %jit3A_176, %sign3A_185 : i32
    %sign3A_187 = arith.extui %sign3A_186 : i1 to i32
    %sign3A_188 = arith.constant 0 : i32
    %sign3A_189 = arith.cmpi slt, %jit3A_176, %sign3A_188 : i32
    %sign3A_190 = arith.extui %sign3A_189 : i1 to i32
    %sign3A_191 = arith.subi %sign3A_187, %sign3A_190 : i32
    %ne3A_192 = arith.cmpi ne, %sign3A_184, %sign3A_191 : i32
    %rem3A_193 = arith.remsi %sub3A_175, %jit3A_176 : i32
    %ne3A_194 = arith.constant 0 : i32
    %ne3A_195 = arith.cmpi ne, %rem3A_193, %ne3A_194 : i32
    %and3A_196 = arith.andi %ne3A_192, %ne3A_195 : i1
    %sub3A_197 = arith.constant 1 : i32
    %sub3A_198 = arith.subi %div3A_177, %sub3A_197 : i32
    %select_n3A_199 = arith.select %and3A_196, %sub3A_198, %div3A_177 : i32
    %add3A_200 = arith.constant 8192 : i32
    %add3A_201 = arith.addi %mul3A_32, %add3A_200 : i32
    %lt3A_202 = arith.cmpi slt, %mul3A_167, %add3A_201 : i32
    %convert_element_type3A_203 = arith.extui %lt3A_202 : i1 to i32
    %cond3A_204 = arith.constant 0 : i32
    %cond3A_205 = arith.cmpi ne, %convert_element_type3A_203, %cond3A_204 : i32
    scf.if %cond3A_205 {
      %mul3A_714 = arith.constant 16 : i32
      %mul3A_715 = arith.muli %select_n3A, %mul3A_714 : i32
      %add3A_716 = arith.constant 3 : i32
      %add3A_717 = arith.addi %mul3A_715, %add3A_716 : i32
      %mul3A_718 = arith.constant 32768 : i32
      %mul3A_719 = arith.muli %add3A_717, %mul3A_718 : i32
      %add3A_720 = arith.addi %mul3A_719, %max3A_170 : i32
      %multiple_of3A_721 = tpu.assume_multiple %add3A_720, 256 : i32
      "tpu.region"() ({
        %run_scoped3A = tpu.sem_alloc : memref<!tpu.dma_semaphore, #tpu.memory_space<semaphore_mem>>
        %dma_start3A = tpu.memref_slice %arg2[%multiple_of3A_721] : memref<4194304xf32, #tpu.memory_space<hbm>> -> memref<8192xf32, #tpu.memory_space<hbm>>
        %dma_start3A_733 = tpu.memref_slice %arg2[%multiple_of3A_721] : memref<4194304xf32, #tpu.memory_space<hbm>> -> memref<8192xf32, #tpu.memory_space<hbm>>
        tpu.enqueue_dma source(%dma_start3A_733 : memref<8192xf32, #tpu.memory_space<hbm>>) target(%arg6 : memref<8192xf32, #tpu.memory_space<vmem>>) target_semaphore(%run_scoped3A : memref<!tpu.dma_semaphore, #tpu.memory_space<semaphore_mem>>)
        %dma_wait3A = tpu.memref_slice %arg2[%multiple_of3A_721] : memref<4194304xf32, #tpu.memory_space<hbm>> -> memref<8192xf32, #tpu.memory_space<hbm>>
        %dma_wait3A_734 = tpu.memref_slice %arg2[%multiple_of3A_721] : memref<4194304xf32, #tpu.memory_space<hbm>> -> memref<8192xf32, #tpu.memory_space<hbm>>
        tpu.wait_dma2 semaphore(%run_scoped3A : memref<!tpu.dma_semaphore, #tpu.memory_space<semaphore_mem>>) src(%dma_wait3A_734 : memref<8192xf32, #tpu.memory_space<hbm>>) dst(%arg6 : memref<8192xf32, #tpu.memory_space<vmem>>)
        tpu.yield
      }) : () -> ()
      %while3A = arith.constant 0 : i32
      %while3A_722 = arith.constant 0 : i32
      %while3A_723 = arith.subi %select_n3A_199, %while3A : i32
      %while3A_724 = arith.addi %while3A, %while3A_723 : i32
      %while3A_725 = arith.constant 1 : i32
      %while3A_726 = arith.divsi %while3A_723, %while3A_725 : i32
      %while3A_727 = arith.muli %while3A_726, %while3A_725 : i32
      %while3A_728 = arith.addi %while3A, %while3A_727 : i32
      %while3A_729 = arith.constant 1 : i32
      %while3A_730 = scf.for %while3A_733 = %while3A to %while3A_728 step %while3A_729 iter_args(%while3A_734 = %while3A_722) -> (i32)  : i32 {
        %mul3A_735 = arith.constant 16 : i32
        %mul3A_736 = arith.muli %while3A_733, %mul3A_735 : i32
        %add3A_737 = arith.addi %max3A_173, %mul3A_736 : i32
        %multiple_of3A_738 = tpu.assume_multiple %add3A_737, 16 : i32
        %get3A_739 = arith.index_cast %multiple_of3A_738 : i32 to index
        %get3A_740 = tpu.vector_load %arg7[%get3A_739] {strides = array<i32>} : memref<8192xf32, #tpu.memory_space<vmem>>, vector<16xf32>,
        %get3A_741 = vector.shape_cast %get3A_740 : vector<16xf32> to vector<16xf32>
        %mul3A_742 = arith.constant 16 : i32
        %mul3A_743 = arith.muli %while3A_733, %mul3A_742 : i32
        %get3A_744 = arith.index_cast %mul3A_743 : i32 to index
        %get3A_745 = tpu.vector_load %arg6[%get3A_744] {strides = array<i32>} : memref<8192xf32, #tpu.memory_space<vmem>>, vector<16xf32>,
        %get3A_746 = vector.shape_cast %get3A_745 : vector<16xf32> to vector<16xf32>
        %add3A_747 = arith.addf %get3A_741, %get3A_746 : vector<16xf32>
        %swap3A = arith.index_cast %multiple_of3A_738 : i32 to index
        %swap3A_748 = tpu.vector_load %arg7[%swap3A] {strides = array<i32>} : memref<8192xf32, #tpu.memory_space<vmem>>, vector<16xf32>,
        %swap3A_749 = vector.shape_cast %swap3A_748 : vector<16xf32> to vector<16xf32>
        %swap3A_750 = vector.shape_cast %add3A_747 : vector<16xf32> to vector<16xf32>
        tpu.vector_store %arg7[%swap3A], %swap3A_750 {strides = array<i32>} : memref<8192xf32, #tpu.memory_space<vmem>>, vector<16xf32>,
        %while3A_751 = arith.constant 0 : i32
        scf.yield %while3A_751 : i32
      }
      %while3A_731 = arith.constant 1 : i32
      %while3A_732 = scf.for %while3A_733 = %while3A_728 to %while3A_724 step %while3A_731 iter_args(%while3A_734 = %while3A_730) -> (i32)  : i32 {
        %mul3A_735 = arith.constant 16 : i32
        %mul3A_736 = arith.muli %while3A_733, %mul3A_735 : i32
        %add3A_737 = arith.addi %max3A_173, %mul3A_736 : i32
        %multiple_of3A_738 = tpu.assume_multiple %add3A_737, 16 : i32
        %get3A_739 = arith.index_cast %multiple_of3A_738 : i32 to index
        %get3A_740 = tpu.vector_load %arg7[%get3A_739] {strides = array<i32>} : memref<8192xf32, #tpu.memory_space<vmem>>, vector<16xf32>,
        %get3A_741 = vector.shape_cast %get3A_740 : vector<16xf32> to vector<16xf32>
        %mul3A_742 = arith.constant 16 : i32
        %mul3A_743 = arith.muli %while3A_733, %mul3A_742 : i32
        %get3A_744 = arith.index_cast %mul3A_743 : i32 to index
        %get3A_745 = tpu.vector_load %arg6[%get3A_744] {strides = array<i32>} : memref<8192xf32, #tpu.memory_space<vmem>>, vector<16xf32>,
        %get3A_746 = vector.shape_cast %get3A_745 : vector<16xf32> to vector<16xf32>
        %add3A_747 = arith.addf %get3A_741, %get3A_746 : vector<16xf32>
        %swap3A = arith.index_cast %multiple_of3A_738 : i32 to index
        %swap3A_748 = tpu.vector_load %arg7[%swap3A] {strides = array<i32>} : memref<8192xf32, #tpu.memory_space<vmem>>, vector<16xf32>,
        %swap3A_749 = vector.shape_cast %swap3A_748 : vector<16xf32> to vector<16xf32>
        %swap3A_750 = vector.shape_cast %add3A_747 : vector<16xf32> to vector<16xf32>
        tpu.vector_store %arg7[%swap3A], %swap3A_750 {strides = array<i32>} : memref<8192xf32, #tpu.memory_space<vmem>>, vector<16xf32>,
        %while3A_751 = arith.constant 0 : i32
        scf.yield %while3A_751 : i32
      }
    } else {
    }
    %slice3A_206 = vector.extract_strided_slice %get3A_36 {offsets = [4], sizes = [1], strides = [1]} : vector<16xi32> to vector<1xi32>
    %squeeze3A_207 = vector.extract %slice3A_206[0] : i32 from vector<1xi32>
    %mul3A_208 = arith.constant 256 : i32
    %mul3A_209 = arith.muli %squeeze3A_207, %mul3A_208 : i32
    %sub3A_210 = arith.subi %mul3A_32, %mul3A_209 : i32
    %max3A_211 = arith.constant 0 : i32
    %max3A_212 = arith.maxsi %max3A_211, %sub3A_210 : i32
    %sub3A_213 = arith.subi %mul3A_209, %mul3A_32 : i32
    %max3A_214 = arith.constant 0 : i32
    %max3A_215 = arith.maxsi %max3A_214, %sub3A_213 : i32
    %sub3A_216 = arith.constant 8192 : i32
    %sub3A_217 = arith.subi %sub3A_216, %max3A_215 : i32
    %jit3A_218 = arith.constant 16 : i32
    %div3A_219 = arith.divsi %sub3A_217, %jit3A_218 : i32
    %sign3A_220 = arith.constant 0 : i32
    %sign3A_221 = arith.cmpi sgt, %sub3A_217, %sign3A_220 : i32
    %sign3A_222 = arith.extui %sign3A_221 : i1 to i32
    %sign3A_223 = arith.constant 0 : i32
    %sign3A_224 = arith.cmpi slt, %sub3A_217, %sign3A_223 : i32
    %sign3A_225 = arith.extui %sign3A_224 : i1 to i32
    %sign3A_226 = arith.subi %sign3A_222, %sign3A_225 : i32
    %sign3A_227 = arith.constant 0 : i32
    %sign3A_228 = arith.cmpi sgt, %jit3A_218, %sign3A_227 : i32
    %sign3A_229 = arith.extui %sign3A_228 : i1 to i32
    %sign3A_230 = arith.constant 0 : i32
    %sign3A_231 = arith.cmpi slt, %jit3A_218, %sign3A_230 : i32
    %sign3A_232 = arith.extui %sign3A_231 : i1 to i32
    %sign3A_233 = arith.subi %sign3A_229, %sign3A_232 : i32
    %ne3A_234 = arith.cmpi ne, %sign3A_226, %sign3A_233 : i32
    %rem3A_235 = arith.remsi %sub3A_217, %jit3A_218 : i32
    %ne3A_236 = arith.constant 0 : i32
    %ne3A_237 = arith.cmpi ne, %rem3A_235, %ne3A_236 : i32
    %and3A_238 = arith.andi %ne3A_234, %ne3A_237 : i1
    %sub3A_239 = arith.constant 1 : i32
    %sub3A_240 = arith.subi %div3A_219, %sub3A_239 : i32
    %select_n3A_241 = arith.select %and3A_238, %sub3A_240, %div3A_219 : i32
    %add3A_242 = arith.constant 8192 : i32
    %add3A_243 = arith.addi %mul3A_32, %add3A_242 : i32
    %lt3A_244 = arith.cmpi slt, %mul3A_209, %add3A_243 : i32
    %convert_element_type3A_245 = arith.extui %lt3A_244 : i1 to i32
    %cond3A_246 = arith.constant 0 : i32
    %cond3A_247 = arith.cmpi ne, %convert_element_type3A_245, %cond3A_246 : i32
    scf.if %cond3A_247 {
      %mul3A_714 = arith.constant 16 : i32
      %mul3A_715 = arith.muli %select_n3A, %mul3A_714 : i32
      %add3A_716 = arith.constant 4 : i32
      %add3A_717 = arith.addi %mul3A_715, %add3A_716 : i32
      %mul3A_718 = arith.constant 32768 : i32
      %mul3A_719 = arith.muli %add3A_717, %mul3A_718 : i32
      %add3A_720 = arith.addi %mul3A_719, %max3A_212 : i32
      %multiple_of3A_721 = tpu.assume_multiple %add3A_720, 256 : i32
      "tpu.region"() ({
        %run_scoped3A = tpu.sem_alloc : memref<!tpu.dma_semaphore, #tpu.memory_space<semaphore_mem>>
        %dma_start3A = tpu.memref_slice %arg2[%multiple_of3A_721] : memref<4194304xf32, #tpu.memory_space<hbm>> -> memref<8192xf32, #tpu.memory_space<hbm>>
        %dma_start3A_733 = tpu.memref_slice %arg2[%multiple_of3A_721] : memref<4194304xf32, #tpu.memory_space<hbm>> -> memref<8192xf32, #tpu.memory_space<hbm>>
        tpu.enqueue_dma source(%dma_start3A_733 : memref<8192xf32, #tpu.memory_space<hbm>>) target(%arg6 : memref<8192xf32, #tpu.memory_space<vmem>>) target_semaphore(%run_scoped3A : memref<!tpu.dma_semaphore, #tpu.memory_space<semaphore_mem>>)
        %dma_wait3A = tpu.memref_slice %arg2[%multiple_of3A_721] : memref<4194304xf32, #tpu.memory_space<hbm>> -> memref<8192xf32, #tpu.memory_space<hbm>>
        %dma_wait3A_734 = tpu.memref_slice %arg2[%multiple_of3A_721] : memref<4194304xf32, #tpu.memory_space<hbm>> -> memref<8192xf32, #tpu.memory_space<hbm>>
        tpu.wait_dma2 semaphore(%run_scoped3A : memref<!tpu.dma_semaphore, #tpu.memory_space<semaphore_mem>>) src(%dma_wait3A_734 : memref<8192xf32, #tpu.memory_space<hbm>>) dst(%arg6 : memref<8192xf32, #tpu.memory_space<vmem>>)
        tpu.yield
      }) : () -> ()
      %while3A = arith.constant 0 : i32
      %while3A_722 = arith.constant 0 : i32
      %while3A_723 = arith.subi %select_n3A_241, %while3A : i32
      %while3A_724 = arith.addi %while3A, %while3A_723 : i32
      %while3A_725 = arith.constant 1 : i32
      %while3A_726 = arith.divsi %while3A_723, %while3A_725 : i32
      %while3A_727 = arith.muli %while3A_726, %while3A_725 : i32
      %while3A_728 = arith.addi %while3A, %while3A_727 : i32
      %while3A_729 = arith.constant 1 : i32
      %while3A_730 = scf.for %while3A_733 = %while3A to %while3A_728 step %while3A_729 iter_args(%while3A_734 = %while3A_722) -> (i32)  : i32 {
        %mul3A_735 = arith.constant 16 : i32
        %mul3A_736 = arith.muli %while3A_733, %mul3A_735 : i32
        %add3A_737 = arith.addi %max3A_215, %mul3A_736 : i32
        %multiple_of3A_738 = tpu.assume_multiple %add3A_737, 16 : i32
        %get3A_739 = arith.index_cast %multiple_of3A_738 : i32 to index
        %get3A_740 = tpu.vector_load %arg7[%get3A_739] {strides = array<i32>} : memref<8192xf32, #tpu.memory_space<vmem>>, vector<16xf32>,
        %get3A_741 = vector.shape_cast %get3A_740 : vector<16xf32> to vector<16xf32>
        %mul3A_742 = arith.constant 16 : i32
        %mul3A_743 = arith.muli %while3A_733, %mul3A_742 : i32
        %get3A_744 = arith.index_cast %mul3A_743 : i32 to index
        %get3A_745 = tpu.vector_load %arg6[%get3A_744] {strides = array<i32>} : memref<8192xf32, #tpu.memory_space<vmem>>, vector<16xf32>,
        %get3A_746 = vector.shape_cast %get3A_745 : vector<16xf32> to vector<16xf32>
        %add3A_747 = arith.addf %get3A_741, %get3A_746 : vector<16xf32>
        %swap3A = arith.index_cast %multiple_of3A_738 : i32 to index
        %swap3A_748 = tpu.vector_load %arg7[%swap3A] {strides = array<i32>} : memref<8192xf32, #tpu.memory_space<vmem>>, vector<16xf32>,
        %swap3A_749 = vector.shape_cast %swap3A_748 : vector<16xf32> to vector<16xf32>
        %swap3A_750 = vector.shape_cast %add3A_747 : vector<16xf32> to vector<16xf32>
        tpu.vector_store %arg7[%swap3A], %swap3A_750 {strides = array<i32>} : memref<8192xf32, #tpu.memory_space<vmem>>, vector<16xf32>,
        %while3A_751 = arith.constant 0 : i32
        scf.yield %while3A_751 : i32
      }
      %while3A_731 = arith.constant 1 : i32
      %while3A_732 = scf.for %while3A_733 = %while3A_728 to %while3A_724 step %while3A_731 iter_args(%while3A_734 = %while3A_730) -> (i32)  : i32 {
        %mul3A_735 = arith.constant 16 : i32
        %mul3A_736 = arith.muli %while3A_733, %mul3A_735 : i32
        %add3A_737 = arith.addi %max3A_215, %mul3A_736 : i32
        %multiple_of3A_738 = tpu.assume_multiple %add3A_737, 16 : i32
        %get3A_739 = arith.index_cast %multiple_of3A_738 : i32 to index
        %get3A_740 = tpu.vector_load %arg7[%get3A_739] {strides = array<i32>} : memref<8192xf32, #tpu.memory_space<vmem>>, vector<16xf32>,
        %get3A_741 = vector.shape_cast %get3A_740 : vector<16xf32> to vector<16xf32>
        %mul3A_742 = arith.constant 16 : i32
        %mul3A_743 = arith.muli %while3A_733, %mul3A_742 : i32
        %get3A_744 = arith.index_cast %mul3A_743 : i32 to index
        %get3A_745 = tpu.vector_load %arg6[%get3A_744] {strides = array<i32>} : memref<8192xf32, #tpu.memory_space<vmem>>, vector<16xf32>,
        %get3A_746 = vector.shape_cast %get3A_745 : vector<16xf32> to vector<16xf32>
        %add3A_747 = arith.addf %get3A_741, %get3A_746 : vector<16xf32>
        %swap3A = arith.index_cast %multiple_of3A_738 : i32 to index
        %swap3A_748 = tpu.vector_load %arg7[%swap3A] {strides = array<i32>} : memref<8192xf32, #tpu.memory_space<vmem>>, vector<16xf32>,
        %swap3A_749 = vector.shape_cast %swap3A_748 : vector<16xf32> to vector<16xf32>
        %swap3A_750 = vector.shape_cast %add3A_747 : vector<16xf32> to vector<16xf32>
        tpu.vector_store %arg7[%swap3A], %swap3A_750 {strides = array<i32>} : memref<8192xf32, #tpu.memory_space<vmem>>, vector<16xf32>,
        %while3A_751 = arith.constant 0 : i32
        scf.yield %while3A_751 : i32
      }
    } else {
    }
    %slice3A_248 = vector.extract_strided_slice %get3A_36 {offsets = [5], sizes = [1], strides = [1]} : vector<16xi32> to vector<1xi32>
    %squeeze3A_249 = vector.extract %slice3A_248[0] : i32 from vector<1xi32>
    %mul3A_250 = arith.constant 256 : i32
    %mul3A_251 = arith.muli %squeeze3A_249, %mul3A_250 : i32
    %sub3A_252 = arith.subi %mul3A_32, %mul3A_251 : i32
    %max3A_253 = arith.constant 0 : i32
    %max3A_254 = arith.maxsi %max3A_253, %sub3A_252 : i32
    %sub3A_255 = arith.subi %mul3A_251, %mul3A_32 : i32
    %max3A_256 = arith.constant 0 : i32
    %max3A_257 = arith.maxsi %max3A_256, %sub3A_255 : i32
    %sub3A_258 = arith.constant 8192 : i32
    %sub3A_259 = arith.subi %sub3A_258, %max3A_257 : i32
    %jit3A_260 = arith.constant 16 : i32
    %div3A_261 = arith.divsi %sub3A_259, %jit3A_260 : i32
    %sign3A_262 = arith.constant 0 : i32
    %sign3A_263 = arith.cmpi sgt, %sub3A_259, %sign3A_262 : i32
    %sign3A_264 = arith.extui %sign3A_263 : i1 to i32
    %sign3A_265 = arith.constant 0 : i32
    %sign3A_266 = arith.cmpi slt, %sub3A_259, %sign3A_265 : i32
    %sign3A_267 = arith.extui %sign3A_266 : i1 to i32
    %sign3A_268 = arith.subi %sign3A_264, %sign3A_267 : i32
    %sign3A_269 = arith.constant 0 : i32
    %sign3A_270 = arith.cmpi sgt, %jit3A_260, %sign3A_269 : i32
    %sign3A_271 = arith.extui %sign3A_270 : i1 to i32
    %sign3A_272 = arith.constant 0 : i32
    %sign3A_273 = arith.cmpi slt, %jit3A_260, %sign3A_272 : i32
    %sign3A_274 = arith.extui %sign3A_273 : i1 to i32
    %sign3A_275 = arith.subi %sign3A_271, %sign3A_274 : i32
    %ne3A_276 = arith.cmpi ne, %sign3A_268, %sign3A_275 : i32
    %rem3A_277 = arith.remsi %sub3A_259, %jit3A_260 : i32
    %ne3A_278 = arith.constant 0 : i32
    %ne3A_279 = arith.cmpi ne, %rem3A_277, %ne3A_278 : i32
    %and3A_280 = arith.andi %ne3A_276, %ne3A_279 : i1
    %sub3A_281 = arith.constant 1 : i32
    %sub3A_282 = arith.subi %div3A_261, %sub3A_281 : i32
    %select_n3A_283 = arith.select %and3A_280, %sub3A_282, %div3A_261 : i32
    %add3A_284 = arith.constant 8192 : i32
    %add3A_285 = arith.addi %mul3A_32, %add3A_284 : i32
    %lt3A_286 = arith.cmpi slt, %mul3A_251, %add3A_285 : i32
    %convert_element_type3A_287 = arith.extui %lt3A_286 : i1 to i32
    %cond3A_288 = arith.constant 0 : i32
    %cond3A_289 = arith.cmpi ne, %convert_element_type3A_287, %cond3A_288 : i32
    scf.if %cond3A_289 {
      %mul3A_714 = arith.constant 16 : i32
      %mul3A_715 = arith.muli %select_n3A, %mul3A_714 : i32
      %add3A_716 = arith.constant 5 : i32
      %add3A_717 = arith.addi %mul3A_715, %add3A_716 : i32
      %mul3A_718 = arith.constant 32768 : i32
      %mul3A_719 = arith.muli %add3A_717, %mul3A_718 : i32
      %add3A_720 = arith.addi %mul3A_719, %max3A_254 : i32
      %multiple_of3A_721 = tpu.assume_multiple %add3A_720, 256 : i32
      "tpu.region"() ({
        %run_scoped3A = tpu.sem_alloc : memref<!tpu.dma_semaphore, #tpu.memory_space<semaphore_mem>>
        %dma_start3A = tpu.memref_slice %arg2[%multiple_of3A_721] : memref<4194304xf32, #tpu.memory_space<hbm>> -> memref<8192xf32, #tpu.memory_space<hbm>>
        %dma_start3A_733 = tpu.memref_slice %arg2[%multiple_of3A_721] : memref<4194304xf32, #tpu.memory_space<hbm>> -> memref<8192xf32, #tpu.memory_space<hbm>>
        tpu.enqueue_dma source(%dma_start3A_733 : memref<8192xf32, #tpu.memory_space<hbm>>) target(%arg6 : memref<8192xf32, #tpu.memory_space<vmem>>) target_semaphore(%run_scoped3A : memref<!tpu.dma_semaphore, #tpu.memory_space<semaphore_mem>>)
        %dma_wait3A = tpu.memref_slice %arg2[%multiple_of3A_721] : memref<4194304xf32, #tpu.memory_space<hbm>> -> memref<8192xf32, #tpu.memory_space<hbm>>
        %dma_wait3A_734 = tpu.memref_slice %arg2[%multiple_of3A_721] : memref<4194304xf32, #tpu.memory_space<hbm>> -> memref<8192xf32, #tpu.memory_space<hbm>>
        tpu.wait_dma2 semaphore(%run_scoped3A : memref<!tpu.dma_semaphore, #tpu.memory_space<semaphore_mem>>) src(%dma_wait3A_734 : memref<8192xf32, #tpu.memory_space<hbm>>) dst(%arg6 : memref<8192xf32, #tpu.memory_space<vmem>>)
        tpu.yield
      }) : () -> ()
      %while3A = arith.constant 0 : i32
      %while3A_722 = arith.constant 0 : i32
      %while3A_723 = arith.subi %select_n3A_283, %while3A : i32
      %while3A_724 = arith.addi %while3A, %while3A_723 : i32
      %while3A_725 = arith.constant 1 : i32
      %while3A_726 = arith.divsi %while3A_723, %while3A_725 : i32
      %while3A_727 = arith.muli %while3A_726, %while3A_725 : i32
      %while3A_728 = arith.addi %while3A, %while3A_727 : i32
      %while3A_729 = arith.constant 1 : i32
      %while3A_730 = scf.for %while3A_733 = %while3A to %while3A_728 step %while3A_729 iter_args(%while3A_734 = %while3A_722) -> (i32)  : i32 {
        %mul3A_735 = arith.constant 16 : i32
        %mul3A_736 = arith.muli %while3A_733, %mul3A_735 : i32
        %add3A_737 = arith.addi %max3A_257, %mul3A_736 : i32
        %multiple_of3A_738 = tpu.assume_multiple %add3A_737, 16 : i32
        %get3A_739 = arith.index_cast %multiple_of3A_738 : i32 to index
        %get3A_740 = tpu.vector_load %arg7[%get3A_739] {strides = array<i32>} : memref<8192xf32, #tpu.memory_space<vmem>>, vector<16xf32>,
        %get3A_741 = vector.shape_cast %get3A_740 : vector<16xf32> to vector<16xf32>
        %mul3A_742 = arith.constant 16 : i32
        %mul3A_743 = arith.muli %while3A_733, %mul3A_742 : i32
        %get3A_744 = arith.index_cast %mul3A_743 : i32 to index
        %get3A_745 = tpu.vector_load %arg6[%get3A_744] {strides = array<i32>} : memref<8192xf32, #tpu.memory_space<vmem>>, vector<16xf32>,
        %get3A_746 = vector.shape_cast %get3A_745 : vector<16xf32> to vector<16xf32>
        %add3A_747 = arith.addf %get3A_741, %get3A_746 : vector<16xf32>
        %swap3A = arith.index_cast %multiple_of3A_738 : i32 to index
        %swap3A_748 = tpu.vector_load %arg7[%swap3A] {strides = array<i32>} : memref<8192xf32, #tpu.memory_space<vmem>>, vector<16xf32>,
        %swap3A_749 = vector.shape_cast %swap3A_748 : vector<16xf32> to vector<16xf32>
        %swap3A_750 = vector.shape_cast %add3A_747 : vector<16xf32> to vector<16xf32>
        tpu.vector_store %arg7[%swap3A], %swap3A_750 {strides = array<i32>} : memref<8192xf32, #tpu.memory_space<vmem>>, vector<16xf32>,
        %while3A_751 = arith.constant 0 : i32
        scf.yield %while3A_751 : i32
      }
      %while3A_731 = arith.constant 1 : i32
      %while3A_732 = scf.for %while3A_733 = %while3A_728 to %while3A_724 step %while3A_731 iter_args(%while3A_734 = %while3A_730) -> (i32)  : i32 {
        %mul3A_735 = arith.constant 16 : i32
        %mul3A_736 = arith.muli %while3A_733, %mul3A_735 : i32
        %add3A_737 = arith.addi %max3A_257, %mul3A_736 : i32
        %multiple_of3A_738 = tpu.assume_multiple %add3A_737, 16 : i32
        %get3A_739 = arith.index_cast %multiple_of3A_738 : i32 to index
        %get3A_740 = tpu.vector_load %arg7[%get3A_739] {strides = array<i32>} : memref<8192xf32, #tpu.memory_space<vmem>>, vector<16xf32>,
        %get3A_741 = vector.shape_cast %get3A_740 : vector<16xf32> to vector<16xf32>
        %mul3A_742 = arith.constant 16 : i32
        %mul3A_743 = arith.muli %while3A_733, %mul3A_742 : i32
        %get3A_744 = arith.index_cast %mul3A_743 : i32 to index
        %get3A_745 = tpu.vector_load %arg6[%get3A_744] {strides = array<i32>} : memref<8192xf32, #tpu.memory_space<vmem>>, vector<16xf32>,
        %get3A_746 = vector.shape_cast %get3A_745 : vector<16xf32> to vector<16xf32>
        %add3A_747 = arith.addf %get3A_741, %get3A_746 : vector<16xf32>
        %swap3A = arith.index_cast %multiple_of3A_738 : i32 to index
        %swap3A_748 = tpu.vector_load %arg7[%swap3A] {strides = array<i32>} : memref<8192xf32, #tpu.memory_space<vmem>>, vector<16xf32>,
        %swap3A_749 = vector.shape_cast %swap3A_748 : vector<16xf32> to vector<16xf32>
        %swap3A_750 = vector.shape_cast %add3A_747 : vector<16xf32> to vector<16xf32>
        tpu.vector_store %arg7[%swap3A], %swap3A_750 {strides = array<i32>} : memref<8192xf32, #tpu.memory_space<vmem>>, vector<16xf32>,
        %while3A_751 = arith.constant 0 : i32
        scf.yield %while3A_751 : i32
      }
    } else {
    }
    %slice3A_290 = vector.extract_strided_slice %get3A_36 {offsets = [6], sizes = [1], strides = [1]} : vector<16xi32> to vector<1xi32>
    %squeeze3A_291 = vector.extract %slice3A_290[0] : i32 from vector<1xi32>
    %mul3A_292 = arith.constant 256 : i32
    %mul3A_293 = arith.muli %squeeze3A_291, %mul3A_292 : i32
    %sub3A_294 = arith.subi %mul3A_32, %mul3A_293 : i32
    %max3A_295 = arith.constant 0 : i32
    %max3A_296 = arith.maxsi %max3A_295, %sub3A_294 : i32
    %sub3A_297 = arith.subi %mul3A_293, %mul3A_32 : i32
    %max3A_298 = arith.constant 0 : i32
    %max3A_299 = arith.maxsi %max3A_298, %sub3A_297 : i32
    %sub3A_300 = arith.constant 8192 : i32
    %sub3A_301 = arith.subi %sub3A_300, %max3A_299 : i32
    %jit3A_302 = arith.constant 16 : i32
    %div3A_303 = arith.divsi %sub3A_301, %jit3A_302 : i32
    %sign3A_304 = arith.constant 0 : i32
    %sign3A_305 = arith.cmpi sgt, %sub3A_301, %sign3A_304 : i32
    %sign3A_306 = arith.extui %sign3A_305 : i1 to i32
    %sign3A_307 = arith.constant 0 : i32
    %sign3A_308 = arith.cmpi slt, %sub3A_301, %sign3A_307 : i32
    %sign3A_309 = arith.extui %sign3A_308 : i1 to i32
    %sign3A_310 = arith.subi %sign3A_306, %sign3A_309 : i32
    %sign3A_311 = arith.constant 0 : i32
    %sign3A_312 = arith.cmpi sgt, %jit3A_302, %sign3A_311 : i32
    %sign3A_313 = arith.extui %sign3A_312 : i1 to i32
    %sign3A_314 = arith.constant 0 : i32
    %sign3A_315 = arith.cmpi slt, %jit3A_302, %sign3A_314 : i32
    %sign3A_316 = arith.extui %sign3A_315 : i1 to i32
    %sign3A_317 = arith.subi %sign3A_313, %sign3A_316 : i32
    %ne3A_318 = arith.cmpi ne, %sign3A_310, %sign3A_317 : i32
    %rem3A_319 = arith.remsi %sub3A_301, %jit3A_302 : i32
    %ne3A_320 = arith.constant 0 : i32
    %ne3A_321 = arith.cmpi ne, %rem3A_319, %ne3A_320 : i32
    %and3A_322 = arith.andi %ne3A_318, %ne3A_321 : i1
    %sub3A_323 = arith.constant 1 : i32
    %sub3A_324 = arith.subi %div3A_303, %sub3A_323 : i32
    %select_n3A_325 = arith.select %and3A_322, %sub3A_324, %div3A_303 : i32
    %add3A_326 = arith.constant 8192 : i32
    %add3A_327 = arith.addi %mul3A_32, %add3A_326 : i32
    %lt3A_328 = arith.cmpi slt, %mul3A_293, %add3A_327 : i32
    %convert_element_type3A_329 = arith.extui %lt3A_328 : i1 to i32
    %cond3A_330 = arith.constant 0 : i32
    %cond3A_331 = arith.cmpi ne, %convert_element_type3A_329, %cond3A_330 : i32
    scf.if %cond3A_331 {
      %mul3A_714 = arith.constant 16 : i32
      %mul3A_715 = arith.muli %select_n3A, %mul3A_714 : i32
      %add3A_716 = arith.constant 6 : i32
      %add3A_717 = arith.addi %mul3A_715, %add3A_716 : i32
      %mul3A_718 = arith.constant 32768 : i32
      %mul3A_719 = arith.muli %add3A_717, %mul3A_718 : i32
      %add3A_720 = arith.addi %mul3A_719, %max3A_296 : i32
      %multiple_of3A_721 = tpu.assume_multiple %add3A_720, 256 : i32
      "tpu.region"() ({
        %run_scoped3A = tpu.sem_alloc : memref<!tpu.dma_semaphore, #tpu.memory_space<semaphore_mem>>
        %dma_start3A = tpu.memref_slice %arg2[%multiple_of3A_721] : memref<4194304xf32, #tpu.memory_space<hbm>> -> memref<8192xf32, #tpu.memory_space<hbm>>
        %dma_start3A_733 = tpu.memref_slice %arg2[%multiple_of3A_721] : memref<4194304xf32, #tpu.memory_space<hbm>> -> memref<8192xf32, #tpu.memory_space<hbm>>
        tpu.enqueue_dma source(%dma_start3A_733 : memref<8192xf32, #tpu.memory_space<hbm>>) target(%arg6 : memref<8192xf32, #tpu.memory_space<vmem>>) target_semaphore(%run_scoped3A : memref<!tpu.dma_semaphore, #tpu.memory_space<semaphore_mem>>)
        %dma_wait3A = tpu.memref_slice %arg2[%multiple_of3A_721] : memref<4194304xf32, #tpu.memory_space<hbm>> -> memref<8192xf32, #tpu.memory_space<hbm>>
        %dma_wait3A_734 = tpu.memref_slice %arg2[%multiple_of3A_721] : memref<4194304xf32, #tpu.memory_space<hbm>> -> memref<8192xf32, #tpu.memory_space<hbm>>
        tpu.wait_dma2 semaphore(%run_scoped3A : memref<!tpu.dma_semaphore, #tpu.memory_space<semaphore_mem>>) src(%dma_wait3A_734 : memref<8192xf32, #tpu.memory_space<hbm>>) dst(%arg6 : memref<8192xf32, #tpu.memory_space<vmem>>)
        tpu.yield
      }) : () -> ()
      %while3A = arith.constant 0 : i32
      %while3A_722 = arith.constant 0 : i32
      %while3A_723 = arith.subi %select_n3A_325, %while3A : i32
      %while3A_724 = arith.addi %while3A, %while3A_723 : i32
      %while3A_725 = arith.constant 1 : i32
      %while3A_726 = arith.divsi %while3A_723, %while3A_725 : i32
      %while3A_727 = arith.muli %while3A_726, %while3A_725 : i32
      %while3A_728 = arith.addi %while3A, %while3A_727 : i32
      %while3A_729 = arith.constant 1 : i32
      %while3A_730 = scf.for %while3A_733 = %while3A to %while3A_728 step %while3A_729 iter_args(%while3A_734 = %while3A_722) -> (i32)  : i32 {
        %mul3A_735 = arith.constant 16 : i32
        %mul3A_736 = arith.muli %while3A_733, %mul3A_735 : i32
        %add3A_737 = arith.addi %max3A_299, %mul3A_736 : i32
        %multiple_of3A_738 = tpu.assume_multiple %add3A_737, 16 : i32
        %get3A_739 = arith.index_cast %multiple_of3A_738 : i32 to index
        %get3A_740 = tpu.vector_load %arg7[%get3A_739] {strides = array<i32>} : memref<8192xf32, #tpu.memory_space<vmem>>, vector<16xf32>,
        %get3A_741 = vector.shape_cast %get3A_740 : vector<16xf32> to vector<16xf32>
        %mul3A_742 = arith.constant 16 : i32
        %mul3A_743 = arith.muli %while3A_733, %mul3A_742 : i32
        %get3A_744 = arith.index_cast %mul3A_743 : i32 to index
        %get3A_745 = tpu.vector_load %arg6[%get3A_744] {strides = array<i32>} : memref<8192xf32, #tpu.memory_space<vmem>>, vector<16xf32>,
        %get3A_746 = vector.shape_cast %get3A_745 : vector<16xf32> to vector<16xf32>
        %add3A_747 = arith.addf %get3A_741, %get3A_746 : vector<16xf32>
        %swap3A = arith.index_cast %multiple_of3A_738 : i32 to index
        %swap3A_748 = tpu.vector_load %arg7[%swap3A] {strides = array<i32>} : memref<8192xf32, #tpu.memory_space<vmem>>, vector<16xf32>,
        %swap3A_749 = vector.shape_cast %swap3A_748 : vector<16xf32> to vector<16xf32>
        %swap3A_750 = vector.shape_cast %add3A_747 : vector<16xf32> to vector<16xf32>
        tpu.vector_store %arg7[%swap3A], %swap3A_750 {strides = array<i32>} : memref<8192xf32, #tpu.memory_space<vmem>>, vector<16xf32>,
        %while3A_751 = arith.constant 0 : i32
        scf.yield %while3A_751 : i32
      }
      %while3A_731 = arith.constant 1 : i32
      %while3A_732 = scf.for %while3A_733 = %while3A_728 to %while3A_724 step %while3A_731 iter_args(%while3A_734 = %while3A_730) -> (i32)  : i32 {
        %mul3A_735 = arith.constant 16 : i32
        %mul3A_736 = arith.muli %while3A_733, %mul3A_735 : i32
        %add3A_737 = arith.addi %max3A_299, %mul3A_736 : i32
        %multiple_of3A_738 = tpu.assume_multiple %add3A_737, 16 : i32
        %get3A_739 = arith.index_cast %multiple_of3A_738 : i32 to index
        %get3A_740 = tpu.vector_load %arg7[%get3A_739] {strides = array<i32>} : memref<8192xf32, #tpu.memory_space<vmem>>, vector<16xf32>,
        %get3A_741 = vector.shape_cast %get3A_740 : vector<16xf32> to vector<16xf32>
        %mul3A_742 = arith.constant 16 : i32
        %mul3A_743 = arith.muli %while3A_733, %mul3A_742 : i32
        %get3A_744 = arith.index_cast %mul3A_743 : i32 to index
        %get3A_745 = tpu.vector_load %arg6[%get3A_744] {strides = array<i32>} : memref<8192xf32, #tpu.memory_space<vmem>>, vector<16xf32>,
        %get3A_746 = vector.shape_cast %get3A_745 : vector<16xf32> to vector<16xf32>
        %add3A_747 = arith.addf %get3A_741, %get3A_746 : vector<16xf32>
        %swap3A = arith.index_cast %multiple_of3A_738 : i32 to index
        %swap3A_748 = tpu.vector_load %arg7[%swap3A] {strides = array<i32>} : memref<8192xf32, #tpu.memory_space<vmem>>, vector<16xf32>,
        %swap3A_749 = vector.shape_cast %swap3A_748 : vector<16xf32> to vector<16xf32>
        %swap3A_750 = vector.shape_cast %add3A_747 : vector<16xf32> to vector<16xf32>
        tpu.vector_store %arg7[%swap3A], %swap3A_750 {strides = array<i32>} : memref<8192xf32, #tpu.memory_space<vmem>>, vector<16xf32>,
        %while3A_751 = arith.constant 0 : i32
        scf.yield %while3A_751 : i32
      }
    } else {
    }
    %slice3A_332 = vector.extract_strided_slice %get3A_36 {offsets = [7], sizes = [1], strides = [1]} : vector<16xi32> to vector<1xi32>
    %squeeze3A_333 = vector.extract %slice3A_332[0] : i32 from vector<1xi32>
    %mul3A_334 = arith.constant 256 : i32
    %mul3A_335 = arith.muli %squeeze3A_333, %mul3A_334 : i32
    %sub3A_336 = arith.subi %mul3A_32, %mul3A_335 : i32
    %max3A_337 = arith.constant 0 : i32
    %max3A_338 = arith.maxsi %max3A_337, %sub3A_336 : i32
    %sub3A_339 = arith.subi %mul3A_335, %mul3A_32 : i32
    %max3A_340 = arith.constant 0 : i32
    %max3A_341 = arith.maxsi %max3A_340, %sub3A_339 : i32
    %sub3A_342 = arith.constant 8192 : i32
    %sub3A_343 = arith.subi %sub3A_342, %max3A_341 : i32
    %jit3A_344 = arith.constant 16 : i32
    %div3A_345 = arith.divsi %sub3A_343, %jit3A_344 : i32
    %sign3A_346 = arith.constant 0 : i32
    %sign3A_347 = arith.cmpi sgt, %sub3A_343, %sign3A_346 : i32
    %sign3A_348 = arith.extui %sign3A_347 : i1 to i32
    %sign3A_349 = arith.constant 0 : i32
    %sign3A_350 = arith.cmpi slt, %sub3A_343, %sign3A_349 : i32
    %sign3A_351 = arith.extui %sign3A_350 : i1 to i32
    %sign3A_352 = arith.subi %sign3A_348, %sign3A_351 : i32
    %sign3A_353 = arith.constant 0 : i32
    %sign3A_354 = arith.cmpi sgt, %jit3A_344, %sign3A_353 : i32
    %sign3A_355 = arith.extui %sign3A_354 : i1 to i32
    %sign3A_356 = arith.constant 0 : i32
    %sign3A_357 = arith.cmpi slt, %jit3A_344, %sign3A_356 : i32
    %sign3A_358 = arith.extui %sign3A_357 : i1 to i32
    %sign3A_359 = arith.subi %sign3A_355, %sign3A_358 : i32
    %ne3A_360 = arith.cmpi ne, %sign3A_352, %sign3A_359 : i32
    %rem3A_361 = arith.remsi %sub3A_343, %jit3A_344 : i32
    %ne3A_362 = arith.constant 0 : i32
    %ne3A_363 = arith.cmpi ne, %rem3A_361, %ne3A_362 : i32
    %and3A_364 = arith.andi %ne3A_360, %ne3A_363 : i1
    %sub3A_365 = arith.constant 1 : i32
    %sub3A_366 = arith.subi %div3A_345, %sub3A_365 : i32
    %select_n3A_367 = arith.select %and3A_364, %sub3A_366, %div3A_345 : i32
    %add3A_368 = arith.constant 8192 : i32
    %add3A_369 = arith.addi %mul3A_32, %add3A_368 : i32
    %lt3A_370 = arith.cmpi slt, %mul3A_335, %add3A_369 : i32
    %convert_element_type3A_371 = arith.extui %lt3A_370 : i1 to i32
    %cond3A_372 = arith.constant 0 : i32
    %cond3A_373 = arith.cmpi ne, %convert_element_type3A_371, %cond3A_372 : i32
    scf.if %cond3A_373 {
      %mul3A_714 = arith.constant 16 : i32
      %mul3A_715 = arith.muli %select_n3A, %mul3A_714 : i32
      %add3A_716 = arith.constant 7 : i32
      %add3A_717 = arith.addi %mul3A_715, %add3A_716 : i32
      %mul3A_718 = arith.constant 32768 : i32
      %mul3A_719 = arith.muli %add3A_717, %mul3A_718 : i32
      %add3A_720 = arith.addi %mul3A_719, %max3A_338 : i32
      %multiple_of3A_721 = tpu.assume_multiple %add3A_720, 256 : i32
      "tpu.region"() ({
        %run_scoped3A = tpu.sem_alloc : memref<!tpu.dma_semaphore, #tpu.memory_space<semaphore_mem>>
        %dma_start3A = tpu.memref_slice %arg2[%multiple_of3A_721] : memref<4194304xf32, #tpu.memory_space<hbm>> -> memref<8192xf32, #tpu.memory_space<hbm>>
        %dma_start3A_733 = tpu.memref_slice %arg2[%multiple_of3A_721] : memref<4194304xf32, #tpu.memory_space<hbm>> -> memref<8192xf32, #tpu.memory_space<hbm>>
        tpu.enqueue_dma source(%dma_start3A_733 : memref<8192xf32, #tpu.memory_space<hbm>>) target(%arg6 : memref<8192xf32, #tpu.memory_space<vmem>>) target_semaphore(%run_scoped3A : memref<!tpu.dma_semaphore, #tpu.memory_space<semaphore_mem>>)
        %dma_wait3A = tpu.memref_slice %arg2[%multiple_of3A_721] : memref<4194304xf32, #tpu.memory_space<hbm>> -> memref<8192xf32, #tpu.memory_space<hbm>>
        %dma_wait3A_734 = tpu.memref_slice %arg2[%multiple_of3A_721] : memref<4194304xf32, #tpu.memory_space<hbm>> -> memref<8192xf32, #tpu.memory_space<hbm>>
        tpu.wait_dma2 semaphore(%run_scoped3A : memref<!tpu.dma_semaphore, #tpu.memory_space<semaphore_mem>>) src(%dma_wait3A_734 : memref<8192xf32, #tpu.memory_space<hbm>>) dst(%arg6 : memref<8192xf32, #tpu.memory_space<vmem>>)
        tpu.yield
      }) : () -> ()
      %while3A = arith.constant 0 : i32
      %while3A_722 = arith.constant 0 : i32
      %while3A_723 = arith.subi %select_n3A_367, %while3A : i32
      %while3A_724 = arith.addi %while3A, %while3A_723 : i32
      %while3A_725 = arith.constant 1 : i32
      %while3A_726 = arith.divsi %while3A_723, %while3A_725 : i32
      %while3A_727 = arith.muli %while3A_726, %while3A_725 : i32
      %while3A_728 = arith.addi %while3A, %while3A_727 : i32
      %while3A_729 = arith.constant 1 : i32
      %while3A_730 = scf.for %while3A_733 = %while3A to %while3A_728 step %while3A_729 iter_args(%while3A_734 = %while3A_722) -> (i32)  : i32 {
        %mul3A_735 = arith.constant 16 : i32
        %mul3A_736 = arith.muli %while3A_733, %mul3A_735 : i32
        %add3A_737 = arith.addi %max3A_341, %mul3A_736 : i32
        %multiple_of3A_738 = tpu.assume_multiple %add3A_737, 16 : i32
        %get3A_739 = arith.index_cast %multiple_of3A_738 : i32 to index
        %get3A_740 = tpu.vector_load %arg7[%get3A_739] {strides = array<i32>} : memref<8192xf32, #tpu.memory_space<vmem>>, vector<16xf32>,
        %get3A_741 = vector.shape_cast %get3A_740 : vector<16xf32> to vector<16xf32>
        %mul3A_742 = arith.constant 16 : i32
        %mul3A_743 = arith.muli %while3A_733, %mul3A_742 : i32
        %get3A_744 = arith.index_cast %mul3A_743 : i32 to index
        %get3A_745 = tpu.vector_load %arg6[%get3A_744] {strides = array<i32>} : memref<8192xf32, #tpu.memory_space<vmem>>, vector<16xf32>,
        %get3A_746 = vector.shape_cast %get3A_745 : vector<16xf32> to vector<16xf32>
        %add3A_747 = arith.addf %get3A_741, %get3A_746 : vector<16xf32>
        %swap3A = arith.index_cast %multiple_of3A_738 : i32 to index
        %swap3A_748 = tpu.vector_load %arg7[%swap3A] {strides = array<i32>} : memref<8192xf32, #tpu.memory_space<vmem>>, vector<16xf32>,
        %swap3A_749 = vector.shape_cast %swap3A_748 : vector<16xf32> to vector<16xf32>
        %swap3A_750 = vector.shape_cast %add3A_747 : vector<16xf32> to vector<16xf32>
        tpu.vector_store %arg7[%swap3A], %swap3A_750 {strides = array<i32>} : memref<8192xf32, #tpu.memory_space<vmem>>, vector<16xf32>,
        %while3A_751 = arith.constant 0 : i32
        scf.yield %while3A_751 : i32
      }
      %while3A_731 = arith.constant 1 : i32
      %while3A_732 = scf.for %while3A_733 = %while3A_728 to %while3A_724 step %while3A_731 iter_args(%while3A_734 = %while3A_730) -> (i32)  : i32 {
        %mul3A_735 = arith.constant 16 : i32
        %mul3A_736 = arith.muli %while3A_733, %mul3A_735 : i32
        %add3A_737 = arith.addi %max3A_341, %mul3A_736 : i32
        %multiple_of3A_738 = tpu.assume_multiple %add3A_737, 16 : i32
        %get3A_739 = arith.index_cast %multiple_of3A_738 : i32 to index
        %get3A_740 = tpu.vector_load %arg7[%get3A_739] {strides = array<i32>} : memref<8192xf32, #tpu.memory_space<vmem>>, vector<16xf32>,
        %get3A_741 = vector.shape_cast %get3A_740 : vector<16xf32> to vector<16xf32>
        %mul3A_742 = arith.constant 16 : i32
        %mul3A_743 = arith.muli %while3A_733, %mul3A_742 : i32
        %get3A_744 = arith.index_cast %mul3A_743 : i32 to index
        %get3A_745 = tpu.vector_load %arg6[%get3A_744] {strides = array<i32>} : memref<8192xf32, #tpu.memory_space<vmem>>, vector<16xf32>,
        %get3A_746 = vector.shape_cast %get3A_745 : vector<16xf32> to vector<16xf32>
        %add3A_747 = arith.addf %get3A_741, %get3A_746 : vector<16xf32>
        %swap3A = arith.index_cast %multiple_of3A_738 : i32 to index
        %swap3A_748 = tpu.vector_load %arg7[%swap3A] {strides = array<i32>} : memref<8192xf32, #tpu.memory_space<vmem>>, vector<16xf32>,
        %swap3A_749 = vector.shape_cast %swap3A_748 : vector<16xf32> to vector<16xf32>
        %swap3A_750 = vector.shape_cast %add3A_747 : vector<16xf32> to vector<16xf32>
        tpu.vector_store %arg7[%swap3A], %swap3A_750 {strides = array<i32>} : memref<8192xf32, #tpu.memory_space<vmem>>, vector<16xf32>,
        %while3A_751 = arith.constant 0 : i32
        scf.yield %while3A_751 : i32
      }
    } else {
    }
    %slice3A_374 = vector.extract_strided_slice %get3A_36 {offsets = [8], sizes = [1], strides = [1]} : vector<16xi32> to vector<1xi32>
    %squeeze3A_375 = vector.extract %slice3A_374[0] : i32 from vector<1xi32>
    %mul3A_376 = arith.constant 256 : i32
    %mul3A_377 = arith.muli %squeeze3A_375, %mul3A_376 : i32
    %sub3A_378 = arith.subi %mul3A_32, %mul3A_377 : i32
    %max3A_379 = arith.constant 0 : i32
    %max3A_380 = arith.maxsi %max3A_379, %sub3A_378 : i32
    %sub3A_381 = arith.subi %mul3A_377, %mul3A_32 : i32
    %max3A_382 = arith.constant 0 : i32
    %max3A_383 = arith.maxsi %max3A_382, %sub3A_381 : i32
    %sub3A_384 = arith.constant 8192 : i32
    %sub3A_385 = arith.subi %sub3A_384, %max3A_383 : i32
    %jit3A_386 = arith.constant 16 : i32
    %div3A_387 = arith.divsi %sub3A_385, %jit3A_386 : i32
    %sign3A_388 = arith.constant 0 : i32
    %sign3A_389 = arith.cmpi sgt, %sub3A_385, %sign3A_388 : i32
    %sign3A_390 = arith.extui %sign3A_389 : i1 to i32
    %sign3A_391 = arith.constant 0 : i32
    %sign3A_392 = arith.cmpi slt, %sub3A_385, %sign3A_391 : i32
    %sign3A_393 = arith.extui %sign3A_392 : i1 to i32
    %sign3A_394 = arith.subi %sign3A_390, %sign3A_393 : i32
    %sign3A_395 = arith.constant 0 : i32
    %sign3A_396 = arith.cmpi sgt, %jit3A_386, %sign3A_395 : i32
    %sign3A_397 = arith.extui %sign3A_396 : i1 to i32
    %sign3A_398 = arith.constant 0 : i32
    %sign3A_399 = arith.cmpi slt, %jit3A_386, %sign3A_398 : i32
    %sign3A_400 = arith.extui %sign3A_399 : i1 to i32
    %sign3A_401 = arith.subi %sign3A_397, %sign3A_400 : i32
    %ne3A_402 = arith.cmpi ne, %sign3A_394, %sign3A_401 : i32
    %rem3A_403 = arith.remsi %sub3A_385, %jit3A_386 : i32
    %ne3A_404 = arith.constant 0 : i32
    %ne3A_405 = arith.cmpi ne, %rem3A_403, %ne3A_404 : i32
    %and3A_406 = arith.andi %ne3A_402, %ne3A_405 : i1
    %sub3A_407 = arith.constant 1 : i32
    %sub3A_408 = arith.subi %div3A_387, %sub3A_407 : i32
    %select_n3A_409 = arith.select %and3A_406, %sub3A_408, %div3A_387 : i32
    %add3A_410 = arith.constant 8192 : i32
    %add3A_411 = arith.addi %mul3A_32, %add3A_410 : i32
    %lt3A_412 = arith.cmpi slt, %mul3A_377, %add3A_411 : i32
    %convert_element_type3A_413 = arith.extui %lt3A_412 : i1 to i32
    %cond3A_414 = arith.constant 0 : i32
    %cond3A_415 = arith.cmpi ne, %convert_element_type3A_413, %cond3A_414 : i32
    scf.if %cond3A_415 {
      %mul3A_714 = arith.constant 16 : i32
      %mul3A_715 = arith.muli %select_n3A, %mul3A_714 : i32
      %add3A_716 = arith.constant 8 : i32
      %add3A_717 = arith.addi %mul3A_715, %add3A_716 : i32
      %mul3A_718 = arith.constant 32768 : i32
      %mul3A_719 = arith.muli %add3A_717, %mul3A_718 : i32
      %add3A_720 = arith.addi %mul3A_719, %max3A_380 : i32
      %multiple_of3A_721 = tpu.assume_multiple %add3A_720, 256 : i32
      "tpu.region"() ({
        %run_scoped3A = tpu.sem_alloc : memref<!tpu.dma_semaphore, #tpu.memory_space<semaphore_mem>>
        %dma_start3A = tpu.memref_slice %arg2[%multiple_of3A_721] : memref<4194304xf32, #tpu.memory_space<hbm>> -> memref<8192xf32, #tpu.memory_space<hbm>>
        %dma_start3A_733 = tpu.memref_slice %arg2[%multiple_of3A_721] : memref<4194304xf32, #tpu.memory_space<hbm>> -> memref<8192xf32, #tpu.memory_space<hbm>>
        tpu.enqueue_dma source(%dma_start3A_733 : memref<8192xf32, #tpu.memory_space<hbm>>) target(%arg6 : memref<8192xf32, #tpu.memory_space<vmem>>) target_semaphore(%run_scoped3A : memref<!tpu.dma_semaphore, #tpu.memory_space<semaphore_mem>>)
        %dma_wait3A = tpu.memref_slice %arg2[%multiple_of3A_721] : memref<4194304xf32, #tpu.memory_space<hbm>> -> memref<8192xf32, #tpu.memory_space<hbm>>
        %dma_wait3A_734 = tpu.memref_slice %arg2[%multiple_of3A_721] : memref<4194304xf32, #tpu.memory_space<hbm>> -> memref<8192xf32, #tpu.memory_space<hbm>>
        tpu.wait_dma2 semaphore(%run_scoped3A : memref<!tpu.dma_semaphore, #tpu.memory_space<semaphore_mem>>) src(%dma_wait3A_734 : memref<8192xf32, #tpu.memory_space<hbm>>) dst(%arg6 : memref<8192xf32, #tpu.memory_space<vmem>>)
        tpu.yield
      }) : () -> ()
      %while3A = arith.constant 0 : i32
      %while3A_722 = arith.constant 0 : i32
      %while3A_723 = arith.subi %select_n3A_409, %while3A : i32
      %while3A_724 = arith.addi %while3A, %while3A_723 : i32
      %while3A_725 = arith.constant 1 : i32
      %while3A_726 = arith.divsi %while3A_723, %while3A_725 : i32
      %while3A_727 = arith.muli %while3A_726, %while3A_725 : i32
      %while3A_728 = arith.addi %while3A, %while3A_727 : i32
      %while3A_729 = arith.constant 1 : i32
      %while3A_730 = scf.for %while3A_733 = %while3A to %while3A_728 step %while3A_729 iter_args(%while3A_734 = %while3A_722) -> (i32)  : i32 {
        %mul3A_735 = arith.constant 16 : i32
        %mul3A_736 = arith.muli %while3A_733, %mul3A_735 : i32
        %add3A_737 = arith.addi %max3A_383, %mul3A_736 : i32
        %multiple_of3A_738 = tpu.assume_multiple %add3A_737, 16 : i32
        %get3A_739 = arith.index_cast %multiple_of3A_738 : i32 to index
        %get3A_740 = tpu.vector_load %arg7[%get3A_739] {strides = array<i32>} : memref<8192xf32, #tpu.memory_space<vmem>>, vector<16xf32>,
        %get3A_741 = vector.shape_cast %get3A_740 : vector<16xf32> to vector<16xf32>
        %mul3A_742 = arith.constant 16 : i32
        %mul3A_743 = arith.muli %while3A_733, %mul3A_742 : i32
        %get3A_744 = arith.index_cast %mul3A_743 : i32 to index
        %get3A_745 = tpu.vector_load %arg6[%get3A_744] {strides = array<i32>} : memref<8192xf32, #tpu.memory_space<vmem>>, vector<16xf32>,
        %get3A_746 = vector.shape_cast %get3A_745 : vector<16xf32> to vector<16xf32>
        %add3A_747 = arith.addf %get3A_741, %get3A_746 : vector<16xf32>
        %swap3A = arith.index_cast %multiple_of3A_738 : i32 to index
        %swap3A_748 = tpu.vector_load %arg7[%swap3A] {strides = array<i32>} : memref<8192xf32, #tpu.memory_space<vmem>>, vector<16xf32>,
        %swap3A_749 = vector.shape_cast %swap3A_748 : vector<16xf32> to vector<16xf32>
        %swap3A_750 = vector.shape_cast %add3A_747 : vector<16xf32> to vector<16xf32>
        tpu.vector_store %arg7[%swap3A], %swap3A_750 {strides = array<i32>} : memref<8192xf32, #tpu.memory_space<vmem>>, vector<16xf32>,
        %while3A_751 = arith.constant 0 : i32
        scf.yield %while3A_751 : i32
      }
      %while3A_731 = arith.constant 1 : i32
      %while3A_732 = scf.for %while3A_733 = %while3A_728 to %while3A_724 step %while3A_731 iter_args(%while3A_734 = %while3A_730) -> (i32)  : i32 {
        %mul3A_735 = arith.constant 16 : i32
        %mul3A_736 = arith.muli %while3A_733, %mul3A_735 : i32
        %add3A_737 = arith.addi %max3A_383, %mul3A_736 : i32
        %multiple_of3A_738 = tpu.assume_multiple %add3A_737, 16 : i32
        %get3A_739 = arith.index_cast %multiple_of3A_738 : i32 to index
        %get3A_740 = tpu.vector_load %arg7[%get3A_739] {strides = array<i32>} : memref<8192xf32, #tpu.memory_space<vmem>>, vector<16xf32>,
        %get3A_741 = vector.shape_cast %get3A_740 : vector<16xf32> to vector<16xf32>
        %mul3A_742 = arith.constant 16 : i32
        %mul3A_743 = arith.muli %while3A_733, %mul3A_742 : i32
        %get3A_744 = arith.index_cast %mul3A_743 : i32 to index
        %get3A_745 = tpu.vector_load %arg6[%get3A_744] {strides = array<i32>} : memref<8192xf32, #tpu.memory_space<vmem>>, vector<16xf32>,
        %get3A_746 = vector.shape_cast %get3A_745 : vector<16xf32> to vector<16xf32>
        %add3A_747 = arith.addf %get3A_741, %get3A_746 : vector<16xf32>
        %swap3A = arith.index_cast %multiple_of3A_738 : i32 to index
        %swap3A_748 = tpu.vector_load %arg7[%swap3A] {strides = array<i32>} : memref<8192xf32, #tpu.memory_space<vmem>>, vector<16xf32>,
        %swap3A_749 = vector.shape_cast %swap3A_748 : vector<16xf32> to vector<16xf32>
        %swap3A_750 = vector.shape_cast %add3A_747 : vector<16xf32> to vector<16xf32>
        tpu.vector_store %arg7[%swap3A], %swap3A_750 {strides = array<i32>} : memref<8192xf32, #tpu.memory_space<vmem>>, vector<16xf32>,
        %while3A_751 = arith.constant 0 : i32
        scf.yield %while3A_751 : i32
      }
    } else {
    }
    %slice3A_416 = vector.extract_strided_slice %get3A_36 {offsets = [9], sizes = [1], strides = [1]} : vector<16xi32> to vector<1xi32>
    %squeeze3A_417 = vector.extract %slice3A_416[0] : i32 from vector<1xi32>
    %mul3A_418 = arith.constant 256 : i32
    %mul3A_419 = arith.muli %squeeze3A_417, %mul3A_418 : i32
    %sub3A_420 = arith.subi %mul3A_32, %mul3A_419 : i32
    %max3A_421 = arith.constant 0 : i32
    %max3A_422 = arith.maxsi %max3A_421, %sub3A_420 : i32
    %sub3A_423 = arith.subi %mul3A_419, %mul3A_32 : i32
    %max3A_424 = arith.constant 0 : i32
    %max3A_425 = arith.maxsi %max3A_424, %sub3A_423 : i32
    %sub3A_426 = arith.constant 8192 : i32
    %sub3A_427 = arith.subi %sub3A_426, %max3A_425 : i32
    %jit3A_428 = arith.constant 16 : i32
    %div3A_429 = arith.divsi %sub3A_427, %jit3A_428 : i32
    %sign3A_430 = arith.constant 0 : i32
    %sign3A_431 = arith.cmpi sgt, %sub3A_427, %sign3A_430 : i32
    %sign3A_432 = arith.extui %sign3A_431 : i1 to i32
    %sign3A_433 = arith.constant 0 : i32
    %sign3A_434 = arith.cmpi slt, %sub3A_427, %sign3A_433 : i32
    %sign3A_435 = arith.extui %sign3A_434 : i1 to i32
    %sign3A_436 = arith.subi %sign3A_432, %sign3A_435 : i32
    %sign3A_437 = arith.constant 0 : i32
    %sign3A_438 = arith.cmpi sgt, %jit3A_428, %sign3A_437 : i32
    %sign3A_439 = arith.extui %sign3A_438 : i1 to i32
    %sign3A_440 = arith.constant 0 : i32
    %sign3A_441 = arith.cmpi slt, %jit3A_428, %sign3A_440 : i32
    %sign3A_442 = arith.extui %sign3A_441 : i1 to i32
    %sign3A_443 = arith.subi %sign3A_439, %sign3A_442 : i32
    %ne3A_444 = arith.cmpi ne, %sign3A_436, %sign3A_443 : i32
    %rem3A_445 = arith.remsi %sub3A_427, %jit3A_428 : i32
    %ne3A_446 = arith.constant 0 : i32
    %ne3A_447 = arith.cmpi ne, %rem3A_445, %ne3A_446 : i32
    %and3A_448 = arith.andi %ne3A_444, %ne3A_447 : i1
    %sub3A_449 = arith.constant 1 : i32
    %sub3A_450 = arith.subi %div3A_429, %sub3A_449 : i32
    %select_n3A_451 = arith.select %and3A_448, %sub3A_450, %div3A_429 : i32
    %add3A_452 = arith.constant 8192 : i32
    %add3A_453 = arith.addi %mul3A_32, %add3A_452 : i32
    %lt3A_454 = arith.cmpi slt, %mul3A_419, %add3A_453 : i32
    %convert_element_type3A_455 = arith.extui %lt3A_454 : i1 to i32
    %cond3A_456 = arith.constant 0 : i32
    %cond3A_457 = arith.cmpi ne, %convert_element_type3A_455, %cond3A_456 : i32
    scf.if %cond3A_457 {
      %mul3A_714 = arith.constant 16 : i32
      %mul3A_715 = arith.muli %select_n3A, %mul3A_714 : i32
      %add3A_716 = arith.constant 9 : i32
      %add3A_717 = arith.addi %mul3A_715, %add3A_716 : i32
      %mul3A_718 = arith.constant 32768 : i32
      %mul3A_719 = arith.muli %add3A_717, %mul3A_718 : i32
      %add3A_720 = arith.addi %mul3A_719, %max3A_422 : i32
      %multiple_of3A_721 = tpu.assume_multiple %add3A_720, 256 : i32
      "tpu.region"() ({
        %run_scoped3A = tpu.sem_alloc : memref<!tpu.dma_semaphore, #tpu.memory_space<semaphore_mem>>
        %dma_start3A = tpu.memref_slice %arg2[%multiple_of3A_721] : memref<4194304xf32, #tpu.memory_space<hbm>> -> memref<8192xf32, #tpu.memory_space<hbm>>
        %dma_start3A_733 = tpu.memref_slice %arg2[%multiple_of3A_721] : memref<4194304xf32, #tpu.memory_space<hbm>> -> memref<8192xf32, #tpu.memory_space<hbm>>
        tpu.enqueue_dma source(%dma_start3A_733 : memref<8192xf32, #tpu.memory_space<hbm>>) target(%arg6 : memref<8192xf32, #tpu.memory_space<vmem>>) target_semaphore(%run_scoped3A : memref<!tpu.dma_semaphore, #tpu.memory_space<semaphore_mem>>)
        %dma_wait3A = tpu.memref_slice %arg2[%multiple_of3A_721] : memref<4194304xf32, #tpu.memory_space<hbm>> -> memref<8192xf32, #tpu.memory_space<hbm>>
        %dma_wait3A_734 = tpu.memref_slice %arg2[%multiple_of3A_721] : memref<4194304xf32, #tpu.memory_space<hbm>> -> memref<8192xf32, #tpu.memory_space<hbm>>
        tpu.wait_dma2 semaphore(%run_scoped3A : memref<!tpu.dma_semaphore, #tpu.memory_space<semaphore_mem>>) src(%dma_wait3A_734 : memref<8192xf32, #tpu.memory_space<hbm>>) dst(%arg6 : memref<8192xf32, #tpu.memory_space<vmem>>)
        tpu.yield
      }) : () -> ()
      %while3A = arith.constant 0 : i32
      %while3A_722 = arith.constant 0 : i32
      %while3A_723 = arith.subi %select_n3A_451, %while3A : i32
      %while3A_724 = arith.addi %while3A, %while3A_723 : i32
      %while3A_725 = arith.constant 1 : i32
      %while3A_726 = arith.divsi %while3A_723, %while3A_725 : i32
      %while3A_727 = arith.muli %while3A_726, %while3A_725 : i32
      %while3A_728 = arith.addi %while3A, %while3A_727 : i32
      %while3A_729 = arith.constant 1 : i32
      %while3A_730 = scf.for %while3A_733 = %while3A to %while3A_728 step %while3A_729 iter_args(%while3A_734 = %while3A_722) -> (i32)  : i32 {
        %mul3A_735 = arith.constant 16 : i32
        %mul3A_736 = arith.muli %while3A_733, %mul3A_735 : i32
        %add3A_737 = arith.addi %max3A_425, %mul3A_736 : i32
        %multiple_of3A_738 = tpu.assume_multiple %add3A_737, 16 : i32
        %get3A_739 = arith.index_cast %multiple_of3A_738 : i32 to index
        %get3A_740 = tpu.vector_load %arg7[%get3A_739] {strides = array<i32>} : memref<8192xf32, #tpu.memory_space<vmem>>, vector<16xf32>,
        %get3A_741 = vector.shape_cast %get3A_740 : vector<16xf32> to vector<16xf32>
        %mul3A_742 = arith.constant 16 : i32
        %mul3A_743 = arith.muli %while3A_733, %mul3A_742 : i32
        %get3A_744 = arith.index_cast %mul3A_743 : i32 to index
        %get3A_745 = tpu.vector_load %arg6[%get3A_744] {strides = array<i32>} : memref<8192xf32, #tpu.memory_space<vmem>>, vector<16xf32>,
        %get3A_746 = vector.shape_cast %get3A_745 : vector<16xf32> to vector<16xf32>
        %add3A_747 = arith.addf %get3A_741, %get3A_746 : vector<16xf32>
        %swap3A = arith.index_cast %multiple_of3A_738 : i32 to index
        %swap3A_748 = tpu.vector_load %arg7[%swap3A] {strides = array<i32>} : memref<8192xf32, #tpu.memory_space<vmem>>, vector<16xf32>,
        %swap3A_749 = vector.shape_cast %swap3A_748 : vector<16xf32> to vector<16xf32>
        %swap3A_750 = vector.shape_cast %add3A_747 : vector<16xf32> to vector<16xf32>
        tpu.vector_store %arg7[%swap3A], %swap3A_750 {strides = array<i32>} : memref<8192xf32, #tpu.memory_space<vmem>>, vector<16xf32>,
        %while3A_751 = arith.constant 0 : i32
        scf.yield %while3A_751 : i32
      }
      %while3A_731 = arith.constant 1 : i32
      %while3A_732 = scf.for %while3A_733 = %while3A_728 to %while3A_724 step %while3A_731 iter_args(%while3A_734 = %while3A_730) -> (i32)  : i32 {
        %mul3A_735 = arith.constant 16 : i32
        %mul3A_736 = arith.muli %while3A_733, %mul3A_735 : i32
        %add3A_737 = arith.addi %max3A_425, %mul3A_736 : i32
        %multiple_of3A_738 = tpu.assume_multiple %add3A_737, 16 : i32
        %get3A_739 = arith.index_cast %multiple_of3A_738 : i32 to index
        %get3A_740 = tpu.vector_load %arg7[%get3A_739] {strides = array<i32>} : memref<8192xf32, #tpu.memory_space<vmem>>, vector<16xf32>,
        %get3A_741 = vector.shape_cast %get3A_740 : vector<16xf32> to vector<16xf32>
        %mul3A_742 = arith.constant 16 : i32
        %mul3A_743 = arith.muli %while3A_733, %mul3A_742 : i32
        %get3A_744 = arith.index_cast %mul3A_743 : i32 to index
        %get3A_745 = tpu.vector_load %arg6[%get3A_744] {strides = array<i32>} : memref<8192xf32, #tpu.memory_space<vmem>>, vector<16xf32>,
        %get3A_746 = vector.shape_cast %get3A_745 : vector<16xf32> to vector<16xf32>
        %add3A_747 = arith.addf %get3A_741, %get3A_746 : vector<16xf32>
        %swap3A = arith.index_cast %multiple_of3A_738 : i32 to index
        %swap3A_748 = tpu.vector_load %arg7[%swap3A] {strides = array<i32>} : memref<8192xf32, #tpu.memory_space<vmem>>, vector<16xf32>,
        %swap3A_749 = vector.shape_cast %swap3A_748 : vector<16xf32> to vector<16xf32>
        %swap3A_750 = vector.shape_cast %add3A_747 : vector<16xf32> to vector<16xf32>
        tpu.vector_store %arg7[%swap3A], %swap3A_750 {strides = array<i32>} : memref<8192xf32, #tpu.memory_space<vmem>>, vector<16xf32>,
        %while3A_751 = arith.constant 0 : i32
        scf.yield %while3A_751 : i32
      }
    } else {
    }
    %slice3A_458 = vector.extract_strided_slice %get3A_36 {offsets = [10], sizes = [1], strides = [1]} : vector<16xi32> to vector<1xi32>
    %squeeze3A_459 = vector.extract %slice3A_458[0] : i32 from vector<1xi32>
    %mul3A_460 = arith.constant 256 : i32
    %mul3A_461 = arith.muli %squeeze3A_459, %mul3A_460 : i32
    %sub3A_462 = arith.subi %mul3A_32, %mul3A_461 : i32
    %max3A_463 = arith.constant 0 : i32
    %max3A_464 = arith.maxsi %max3A_463, %sub3A_462 : i32
    %sub3A_465 = arith.subi %mul3A_461, %mul3A_32 : i32
    %max3A_466 = arith.constant 0 : i32
    %max3A_467 = arith.maxsi %max3A_466, %sub3A_465 : i32
    %sub3A_468 = arith.constant 8192 : i32
    %sub3A_469 = arith.subi %sub3A_468, %max3A_467 : i32
    %jit3A_470 = arith.constant 16 : i32
    %div3A_471 = arith.divsi %sub3A_469, %jit3A_470 : i32
    %sign3A_472 = arith.constant 0 : i32
    %sign3A_473 = arith.cmpi sgt, %sub3A_469, %sign3A_472 : i32
    %sign3A_474 = arith.extui %sign3A_473 : i1 to i32
    %sign3A_475 = arith.constant 0 : i32
    %sign3A_476 = arith.cmpi slt, %sub3A_469, %sign3A_475 : i32
    %sign3A_477 = arith.extui %sign3A_476 : i1 to i32
    %sign3A_478 = arith.subi %sign3A_474, %sign3A_477 : i32
    %sign3A_479 = arith.constant 0 : i32
    %sign3A_480 = arith.cmpi sgt, %jit3A_470, %sign3A_479 : i32
    %sign3A_481 = arith.extui %sign3A_480 : i1 to i32
    %sign3A_482 = arith.constant 0 : i32
    %sign3A_483 = arith.cmpi slt, %jit3A_470, %sign3A_482 : i32
    %sign3A_484 = arith.extui %sign3A_483 : i1 to i32
    %sign3A_485 = arith.subi %sign3A_481, %sign3A_484 : i32
    %ne3A_486 = arith.cmpi ne, %sign3A_478, %sign3A_485 : i32
    %rem3A_487 = arith.remsi %sub3A_469, %jit3A_470 : i32
    %ne3A_488 = arith.constant 0 : i32
    %ne3A_489 = arith.cmpi ne, %rem3A_487, %ne3A_488 : i32
    %and3A_490 = arith.andi %ne3A_486, %ne3A_489 : i1
    %sub3A_491 = arith.constant 1 : i32
    %sub3A_492 = arith.subi %div3A_471, %sub3A_491 : i32
    %select_n3A_493 = arith.select %and3A_490, %sub3A_492, %div3A_471 : i32
    %add3A_494 = arith.constant 8192 : i32
    %add3A_495 = arith.addi %mul3A_32, %add3A_494 : i32
    %lt3A_496 = arith.cmpi slt, %mul3A_461, %add3A_495 : i32
    %convert_element_type3A_497 = arith.extui %lt3A_496 : i1 to i32
    %cond3A_498 = arith.constant 0 : i32
    %cond3A_499 = arith.cmpi ne, %convert_element_type3A_497, %cond3A_498 : i32
    scf.if %cond3A_499 {
      %mul3A_714 = arith.constant 16 : i32
      %mul3A_715 = arith.muli %select_n3A, %mul3A_714 : i32
      %add3A_716 = arith.constant 10 : i32
      %add3A_717 = arith.addi %mul3A_715, %add3A_716 : i32
      %mul3A_718 = arith.constant 32768 : i32
      %mul3A_719 = arith.muli %add3A_717, %mul3A_718 : i32
      %add3A_720 = arith.addi %mul3A_719, %max3A_464 : i32
      %multiple_of3A_721 = tpu.assume_multiple %add3A_720, 256 : i32
      "tpu.region"() ({
        %run_scoped3A = tpu.sem_alloc : memref<!tpu.dma_semaphore, #tpu.memory_space<semaphore_mem>>
        %dma_start3A = tpu.memref_slice %arg2[%multiple_of3A_721] : memref<4194304xf32, #tpu.memory_space<hbm>> -> memref<8192xf32, #tpu.memory_space<hbm>>
        %dma_start3A_733 = tpu.memref_slice %arg2[%multiple_of3A_721] : memref<4194304xf32, #tpu.memory_space<hbm>> -> memref<8192xf32, #tpu.memory_space<hbm>>
        tpu.enqueue_dma source(%dma_start3A_733 : memref<8192xf32, #tpu.memory_space<hbm>>) target(%arg6 : memref<8192xf32, #tpu.memory_space<vmem>>) target_semaphore(%run_scoped3A : memref<!tpu.dma_semaphore, #tpu.memory_space<semaphore_mem>>)
        %dma_wait3A = tpu.memref_slice %arg2[%multiple_of3A_721] : memref<4194304xf32, #tpu.memory_space<hbm>> -> memref<8192xf32, #tpu.memory_space<hbm>>
        %dma_wait3A_734 = tpu.memref_slice %arg2[%multiple_of3A_721] : memref<4194304xf32, #tpu.memory_space<hbm>> -> memref<8192xf32, #tpu.memory_space<hbm>>
        tpu.wait_dma2 semaphore(%run_scoped3A : memref<!tpu.dma_semaphore, #tpu.memory_space<semaphore_mem>>) src(%dma_wait3A_734 : memref<8192xf32, #tpu.memory_space<hbm>>) dst(%arg6 : memref<8192xf32, #tpu.memory_space<vmem>>)
        tpu.yield
      }) : () -> ()
      %while3A = arith.constant 0 : i32
      %while3A_722 = arith.constant 0 : i32
      %while3A_723 = arith.subi %select_n3A_493, %while3A : i32
      %while3A_724 = arith.addi %while3A, %while3A_723 : i32
      %while3A_725 = arith.constant 1 : i32
      %while3A_726 = arith.divsi %while3A_723, %while3A_725 : i32
      %while3A_727 = arith.muli %while3A_726, %while3A_725 : i32
      %while3A_728 = arith.addi %while3A, %while3A_727 : i32
      %while3A_729 = arith.constant 1 : i32
      %while3A_730 = scf.for %while3A_733 = %while3A to %while3A_728 step %while3A_729 iter_args(%while3A_734 = %while3A_722) -> (i32)  : i32 {
        %mul3A_735 = arith.constant 16 : i32
        %mul3A_736 = arith.muli %while3A_733, %mul3A_735 : i32
        %add3A_737 = arith.addi %max3A_467, %mul3A_736 : i32
        %multiple_of3A_738 = tpu.assume_multiple %add3A_737, 16 : i32
        %get3A_739 = arith.index_cast %multiple_of3A_738 : i32 to index
        %get3A_740 = tpu.vector_load %arg7[%get3A_739] {strides = array<i32>} : memref<8192xf32, #tpu.memory_space<vmem>>, vector<16xf32>,
        %get3A_741 = vector.shape_cast %get3A_740 : vector<16xf32> to vector<16xf32>
        %mul3A_742 = arith.constant 16 : i32
        %mul3A_743 = arith.muli %while3A_733, %mul3A_742 : i32
        %get3A_744 = arith.index_cast %mul3A_743 : i32 to index
        %get3A_745 = tpu.vector_load %arg6[%get3A_744] {strides = array<i32>} : memref<8192xf32, #tpu.memory_space<vmem>>, vector<16xf32>,
        %get3A_746 = vector.shape_cast %get3A_745 : vector<16xf32> to vector<16xf32>
        %add3A_747 = arith.addf %get3A_741, %get3A_746 : vector<16xf32>
        %swap3A = arith.index_cast %multiple_of3A_738 : i32 to index
        %swap3A_748 = tpu.vector_load %arg7[%swap3A] {strides = array<i32>} : memref<8192xf32, #tpu.memory_space<vmem>>, vector<16xf32>,
        %swap3A_749 = vector.shape_cast %swap3A_748 : vector<16xf32> to vector<16xf32>
        %swap3A_750 = vector.shape_cast %add3A_747 : vector<16xf32> to vector<16xf32>
        tpu.vector_store %arg7[%swap3A], %swap3A_750 {strides = array<i32>} : memref<8192xf32, #tpu.memory_space<vmem>>, vector<16xf32>,
        %while3A_751 = arith.constant 0 : i32
        scf.yield %while3A_751 : i32
      }
      %while3A_731 = arith.constant 1 : i32
      %while3A_732 = scf.for %while3A_733 = %while3A_728 to %while3A_724 step %while3A_731 iter_args(%while3A_734 = %while3A_730) -> (i32)  : i32 {
        %mul3A_735 = arith.constant 16 : i32
        %mul3A_736 = arith.muli %while3A_733, %mul3A_735 : i32
        %add3A_737 = arith.addi %max3A_467, %mul3A_736 : i32
        %multiple_of3A_738 = tpu.assume_multiple %add3A_737, 16 : i32
        %get3A_739 = arith.index_cast %multiple_of3A_738 : i32 to index
        %get3A_740 = tpu.vector_load %arg7[%get3A_739] {strides = array<i32>} : memref<8192xf32, #tpu.memory_space<vmem>>, vector<16xf32>,
        %get3A_741 = vector.shape_cast %get3A_740 : vector<16xf32> to vector<16xf32>
        %mul3A_742 = arith.constant 16 : i32
        %mul3A_743 = arith.muli %while3A_733, %mul3A_742 : i32
        %get3A_744 = arith.index_cast %mul3A_743 : i32 to index
        %get3A_745 = tpu.vector_load %arg6[%get3A_744] {strides = array<i32>} : memref<8192xf32, #tpu.memory_space<vmem>>, vector<16xf32>,
        %get3A_746 = vector.shape_cast %get3A_745 : vector<16xf32> to vector<16xf32>
        %add3A_747 = arith.addf %get3A_741, %get3A_746 : vector<16xf32>
        %swap3A = arith.index_cast %multiple_of3A_738 : i32 to index
        %swap3A_748 = tpu.vector_load %arg7[%swap3A] {strides = array<i32>} : memref<8192xf32, #tpu.memory_space<vmem>>, vector<16xf32>,
        %swap3A_749 = vector.shape_cast %swap3A_748 : vector<16xf32> to vector<16xf32>
        %swap3A_750 = vector.shape_cast %add3A_747 : vector<16xf32> to vector<16xf32>
        tpu.vector_store %arg7[%swap3A], %swap3A_750 {strides = array<i32>} : memref<8192xf32, #tpu.memory_space<vmem>>, vector<16xf32>,
        %while3A_751 = arith.constant 0 : i32
        scf.yield %while3A_751 : i32
      }
    } else {
    }
    %slice3A_500 = vector.extract_strided_slice %get3A_36 {offsets = [11], sizes = [1], strides = [1]} : vector<16xi32> to vector<1xi32>
    %squeeze3A_501 = vector.extract %slice3A_500[0] : i32 from vector<1xi32>
    %mul3A_502 = arith.constant 256 : i32
    %mul3A_503 = arith.muli %squeeze3A_501, %mul3A_502 : i32
    %sub3A_504 = arith.subi %mul3A_32, %mul3A_503 : i32
    %max3A_505 = arith.constant 0 : i32
    %max3A_506 = arith.maxsi %max3A_505, %sub3A_504 : i32
    %sub3A_507 = arith.subi %mul3A_503, %mul3A_32 : i32
    %max3A_508 = arith.constant 0 : i32
    %max3A_509 = arith.maxsi %max3A_508, %sub3A_507 : i32
    %sub3A_510 = arith.constant 8192 : i32
    %sub3A_511 = arith.subi %sub3A_510, %max3A_509 : i32
    %jit3A_512 = arith.constant 16 : i32
    %div3A_513 = arith.divsi %sub3A_511, %jit3A_512 : i32
    %sign3A_514 = arith.constant 0 : i32
    %sign3A_515 = arith.cmpi sgt, %sub3A_511, %sign3A_514 : i32
    %sign3A_516 = arith.extui %sign3A_515 : i1 to i32
    %sign3A_517 = arith.constant 0 : i32
    %sign3A_518 = arith.cmpi slt, %sub3A_511, %sign3A_517 : i32
    %sign3A_519 = arith.extui %sign3A_518 : i1 to i32
    %sign3A_520 = arith.subi %sign3A_516, %sign3A_519 : i32
    %sign3A_521 = arith.constant 0 : i32
    %sign3A_522 = arith.cmpi sgt, %jit3A_512, %sign3A_521 : i32
    %sign3A_523 = arith.extui %sign3A_522 : i1 to i32
    %sign3A_524 = arith.constant 0 : i32
    %sign3A_525 = arith.cmpi slt, %jit3A_512, %sign3A_524 : i32
    %sign3A_526 = arith.extui %sign3A_525 : i1 to i32
    %sign3A_527 = arith.subi %sign3A_523, %sign3A_526 : i32
    %ne3A_528 = arith.cmpi ne, %sign3A_520, %sign3A_527 : i32
    %rem3A_529 = arith.remsi %sub3A_511, %jit3A_512 : i32
    %ne3A_530 = arith.constant 0 : i32
    %ne3A_531 = arith.cmpi ne, %rem3A_529, %ne3A_530 : i32
    %and3A_532 = arith.andi %ne3A_528, %ne3A_531 : i1
    %sub3A_533 = arith.constant 1 : i32
    %sub3A_534 = arith.subi %div3A_513, %sub3A_533 : i32
    %select_n3A_535 = arith.select %and3A_532, %sub3A_534, %div3A_513 : i32
    %add3A_536 = arith.constant 8192 : i32
    %add3A_537 = arith.addi %mul3A_32, %add3A_536 : i32
    %lt3A_538 = arith.cmpi slt, %mul3A_503, %add3A_537 : i32
    %convert_element_type3A_539 = arith.extui %lt3A_538 : i1 to i32
    %cond3A_540 = arith.constant 0 : i32
    %cond3A_541 = arith.cmpi ne, %convert_element_type3A_539, %cond3A_540 : i32
    scf.if %cond3A_541 {
      %mul3A_714 = arith.constant 16 : i32
      %mul3A_715 = arith.muli %select_n3A, %mul3A_714 : i32
      %add3A_716 = arith.constant 11 : i32
      %add3A_717 = arith.addi %mul3A_715, %add3A_716 : i32
      %mul3A_718 = arith.constant 32768 : i32
      %mul3A_719 = arith.muli %add3A_717, %mul3A_718 : i32
      %add3A_720 = arith.addi %mul3A_719, %max3A_506 : i32
      %multiple_of3A_721 = tpu.assume_multiple %add3A_720, 256 : i32
      "tpu.region"() ({
        %run_scoped3A = tpu.sem_alloc : memref<!tpu.dma_semaphore, #tpu.memory_space<semaphore_mem>>
        %dma_start3A = tpu.memref_slice %arg2[%multiple_of3A_721] : memref<4194304xf32, #tpu.memory_space<hbm>> -> memref<8192xf32, #tpu.memory_space<hbm>>
        %dma_start3A_733 = tpu.memref_slice %arg2[%multiple_of3A_721] : memref<4194304xf32, #tpu.memory_space<hbm>> -> memref<8192xf32, #tpu.memory_space<hbm>>
        tpu.enqueue_dma source(%dma_start3A_733 : memref<8192xf32, #tpu.memory_space<hbm>>) target(%arg6 : memref<8192xf32, #tpu.memory_space<vmem>>) target_semaphore(%run_scoped3A : memref<!tpu.dma_semaphore, #tpu.memory_space<semaphore_mem>>)
        %dma_wait3A = tpu.memref_slice %arg2[%multiple_of3A_721] : memref<4194304xf32, #tpu.memory_space<hbm>> -> memref<8192xf32, #tpu.memory_space<hbm>>
        %dma_wait3A_734 = tpu.memref_slice %arg2[%multiple_of3A_721] : memref<4194304xf32, #tpu.memory_space<hbm>> -> memref<8192xf32, #tpu.memory_space<hbm>>
        tpu.wait_dma2 semaphore(%run_scoped3A : memref<!tpu.dma_semaphore, #tpu.memory_space<semaphore_mem>>) src(%dma_wait3A_734 : memref<8192xf32, #tpu.memory_space<hbm>>) dst(%arg6 : memref<8192xf32, #tpu.memory_space<vmem>>)
        tpu.yield
      }) : () -> ()
      %while3A = arith.constant 0 : i32
      %while3A_722 = arith.constant 0 : i32
      %while3A_723 = arith.subi %select_n3A_535, %while3A : i32
      %while3A_724 = arith.addi %while3A, %while3A_723 : i32
      %while3A_725 = arith.constant 1 : i32
      %while3A_726 = arith.divsi %while3A_723, %while3A_725 : i32
      %while3A_727 = arith.muli %while3A_726, %while3A_725 : i32
      %while3A_728 = arith.addi %while3A, %while3A_727 : i32
      %while3A_729 = arith.constant 1 : i32
      %while3A_730 = scf.for %while3A_733 = %while3A to %while3A_728 step %while3A_729 iter_args(%while3A_734 = %while3A_722) -> (i32)  : i32 {
        %mul3A_735 = arith.constant 16 : i32
        %mul3A_736 = arith.muli %while3A_733, %mul3A_735 : i32
        %add3A_737 = arith.addi %max3A_509, %mul3A_736 : i32
        %multiple_of3A_738 = tpu.assume_multiple %add3A_737, 16 : i32
        %get3A_739 = arith.index_cast %multiple_of3A_738 : i32 to index
        %get3A_740 = tpu.vector_load %arg7[%get3A_739] {strides = array<i32>} : memref<8192xf32, #tpu.memory_space<vmem>>, vector<16xf32>,
        %get3A_741 = vector.shape_cast %get3A_740 : vector<16xf32> to vector<16xf32>
        %mul3A_742 = arith.constant 16 : i32
        %mul3A_743 = arith.muli %while3A_733, %mul3A_742 : i32
        %get3A_744 = arith.index_cast %mul3A_743 : i32 to index
        %get3A_745 = tpu.vector_load %arg6[%get3A_744] {strides = array<i32>} : memref<8192xf32, #tpu.memory_space<vmem>>, vector<16xf32>,
        %get3A_746 = vector.shape_cast %get3A_745 : vector<16xf32> to vector<16xf32>
        %add3A_747 = arith.addf %get3A_741, %get3A_746 : vector<16xf32>
        %swap3A = arith.index_cast %multiple_of3A_738 : i32 to index
        %swap3A_748 = tpu.vector_load %arg7[%swap3A] {strides = array<i32>} : memref<8192xf32, #tpu.memory_space<vmem>>, vector<16xf32>,
        %swap3A_749 = vector.shape_cast %swap3A_748 : vector<16xf32> to vector<16xf32>
        %swap3A_750 = vector.shape_cast %add3A_747 : vector<16xf32> to vector<16xf32>
        tpu.vector_store %arg7[%swap3A], %swap3A_750 {strides = array<i32>} : memref<8192xf32, #tpu.memory_space<vmem>>, vector<16xf32>,
        %while3A_751 = arith.constant 0 : i32
        scf.yield %while3A_751 : i32
      }
      %while3A_731 = arith.constant 1 : i32
      %while3A_732 = scf.for %while3A_733 = %while3A_728 to %while3A_724 step %while3A_731 iter_args(%while3A_734 = %while3A_730) -> (i32)  : i32 {
        %mul3A_735 = arith.constant 16 : i32
        %mul3A_736 = arith.muli %while3A_733, %mul3A_735 : i32
        %add3A_737 = arith.addi %max3A_509, %mul3A_736 : i32
        %multiple_of3A_738 = tpu.assume_multiple %add3A_737, 16 : i32
        %get3A_739 = arith.index_cast %multiple_of3A_738 : i32 to index
        %get3A_740 = tpu.vector_load %arg7[%get3A_739] {strides = array<i32>} : memref<8192xf32, #tpu.memory_space<vmem>>, vector<16xf32>,
        %get3A_741 = vector.shape_cast %get3A_740 : vector<16xf32> to vector<16xf32>
        %mul3A_742 = arith.constant 16 : i32
        %mul3A_743 = arith.muli %while3A_733, %mul3A_742 : i32
        %get3A_744 = arith.index_cast %mul3A_743 : i32 to index
        %get3A_745 = tpu.vector_load %arg6[%get3A_744] {strides = array<i32>} : memref<8192xf32, #tpu.memory_space<vmem>>, vector<16xf32>,
        %get3A_746 = vector.shape_cast %get3A_745 : vector<16xf32> to vector<16xf32>
        %add3A_747 = arith.addf %get3A_741, %get3A_746 : vector<16xf32>
        %swap3A = arith.index_cast %multiple_of3A_738 : i32 to index
        %swap3A_748 = tpu.vector_load %arg7[%swap3A] {strides = array<i32>} : memref<8192xf32, #tpu.memory_space<vmem>>, vector<16xf32>,
        %swap3A_749 = vector.shape_cast %swap3A_748 : vector<16xf32> to vector<16xf32>
        %swap3A_750 = vector.shape_cast %add3A_747 : vector<16xf32> to vector<16xf32>
        tpu.vector_store %arg7[%swap3A], %swap3A_750 {strides = array<i32>} : memref<8192xf32, #tpu.memory_space<vmem>>, vector<16xf32>,
        %while3A_751 = arith.constant 0 : i32
        scf.yield %while3A_751 : i32
      }
    } else {
    }
    %slice3A_542 = vector.extract_strided_slice %get3A_36 {offsets = [12], sizes = [1], strides = [1]} : vector<16xi32> to vector<1xi32>
    %squeeze3A_543 = vector.extract %slice3A_542[0] : i32 from vector<1xi32>
    %mul3A_544 = arith.constant 256 : i32
    %mul3A_545 = arith.muli %squeeze3A_543, %mul3A_544 : i32
    %sub3A_546 = arith.subi %mul3A_32, %mul3A_545 : i32
    %max3A_547 = arith.constant 0 : i32
    %max3A_548 = arith.maxsi %max3A_547, %sub3A_546 : i32
    %sub3A_549 = arith.subi %mul3A_545, %mul3A_32 : i32
    %max3A_550 = arith.constant 0 : i32
    %max3A_551 = arith.maxsi %max3A_550, %sub3A_549 : i32
    %sub3A_552 = arith.constant 8192 : i32
    %sub3A_553 = arith.subi %sub3A_552, %max3A_551 : i32
    %jit3A_554 = arith.constant 16 : i32
    %div3A_555 = arith.divsi %sub3A_553, %jit3A_554 : i32
    %sign3A_556 = arith.constant 0 : i32
    %sign3A_557 = arith.cmpi sgt, %sub3A_553, %sign3A_556 : i32
    %sign3A_558 = arith.extui %sign3A_557 : i1 to i32
    %sign3A_559 = arith.constant 0 : i32
    %sign3A_560 = arith.cmpi slt, %sub3A_553, %sign3A_559 : i32
    %sign3A_561 = arith.extui %sign3A_560 : i1 to i32
    %sign3A_562 = arith.subi %sign3A_558, %sign3A_561 : i32
    %sign3A_563 = arith.constant 0 : i32
    %sign3A_564 = arith.cmpi sgt, %jit3A_554, %sign3A_563 : i32
    %sign3A_565 = arith.extui %sign3A_564 : i1 to i32
    %sign3A_566 = arith.constant 0 : i32
    %sign3A_567 = arith.cmpi slt, %jit3A_554, %sign3A_566 : i32
    %sign3A_568 = arith.extui %sign3A_567 : i1 to i32
    %sign3A_569 = arith.subi %sign3A_565, %sign3A_568 : i32
    %ne3A_570 = arith.cmpi ne, %sign3A_562, %sign3A_569 : i32
    %rem3A_571 = arith.remsi %sub3A_553, %jit3A_554 : i32
    %ne3A_572 = arith.constant 0 : i32
    %ne3A_573 = arith.cmpi ne, %rem3A_571, %ne3A_572 : i32
    %and3A_574 = arith.andi %ne3A_570, %ne3A_573 : i1
    %sub3A_575 = arith.constant 1 : i32
    %sub3A_576 = arith.subi %div3A_555, %sub3A_575 : i32
    %select_n3A_577 = arith.select %and3A_574, %sub3A_576, %div3A_555 : i32
    %add3A_578 = arith.constant 8192 : i32
    %add3A_579 = arith.addi %mul3A_32, %add3A_578 : i32
    %lt3A_580 = arith.cmpi slt, %mul3A_545, %add3A_579 : i32
    %convert_element_type3A_581 = arith.extui %lt3A_580 : i1 to i32
    %cond3A_582 = arith.constant 0 : i32
    %cond3A_583 = arith.cmpi ne, %convert_element_type3A_581, %cond3A_582 : i32
    scf.if %cond3A_583 {
      %mul3A_714 = arith.constant 16 : i32
      %mul3A_715 = arith.muli %select_n3A, %mul3A_714 : i32
      %add3A_716 = arith.constant 12 : i32
      %add3A_717 = arith.addi %mul3A_715, %add3A_716 : i32
      %mul3A_718 = arith.constant 32768 : i32
      %mul3A_719 = arith.muli %add3A_717, %mul3A_718 : i32
      %add3A_720 = arith.addi %mul3A_719, %max3A_548 : i32
      %multiple_of3A_721 = tpu.assume_multiple %add3A_720, 256 : i32
      "tpu.region"() ({
        %run_scoped3A = tpu.sem_alloc : memref<!tpu.dma_semaphore, #tpu.memory_space<semaphore_mem>>
        %dma_start3A = tpu.memref_slice %arg2[%multiple_of3A_721] : memref<4194304xf32, #tpu.memory_space<hbm>> -> memref<8192xf32, #tpu.memory_space<hbm>>
        %dma_start3A_733 = tpu.memref_slice %arg2[%multiple_of3A_721] : memref<4194304xf32, #tpu.memory_space<hbm>> -> memref<8192xf32, #tpu.memory_space<hbm>>
        tpu.enqueue_dma source(%dma_start3A_733 : memref<8192xf32, #tpu.memory_space<hbm>>) target(%arg6 : memref<8192xf32, #tpu.memory_space<vmem>>) target_semaphore(%run_scoped3A : memref<!tpu.dma_semaphore, #tpu.memory_space<semaphore_mem>>)
        %dma_wait3A = tpu.memref_slice %arg2[%multiple_of3A_721] : memref<4194304xf32, #tpu.memory_space<hbm>> -> memref<8192xf32, #tpu.memory_space<hbm>>
        %dma_wait3A_734 = tpu.memref_slice %arg2[%multiple_of3A_721] : memref<4194304xf32, #tpu.memory_space<hbm>> -> memref<8192xf32, #tpu.memory_space<hbm>>
        tpu.wait_dma2 semaphore(%run_scoped3A : memref<!tpu.dma_semaphore, #tpu.memory_space<semaphore_mem>>) src(%dma_wait3A_734 : memref<8192xf32, #tpu.memory_space<hbm>>) dst(%arg6 : memref<8192xf32, #tpu.memory_space<vmem>>)
        tpu.yield
      }) : () -> ()
      %while3A = arith.constant 0 : i32
      %while3A_722 = arith.constant 0 : i32
      %while3A_723 = arith.subi %select_n3A_577, %while3A : i32
      %while3A_724 = arith.addi %while3A, %while3A_723 : i32
      %while3A_725 = arith.constant 1 : i32
      %while3A_726 = arith.divsi %while3A_723, %while3A_725 : i32
      %while3A_727 = arith.muli %while3A_726, %while3A_725 : i32
      %while3A_728 = arith.addi %while3A, %while3A_727 : i32
      %while3A_729 = arith.constant 1 : i32
      %while3A_730 = scf.for %while3A_733 = %while3A to %while3A_728 step %while3A_729 iter_args(%while3A_734 = %while3A_722) -> (i32)  : i32 {
        %mul3A_735 = arith.constant 16 : i32
        %mul3A_736 = arith.muli %while3A_733, %mul3A_735 : i32
        %add3A_737 = arith.addi %max3A_551, %mul3A_736 : i32
        %multiple_of3A_738 = tpu.assume_multiple %add3A_737, 16 : i32
        %get3A_739 = arith.index_cast %multiple_of3A_738 : i32 to index
        %get3A_740 = tpu.vector_load %arg7[%get3A_739] {strides = array<i32>} : memref<8192xf32, #tpu.memory_space<vmem>>, vector<16xf32>,
        %get3A_741 = vector.shape_cast %get3A_740 : vector<16xf32> to vector<16xf32>
        %mul3A_742 = arith.constant 16 : i32
        %mul3A_743 = arith.muli %while3A_733, %mul3A_742 : i32
        %get3A_744 = arith.index_cast %mul3A_743 : i32 to index
        %get3A_745 = tpu.vector_load %arg6[%get3A_744] {strides = array<i32>} : memref<8192xf32, #tpu.memory_space<vmem>>, vector<16xf32>,
        %get3A_746 = vector.shape_cast %get3A_745 : vector<16xf32> to vector<16xf32>
        %add3A_747 = arith.addf %get3A_741, %get3A_746 : vector<16xf32>
        %swap3A = arith.index_cast %multiple_of3A_738 : i32 to index
        %swap3A_748 = tpu.vector_load %arg7[%swap3A] {strides = array<i32>} : memref<8192xf32, #tpu.memory_space<vmem>>, vector<16xf32>,
        %swap3A_749 = vector.shape_cast %swap3A_748 : vector<16xf32> to vector<16xf32>
        %swap3A_750 = vector.shape_cast %add3A_747 : vector<16xf32> to vector<16xf32>
        tpu.vector_store %arg7[%swap3A], %swap3A_750 {strides = array<i32>} : memref<8192xf32, #tpu.memory_space<vmem>>, vector<16xf32>,
        %while3A_751 = arith.constant 0 : i32
        scf.yield %while3A_751 : i32
      }
      %while3A_731 = arith.constant 1 : i32
      %while3A_732 = scf.for %while3A_733 = %while3A_728 to %while3A_724 step %while3A_731 iter_args(%while3A_734 = %while3A_730) -> (i32)  : i32 {
        %mul3A_735 = arith.constant 16 : i32
        %mul3A_736 = arith.muli %while3A_733, %mul3A_735 : i32
        %add3A_737 = arith.addi %max3A_551, %mul3A_736 : i32
        %multiple_of3A_738 = tpu.assume_multiple %add3A_737, 16 : i32
        %get3A_739 = arith.index_cast %multiple_of3A_738 : i32 to index
        %get3A_740 = tpu.vector_load %arg7[%get3A_739] {strides = array<i32>} : memref<8192xf32, #tpu.memory_space<vmem>>, vector<16xf32>,
        %get3A_741 = vector.shape_cast %get3A_740 : vector<16xf32> to vector<16xf32>
        %mul3A_742 = arith.constant 16 : i32
        %mul3A_743 = arith.muli %while3A_733, %mul3A_742 : i32
        %get3A_744 = arith.index_cast %mul3A_743 : i32 to index
        %get3A_745 = tpu.vector_load %arg6[%get3A_744] {strides = array<i32>} : memref<8192xf32, #tpu.memory_space<vmem>>, vector<16xf32>,
        %get3A_746 = vector.shape_cast %get3A_745 : vector<16xf32> to vector<16xf32>
        %add3A_747 = arith.addf %get3A_741, %get3A_746 : vector<16xf32>
        %swap3A = arith.index_cast %multiple_of3A_738 : i32 to index
        %swap3A_748 = tpu.vector_load %arg7[%swap3A] {strides = array<i32>} : memref<8192xf32, #tpu.memory_space<vmem>>, vector<16xf32>,
        %swap3A_749 = vector.shape_cast %swap3A_748 : vector<16xf32> to vector<16xf32>
        %swap3A_750 = vector.shape_cast %add3A_747 : vector<16xf32> to vector<16xf32>
        tpu.vector_store %arg7[%swap3A], %swap3A_750 {strides = array<i32>} : memref<8192xf32, #tpu.memory_space<vmem>>, vector<16xf32>,
        %while3A_751 = arith.constant 0 : i32
        scf.yield %while3A_751 : i32
      }
    } else {
    }
    %slice3A_584 = vector.extract_strided_slice %get3A_36 {offsets = [13], sizes = [1], strides = [1]} : vector<16xi32> to vector<1xi32>
    %squeeze3A_585 = vector.extract %slice3A_584[0] : i32 from vector<1xi32>
    %mul3A_586 = arith.constant 256 : i32
    %mul3A_587 = arith.muli %squeeze3A_585, %mul3A_586 : i32
    %sub3A_588 = arith.subi %mul3A_32, %mul3A_587 : i32
    %max3A_589 = arith.constant 0 : i32
    %max3A_590 = arith.maxsi %max3A_589, %sub3A_588 : i32
    %sub3A_591 = arith.subi %mul3A_587, %mul3A_32 : i32
    %max3A_592 = arith.constant 0 : i32
    %max3A_593 = arith.maxsi %max3A_592, %sub3A_591 : i32
    %sub3A_594 = arith.constant 8192 : i32
    %sub3A_595 = arith.subi %sub3A_594, %max3A_593 : i32
    %jit3A_596 = arith.constant 16 : i32
    %div3A_597 = arith.divsi %sub3A_595, %jit3A_596 : i32
    %sign3A_598 = arith.constant 0 : i32
    %sign3A_599 = arith.cmpi sgt, %sub3A_595, %sign3A_598 : i32
    %sign3A_600 = arith.extui %sign3A_599 : i1 to i32
    %sign3A_601 = arith.constant 0 : i32
    %sign3A_602 = arith.cmpi slt, %sub3A_595, %sign3A_601 : i32
    %sign3A_603 = arith.extui %sign3A_602 : i1 to i32
    %sign3A_604 = arith.subi %sign3A_600, %sign3A_603 : i32
    %sign3A_605 = arith.constant 0 : i32
    %sign3A_606 = arith.cmpi sgt, %jit3A_596, %sign3A_605 : i32
    %sign3A_607 = arith.extui %sign3A_606 : i1 to i32
    %sign3A_608 = arith.constant 0 : i32
    %sign3A_609 = arith.cmpi slt, %jit3A_596, %sign3A_608 : i32
    %sign3A_610 = arith.extui %sign3A_609 : i1 to i32
    %sign3A_611 = arith.subi %sign3A_607, %sign3A_610 : i32
    %ne3A_612 = arith.cmpi ne, %sign3A_604, %sign3A_611 : i32
    %rem3A_613 = arith.remsi %sub3A_595, %jit3A_596 : i32
    %ne3A_614 = arith.constant 0 : i32
    %ne3A_615 = arith.cmpi ne, %rem3A_613, %ne3A_614 : i32
    %and3A_616 = arith.andi %ne3A_612, %ne3A_615 : i1
    %sub3A_617 = arith.constant 1 : i32
    %sub3A_618 = arith.subi %div3A_597, %sub3A_617 : i32
    %select_n3A_619 = arith.select %and3A_616, %sub3A_618, %div3A_597 : i32
    %add3A_620 = arith.constant 8192 : i32
    %add3A_621 = arith.addi %mul3A_32, %add3A_620 : i32
    %lt3A_622 = arith.cmpi slt, %mul3A_587, %add3A_621 : i32
    %convert_element_type3A_623 = arith.extui %lt3A_622 : i1 to i32
    %cond3A_624 = arith.constant 0 : i32
    %cond3A_625 = arith.cmpi ne, %convert_element_type3A_623, %cond3A_624 : i32
    scf.if %cond3A_625 {
      %mul3A_714 = arith.constant 16 : i32
      %mul3A_715 = arith.muli %select_n3A, %mul3A_714 : i32
      %add3A_716 = arith.constant 13 : i32
      %add3A_717 = arith.addi %mul3A_715, %add3A_716 : i32
      %mul3A_718 = arith.constant 32768 : i32
      %mul3A_719 = arith.muli %add3A_717, %mul3A_718 : i32
      %add3A_720 = arith.addi %mul3A_719, %max3A_590 : i32
      %multiple_of3A_721 = tpu.assume_multiple %add3A_720, 256 : i32
      "tpu.region"() ({
        %run_scoped3A = tpu.sem_alloc : memref<!tpu.dma_semaphore, #tpu.memory_space<semaphore_mem>>
        %dma_start3A = tpu.memref_slice %arg2[%multiple_of3A_721] : memref<4194304xf32, #tpu.memory_space<hbm>> -> memref<8192xf32, #tpu.memory_space<hbm>>
        %dma_start3A_733 = tpu.memref_slice %arg2[%multiple_of3A_721] : memref<4194304xf32, #tpu.memory_space<hbm>> -> memref<8192xf32, #tpu.memory_space<hbm>>
        tpu.enqueue_dma source(%dma_start3A_733 : memref<8192xf32, #tpu.memory_space<hbm>>) target(%arg6 : memref<8192xf32, #tpu.memory_space<vmem>>) target_semaphore(%run_scoped3A : memref<!tpu.dma_semaphore, #tpu.memory_space<semaphore_mem>>)
        %dma_wait3A = tpu.memref_slice %arg2[%multiple_of3A_721] : memref<4194304xf32, #tpu.memory_space<hbm>> -> memref<8192xf32, #tpu.memory_space<hbm>>
        %dma_wait3A_734 = tpu.memref_slice %arg2[%multiple_of3A_721] : memref<4194304xf32, #tpu.memory_space<hbm>> -> memref<8192xf32, #tpu.memory_space<hbm>>
        tpu.wait_dma2 semaphore(%run_scoped3A : memref<!tpu.dma_semaphore, #tpu.memory_space<semaphore_mem>>) src(%dma_wait3A_734 : memref<8192xf32, #tpu.memory_space<hbm>>) dst(%arg6 : memref<8192xf32, #tpu.memory_space<vmem>>)
        tpu.yield
      }) : () -> ()
      %while3A = arith.constant 0 : i32
      %while3A_722 = arith.constant 0 : i32
      %while3A_723 = arith.subi %select_n3A_619, %while3A : i32
      %while3A_724 = arith.addi %while3A, %while3A_723 : i32
      %while3A_725 = arith.constant 1 : i32
      %while3A_726 = arith.divsi %while3A_723, %while3A_725 : i32
      %while3A_727 = arith.muli %while3A_726, %while3A_725 : i32
      %while3A_728 = arith.addi %while3A, %while3A_727 : i32
      %while3A_729 = arith.constant 1 : i32
      %while3A_730 = scf.for %while3A_733 = %while3A to %while3A_728 step %while3A_729 iter_args(%while3A_734 = %while3A_722) -> (i32)  : i32 {
        %mul3A_735 = arith.constant 16 : i32
        %mul3A_736 = arith.muli %while3A_733, %mul3A_735 : i32
        %add3A_737 = arith.addi %max3A_593, %mul3A_736 : i32
        %multiple_of3A_738 = tpu.assume_multiple %add3A_737, 16 : i32
        %get3A_739 = arith.index_cast %multiple_of3A_738 : i32 to index
        %get3A_740 = tpu.vector_load %arg7[%get3A_739] {strides = array<i32>} : memref<8192xf32, #tpu.memory_space<vmem>>, vector<16xf32>,
        %get3A_741 = vector.shape_cast %get3A_740 : vector<16xf32> to vector<16xf32>
        %mul3A_742 = arith.constant 16 : i32
        %mul3A_743 = arith.muli %while3A_733, %mul3A_742 : i32
        %get3A_744 = arith.index_cast %mul3A_743 : i32 to index
        %get3A_745 = tpu.vector_load %arg6[%get3A_744] {strides = array<i32>} : memref<8192xf32, #tpu.memory_space<vmem>>, vector<16xf32>,
        %get3A_746 = vector.shape_cast %get3A_745 : vector<16xf32> to vector<16xf32>
        %add3A_747 = arith.addf %get3A_741, %get3A_746 : vector<16xf32>
        %swap3A = arith.index_cast %multiple_of3A_738 : i32 to index
        %swap3A_748 = tpu.vector_load %arg7[%swap3A] {strides = array<i32>} : memref<8192xf32, #tpu.memory_space<vmem>>, vector<16xf32>,
        %swap3A_749 = vector.shape_cast %swap3A_748 : vector<16xf32> to vector<16xf32>
        %swap3A_750 = vector.shape_cast %add3A_747 : vector<16xf32> to vector<16xf32>
        tpu.vector_store %arg7[%swap3A], %swap3A_750 {strides = array<i32>} : memref<8192xf32, #tpu.memory_space<vmem>>, vector<16xf32>,
        %while3A_751 = arith.constant 0 : i32
        scf.yield %while3A_751 : i32
      }
      %while3A_731 = arith.constant 1 : i32
      %while3A_732 = scf.for %while3A_733 = %while3A_728 to %while3A_724 step %while3A_731 iter_args(%while3A_734 = %while3A_730) -> (i32)  : i32 {
        %mul3A_735 = arith.constant 16 : i32
        %mul3A_736 = arith.muli %while3A_733, %mul3A_735 : i32
        %add3A_737 = arith.addi %max3A_593, %mul3A_736 : i32
        %multiple_of3A_738 = tpu.assume_multiple %add3A_737, 16 : i32
        %get3A_739 = arith.index_cast %multiple_of3A_738 : i32 to index
        %get3A_740 = tpu.vector_load %arg7[%get3A_739] {strides = array<i32>} : memref<8192xf32, #tpu.memory_space<vmem>>, vector<16xf32>,
        %get3A_741 = vector.shape_cast %get3A_740 : vector<16xf32> to vector<16xf32>
        %mul3A_742 = arith.constant 16 : i32
        %mul3A_743 = arith.muli %while3A_733, %mul3A_742 : i32
        %get3A_744 = arith.index_cast %mul3A_743 : i32 to index
        %get3A_745 = tpu.vector_load %arg6[%get3A_744] {strides = array<i32>} : memref<8192xf32, #tpu.memory_space<vmem>>, vector<16xf32>,
        %get3A_746 = vector.shape_cast %get3A_745 : vector<16xf32> to vector<16xf32>
        %add3A_747 = arith.addf %get3A_741, %get3A_746 : vector<16xf32>
        %swap3A = arith.index_cast %multiple_of3A_738 : i32 to index
        %swap3A_748 = tpu.vector_load %arg7[%swap3A] {strides = array<i32>} : memref<8192xf32, #tpu.memory_space<vmem>>, vector<16xf32>,
        %swap3A_749 = vector.shape_cast %swap3A_748 : vector<16xf32> to vector<16xf32>
        %swap3A_750 = vector.shape_cast %add3A_747 : vector<16xf32> to vector<16xf32>
        tpu.vector_store %arg7[%swap3A], %swap3A_750 {strides = array<i32>} : memref<8192xf32, #tpu.memory_space<vmem>>, vector<16xf32>,
        %while3A_751 = arith.constant 0 : i32
        scf.yield %while3A_751 : i32
      }
    } else {
    }
    %slice3A_626 = vector.extract_strided_slice %get3A_36 {offsets = [14], sizes = [1], strides = [1]} : vector<16xi32> to vector<1xi32>
    %squeeze3A_627 = vector.extract %slice3A_626[0] : i32 from vector<1xi32>
    %mul3A_628 = arith.constant 256 : i32
    %mul3A_629 = arith.muli %squeeze3A_627, %mul3A_628 : i32
    %sub3A_630 = arith.subi %mul3A_32, %mul3A_629 : i32
    %max3A_631 = arith.constant 0 : i32
    %max3A_632 = arith.maxsi %max3A_631, %sub3A_630 : i32
    %sub3A_633 = arith.subi %mul3A_629, %mul3A_32 : i32
    %max3A_634 = arith.constant 0 : i32
    %max3A_635 = arith.maxsi %max3A_634, %sub3A_633 : i32
    %sub3A_636 = arith.constant 8192 : i32
    %sub3A_637 = arith.subi %sub3A_636, %max3A_635 : i32
    %jit3A_638 = arith.constant 16 : i32
    %div3A_639 = arith.divsi %sub3A_637, %jit3A_638 : i32
    %sign3A_640 = arith.constant 0 : i32
    %sign3A_641 = arith.cmpi sgt, %sub3A_637, %sign3A_640 : i32
    %sign3A_642 = arith.extui %sign3A_641 : i1 to i32
    %sign3A_643 = arith.constant 0 : i32
    %sign3A_644 = arith.cmpi slt, %sub3A_637, %sign3A_643 : i32
    %sign3A_645 = arith.extui %sign3A_644 : i1 to i32
    %sign3A_646 = arith.subi %sign3A_642, %sign3A_645 : i32
    %sign3A_647 = arith.constant 0 : i32
    %sign3A_648 = arith.cmpi sgt, %jit3A_638, %sign3A_647 : i32
    %sign3A_649 = arith.extui %sign3A_648 : i1 to i32
    %sign3A_650 = arith.constant 0 : i32
    %sign3A_651 = arith.cmpi slt, %jit3A_638, %sign3A_650 : i32
    %sign3A_652 = arith.extui %sign3A_651 : i1 to i32
    %sign3A_653 = arith.subi %sign3A_649, %sign3A_652 : i32
    %ne3A_654 = arith.cmpi ne, %sign3A_646, %sign3A_653 : i32
    %rem3A_655 = arith.remsi %sub3A_637, %jit3A_638 : i32
    %ne3A_656 = arith.constant 0 : i32
    %ne3A_657 = arith.cmpi ne, %rem3A_655, %ne3A_656 : i32
    %and3A_658 = arith.andi %ne3A_654, %ne3A_657 : i1
    %sub3A_659 = arith.constant 1 : i32
    %sub3A_660 = arith.subi %div3A_639, %sub3A_659 : i32
    %select_n3A_661 = arith.select %and3A_658, %sub3A_660, %div3A_639 : i32
    %add3A_662 = arith.constant 8192 : i32
    %add3A_663 = arith.addi %mul3A_32, %add3A_662 : i32
    %lt3A_664 = arith.cmpi slt, %mul3A_629, %add3A_663 : i32
    %convert_element_type3A_665 = arith.extui %lt3A_664 : i1 to i32
    %cond3A_666 = arith.constant 0 : i32
    %cond3A_667 = arith.cmpi ne, %convert_element_type3A_665, %cond3A_666 : i32
    scf.if %cond3A_667 {
      %mul3A_714 = arith.constant 16 : i32
      %mul3A_715 = arith.muli %select_n3A, %mul3A_714 : i32
      %add3A_716 = arith.constant 14 : i32
      %add3A_717 = arith.addi %mul3A_715, %add3A_716 : i32
      %mul3A_718 = arith.constant 32768 : i32
      %mul3A_719 = arith.muli %add3A_717, %mul3A_718 : i32
      %add3A_720 = arith.addi %mul3A_719, %max3A_632 : i32
      %multiple_of3A_721 = tpu.assume_multiple %add3A_720, 256 : i32
      "tpu.region"() ({
        %run_scoped3A = tpu.sem_alloc : memref<!tpu.dma_semaphore, #tpu.memory_space<semaphore_mem>>
        %dma_start3A = tpu.memref_slice %arg2[%multiple_of3A_721] : memref<4194304xf32, #tpu.memory_space<hbm>> -> memref<8192xf32, #tpu.memory_space<hbm>>
        %dma_start3A_733 = tpu.memref_slice %arg2[%multiple_of3A_721] : memref<4194304xf32, #tpu.memory_space<hbm>> -> memref<8192xf32, #tpu.memory_space<hbm>>
        tpu.enqueue_dma source(%dma_start3A_733 : memref<8192xf32, #tpu.memory_space<hbm>>) target(%arg6 : memref<8192xf32, #tpu.memory_space<vmem>>) target_semaphore(%run_scoped3A : memref<!tpu.dma_semaphore, #tpu.memory_space<semaphore_mem>>)
        %dma_wait3A = tpu.memref_slice %arg2[%multiple_of3A_721] : memref<4194304xf32, #tpu.memory_space<hbm>> -> memref<8192xf32, #tpu.memory_space<hbm>>
        %dma_wait3A_734 = tpu.memref_slice %arg2[%multiple_of3A_721] : memref<4194304xf32, #tpu.memory_space<hbm>> -> memref<8192xf32, #tpu.memory_space<hbm>>
        tpu.wait_dma2 semaphore(%run_scoped3A : memref<!tpu.dma_semaphore, #tpu.memory_space<semaphore_mem>>) src(%dma_wait3A_734 : memref<8192xf32, #tpu.memory_space<hbm>>) dst(%arg6 : memref<8192xf32, #tpu.memory_space<vmem>>)
        tpu.yield
      }) : () -> ()
      %while3A = arith.constant 0 : i32
      %while3A_722 = arith.constant 0 : i32
      %while3A_723 = arith.subi %select_n3A_661, %while3A : i32
      %while3A_724 = arith.addi %while3A, %while3A_723 : i32
      %while3A_725 = arith.constant 1 : i32
      %while3A_726 = arith.divsi %while3A_723, %while3A_725 : i32
      %while3A_727 = arith.muli %while3A_726, %while3A_725 : i32
      %while3A_728 = arith.addi %while3A, %while3A_727 : i32
      %while3A_729 = arith.constant 1 : i32
      %while3A_730 = scf.for %while3A_733 = %while3A to %while3A_728 step %while3A_729 iter_args(%while3A_734 = %while3A_722) -> (i32)  : i32 {
        %mul3A_735 = arith.constant 16 : i32
        %mul3A_736 = arith.muli %while3A_733, %mul3A_735 : i32
        %add3A_737 = arith.addi %max3A_635, %mul3A_736 : i32
        %multiple_of3A_738 = tpu.assume_multiple %add3A_737, 16 : i32
        %get3A_739 = arith.index_cast %multiple_of3A_738 : i32 to index
        %get3A_740 = tpu.vector_load %arg7[%get3A_739] {strides = array<i32>} : memref<8192xf32, #tpu.memory_space<vmem>>, vector<16xf32>,
        %get3A_741 = vector.shape_cast %get3A_740 : vector<16xf32> to vector<16xf32>
        %mul3A_742 = arith.constant 16 : i32
        %mul3A_743 = arith.muli %while3A_733, %mul3A_742 : i32
        %get3A_744 = arith.index_cast %mul3A_743 : i32 to index
        %get3A_745 = tpu.vector_load %arg6[%get3A_744] {strides = array<i32>} : memref<8192xf32, #tpu.memory_space<vmem>>, vector<16xf32>,
        %get3A_746 = vector.shape_cast %get3A_745 : vector<16xf32> to vector<16xf32>
        %add3A_747 = arith.addf %get3A_741, %get3A_746 : vector<16xf32>
        %swap3A = arith.index_cast %multiple_of3A_738 : i32 to index
        %swap3A_748 = tpu.vector_load %arg7[%swap3A] {strides = array<i32>} : memref<8192xf32, #tpu.memory_space<vmem>>, vector<16xf32>,
        %swap3A_749 = vector.shape_cast %swap3A_748 : vector<16xf32> to vector<16xf32>
        %swap3A_750 = vector.shape_cast %add3A_747 : vector<16xf32> to vector<16xf32>
        tpu.vector_store %arg7[%swap3A], %swap3A_750 {strides = array<i32>} : memref<8192xf32, #tpu.memory_space<vmem>>, vector<16xf32>,
        %while3A_751 = arith.constant 0 : i32
        scf.yield %while3A_751 : i32
      }
      %while3A_731 = arith.constant 1 : i32
      %while3A_732 = scf.for %while3A_733 = %while3A_728 to %while3A_724 step %while3A_731 iter_args(%while3A_734 = %while3A_730) -> (i32)  : i32 {
        %mul3A_735 = arith.constant 16 : i32
        %mul3A_736 = arith.muli %while3A_733, %mul3A_735 : i32
        %add3A_737 = arith.addi %max3A_635, %mul3A_736 : i32
        %multiple_of3A_738 = tpu.assume_multiple %add3A_737, 16 : i32
        %get3A_739 = arith.index_cast %multiple_of3A_738 : i32 to index
        %get3A_740 = tpu.vector_load %arg7[%get3A_739] {strides = array<i32>} : memref<8192xf32, #tpu.memory_space<vmem>>, vector<16xf32>,
        %get3A_741 = vector.shape_cast %get3A_740 : vector<16xf32> to vector<16xf32>
        %mul3A_742 = arith.constant 16 : i32
        %mul3A_743 = arith.muli %while3A_733, %mul3A_742 : i32
        %get3A_744 = arith.index_cast %mul3A_743 : i32 to index
        %get3A_745 = tpu.vector_load %arg6[%get3A_744] {strides = array<i32>} : memref<8192xf32, #tpu.memory_space<vmem>>, vector<16xf32>,
        %get3A_746 = vector.shape_cast %get3A_745 : vector<16xf32> to vector<16xf32>
        %add3A_747 = arith.addf %get3A_741, %get3A_746 : vector<16xf32>
        %swap3A = arith.index_cast %multiple_of3A_738 : i32 to index
        %swap3A_748 = tpu.vector_load %arg7[%swap3A] {strides = array<i32>} : memref<8192xf32, #tpu.memory_space<vmem>>, vector<16xf32>,
        %swap3A_749 = vector.shape_cast %swap3A_748 : vector<16xf32> to vector<16xf32>
        %swap3A_750 = vector.shape_cast %add3A_747 : vector<16xf32> to vector<16xf32>
        tpu.vector_store %arg7[%swap3A], %swap3A_750 {strides = array<i32>} : memref<8192xf32, #tpu.memory_space<vmem>>, vector<16xf32>,
        %while3A_751 = arith.constant 0 : i32
        scf.yield %while3A_751 : i32
      }
    } else {
    }
    %slice3A_668 = vector.extract_strided_slice %get3A_36 {offsets = [15], sizes = [1], strides = [1]} : vector<16xi32> to vector<1xi32>
    %squeeze3A_669 = vector.extract %slice3A_668[0] : i32 from vector<1xi32>
    %mul3A_670 = arith.constant 256 : i32
    %mul3A_671 = arith.muli %squeeze3A_669, %mul3A_670 : i32
    %sub3A_672 = arith.subi %mul3A_32, %mul3A_671 : i32
    %max3A_673 = arith.constant 0 : i32
    %max3A_674 = arith.maxsi %max3A_673, %sub3A_672 : i32
    %sub3A_675 = arith.subi %mul3A_671, %mul3A_32 : i32
    %max3A_676 = arith.constant 0 : i32
    %max3A_677 = arith.maxsi %max3A_676, %sub3A_675 : i32
    %sub3A_678 = arith.constant 8192 : i32
    %sub3A_679 = arith.subi %sub3A_678, %max3A_677 : i32
    %jit3A_680 = arith.constant 16 : i32
    %div3A_681 = arith.divsi %sub3A_679, %jit3A_680 : i32
    %sign3A_682 = arith.constant 0 : i32
    %sign3A_683 = arith.cmpi sgt, %sub3A_679, %sign3A_682 : i32
    %sign3A_684 = arith.extui %sign3A_683 : i1 to i32
    %sign3A_685 = arith.constant 0 : i32
    %sign3A_686 = arith.cmpi slt, %sub3A_679, %sign3A_685 : i32
    %sign3A_687 = arith.extui %sign3A_686 : i1 to i32
    %sign3A_688 = arith.subi %sign3A_684, %sign3A_687 : i32
    %sign3A_689 = arith.constant 0 : i32
    %sign3A_690 = arith.cmpi sgt, %jit3A_680, %sign3A_689 : i32
    %sign3A_691 = arith.extui %sign3A_690 : i1 to i32
    %sign3A_692 = arith.constant 0 : i32
    %sign3A_693 = arith.cmpi slt, %jit3A_680, %sign3A_692 : i32
    %sign3A_694 = arith.extui %sign3A_693 : i1 to i32
    %sign3A_695 = arith.subi %sign3A_691, %sign3A_694 : i32
    %ne3A_696 = arith.cmpi ne, %sign3A_688, %sign3A_695 : i32
    %rem3A_697 = arith.remsi %sub3A_679, %jit3A_680 : i32
    %ne3A_698 = arith.constant 0 : i32
    %ne3A_699 = arith.cmpi ne, %rem3A_697, %ne3A_698 : i32
    %and3A_700 = arith.andi %ne3A_696, %ne3A_699 : i1
    %sub3A_701 = arith.constant 1 : i32
    %sub3A_702 = arith.subi %div3A_681, %sub3A_701 : i32
    %select_n3A_703 = arith.select %and3A_700, %sub3A_702, %div3A_681 : i32
    %add3A_704 = arith.constant 8192 : i32
    %add3A_705 = arith.addi %mul3A_32, %add3A_704 : i32
    %lt3A_706 = arith.cmpi slt, %mul3A_671, %add3A_705 : i32
    %convert_element_type3A_707 = arith.extui %lt3A_706 : i1 to i32
    %cond3A_708 = arith.constant 0 : i32
    %cond3A_709 = arith.cmpi ne, %convert_element_type3A_707, %cond3A_708 : i32
    scf.if %cond3A_709 {
      %mul3A_714 = arith.constant 16 : i32
      %mul3A_715 = arith.muli %select_n3A, %mul3A_714 : i32
      %add3A_716 = arith.constant 15 : i32
      %add3A_717 = arith.addi %mul3A_715, %add3A_716 : i32
      %mul3A_718 = arith.constant 32768 : i32
      %mul3A_719 = arith.muli %add3A_717, %mul3A_718 : i32
      %add3A_720 = arith.addi %mul3A_719, %max3A_674 : i32
      %multiple_of3A_721 = tpu.assume_multiple %add3A_720, 256 : i32
      "tpu.region"() ({
        %run_scoped3A = tpu.sem_alloc : memref<!tpu.dma_semaphore, #tpu.memory_space<semaphore_mem>>
        %dma_start3A = tpu.memref_slice %arg2[%multiple_of3A_721] : memref<4194304xf32, #tpu.memory_space<hbm>> -> memref<8192xf32, #tpu.memory_space<hbm>>
        %dma_start3A_733 = tpu.memref_slice %arg2[%multiple_of3A_721] : memref<4194304xf32, #tpu.memory_space<hbm>> -> memref<8192xf32, #tpu.memory_space<hbm>>
        tpu.enqueue_dma source(%dma_start3A_733 : memref<8192xf32, #tpu.memory_space<hbm>>) target(%arg6 : memref<8192xf32, #tpu.memory_space<vmem>>) target_semaphore(%run_scoped3A : memref<!tpu.dma_semaphore, #tpu.memory_space<semaphore_mem>>)
        %dma_wait3A = tpu.memref_slice %arg2[%multiple_of3A_721] : memref<4194304xf32, #tpu.memory_space<hbm>> -> memref<8192xf32, #tpu.memory_space<hbm>>
        %dma_wait3A_734 = tpu.memref_slice %arg2[%multiple_of3A_721] : memref<4194304xf32, #tpu.memory_space<hbm>> -> memref<8192xf32, #tpu.memory_space<hbm>>
        tpu.wait_dma2 semaphore(%run_scoped3A : memref<!tpu.dma_semaphore, #tpu.memory_space<semaphore_mem>>) src(%dma_wait3A_734 : memref<8192xf32, #tpu.memory_space<hbm>>) dst(%arg6 : memref<8192xf32, #tpu.memory_space<vmem>>)
        tpu.yield
      }) : () -> ()
      %while3A = arith.constant 0 : i32
      %while3A_722 = arith.constant 0 : i32
      %while3A_723 = arith.subi %select_n3A_703, %while3A : i32
      %while3A_724 = arith.addi %while3A, %while3A_723 : i32
      %while3A_725 = arith.constant 1 : i32
      %while3A_726 = arith.divsi %while3A_723, %while3A_725 : i32
      %while3A_727 = arith.muli %while3A_726, %while3A_725 : i32
      %while3A_728 = arith.addi %while3A, %while3A_727 : i32
      %while3A_729 = arith.constant 1 : i32
      %while3A_730 = scf.for %while3A_733 = %while3A to %while3A_728 step %while3A_729 iter_args(%while3A_734 = %while3A_722) -> (i32)  : i32 {
        %mul3A_735 = arith.constant 16 : i32
        %mul3A_736 = arith.muli %while3A_733, %mul3A_735 : i32
        %add3A_737 = arith.addi %max3A_677, %mul3A_736 : i32
        %multiple_of3A_738 = tpu.assume_multiple %add3A_737, 16 : i32
        %get3A_739 = arith.index_cast %multiple_of3A_738 : i32 to index
        %get3A_740 = tpu.vector_load %arg7[%get3A_739] {strides = array<i32>} : memref<8192xf32, #tpu.memory_space<vmem>>, vector<16xf32>,
        %get3A_741 = vector.shape_cast %get3A_740 : vector<16xf32> to vector<16xf32>
        %mul3A_742 = arith.constant 16 : i32
        %mul3A_743 = arith.muli %while3A_733, %mul3A_742 : i32
        %get3A_744 = arith.index_cast %mul3A_743 : i32 to index
        %get3A_745 = tpu.vector_load %arg6[%get3A_744] {strides = array<i32>} : memref<8192xf32, #tpu.memory_space<vmem>>, vector<16xf32>,
        %get3A_746 = vector.shape_cast %get3A_745 : vector<16xf32> to vector<16xf32>
        %add3A_747 = arith.addf %get3A_741, %get3A_746 : vector<16xf32>
        %swap3A = arith.index_cast %multiple_of3A_738 : i32 to index
        %swap3A_748 = tpu.vector_load %arg7[%swap3A] {strides = array<i32>} : memref<8192xf32, #tpu.memory_space<vmem>>, vector<16xf32>,
        %swap3A_749 = vector.shape_cast %swap3A_748 : vector<16xf32> to vector<16xf32>
        %swap3A_750 = vector.shape_cast %add3A_747 : vector<16xf32> to vector<16xf32>
        tpu.vector_store %arg7[%swap3A], %swap3A_750 {strides = array<i32>} : memref<8192xf32, #tpu.memory_space<vmem>>, vector<16xf32>,
        %while3A_751 = arith.constant 0 : i32
        scf.yield %while3A_751 : i32
      }
      %while3A_731 = arith.constant 1 : i32
      %while3A_732 = scf.for %while3A_733 = %while3A_728 to %while3A_724 step %while3A_731 iter_args(%while3A_734 = %while3A_730) -> (i32)  : i32 {
        %mul3A_735 = arith.constant 16 : i32
        %mul3A_736 = arith.muli %while3A_733, %mul3A_735 : i32
        %add3A_737 = arith.addi %max3A_677, %mul3A_736 : i32
        %multiple_of3A_738 = tpu.assume_multiple %add3A_737, 16 : i32
        %get3A_739 = arith.index_cast %multiple_of3A_738 : i32 to index
        %get3A_740 = tpu.vector_load %arg7[%get3A_739] {strides = array<i32>} : memref<8192xf32, #tpu.memory_space<vmem>>, vector<16xf32>,
        %get3A_741 = vector.shape_cast %get3A_740 : vector<16xf32> to vector<16xf32>
        %mul3A_742 = arith.constant 16 : i32
        %mul3A_743 = arith.muli %while3A_733, %mul3A_742 : i32
        %get3A_744 = arith.index_cast %mul3A_743 : i32 to index
        %get3A_745 = tpu.vector_load %arg6[%get3A_744] {strides = array<i32>} : memref<8192xf32, #tpu.memory_space<vmem>>, vector<16xf32>,
        %get3A_746 = vector.shape_cast %get3A_745 : vector<16xf32> to vector<16xf32>
        %add3A_747 = arith.addf %get3A_741, %get3A_746 : vector<16xf32>
        %swap3A = arith.index_cast %multiple_of3A_738 : i32 to index
        %swap3A_748 = tpu.vector_load %arg7[%swap3A] {strides = array<i32>} : memref<8192xf32, #tpu.memory_space<vmem>>, vector<16xf32>,
        %swap3A_749 = vector.shape_cast %swap3A_748 : vector<16xf32> to vector<16xf32>
        %swap3A_750 = vector.shape_cast %add3A_747 : vector<16xf32> to vector<16xf32>
        tpu.vector_store %arg7[%swap3A], %swap3A_750 {strides = array<i32>} : memref<8192xf32, #tpu.memory_space<vmem>>, vector<16xf32>,
        %while3A_751 = arith.constant 0 : i32
        scf.yield %while3A_751 : i32
      }
    } else {
    }
    %mul3A_710 = arith.constant 32768 : i32
    %mul3A_711 = arith.muli %select_n3A, %mul3A_710 : i32
    %add3A_712 = arith.addi %mul3A_711, %mul3A_32 : i32
    %multiple_of3A_713 = tpu.assume_multiple %add3A_712, 256 : i32
    "tpu.region"() ({
      %run_scoped3A = tpu.sem_alloc : memref<!tpu.dma_semaphore, #tpu.memory_space<semaphore_mem>>
      %dma_start3A = tpu.memref_slice %arg4[%multiple_of3A_713] : memref<262144xf32, #tpu.memory_space<hbm>> -> memref<8192xf32, #tpu.memory_space<hbm>>
      %dma_start3A_714 = tpu.memref_slice %arg4[%multiple_of3A_713] : memref<262144xf32, #tpu.memory_space<hbm>> -> memref<8192xf32, #tpu.memory_space<hbm>>
      tpu.enqueue_dma source(%arg7 : memref<8192xf32, #tpu.memory_space<vmem>>) target(%dma_start3A_714 : memref<8192xf32, #tpu.memory_space<hbm>>) target_semaphore(%run_scoped3A : memref<!tpu.dma_semaphore, #tpu.memory_space<semaphore_mem>>)
      %dma_wait3A = tpu.memref_slice %arg4[%multiple_of3A_713] : memref<262144xf32, #tpu.memory_space<hbm>> -> memref<8192xf32, #tpu.memory_space<hbm>>
      %dma_wait3A_715 = tpu.memref_slice %arg4[%multiple_of3A_713] : memref<262144xf32, #tpu.memory_space<hbm>> -> memref<8192xf32, #tpu.memory_space<hbm>>
      tpu.wait_dma2 semaphore(%run_scoped3A : memref<!tpu.dma_semaphore, #tpu.memory_space<semaphore_mem>>) src(%arg7 : memref<8192xf32, #tpu.memory_space<vmem>>) dst(%dma_wait3A_715 : memref<8192xf32, #tpu.memory_space<hbm>>)
      tpu.yield
    }) : () -> ()
    return
  }
}

module attributes {stable_mosaic.version = 14 : i64} {
  func.func @_conv_pool_body(%arg0: i32, %arg1: i32, %arg2: memref<8x258x128xf32, #tpu.memory_space<vmem>>, %arg3: memref<128x16384xf32, #tpu.memory_space<vmem>>, %arg4: memref<128x8192xf32, #tpu.memory_space<vmem>>, %arg5: memref<128x8192xf32, #tpu.memory_space<vmem>>, %arg6: memref<1x64x128xf32, #tpu.memory_space<vmem>>) attributes {dimension_semantics = [#tpu.dimension_semantics<arbitrary>, #tpu.dimension_semantics<arbitrary>], iteration_bounds = array<i64: 8, 2>, scalar_prefetch = 0 : i64, scratch_operands = 0 : i64, tpu.core_type = #tpu.core_type<tc>, window_params = [{pipeline_mode = #tpu.pipeline_mode<synchronous>, transform_indices = @transform_0, window_bounds = array<i64: 8, 258, 128>}, {pipeline_mode = #tpu.pipeline_mode<synchronous>, transform_indices = @transform_1, window_bounds = array<i64: 128, 16384>}, {pipeline_mode = #tpu.pipeline_mode<synchronous>, transform_indices = @transform_2, window_bounds = array<i64: 128, 8192>}, {pipeline_mode = #tpu.pipeline_mode<synchronous>, transform_indices = @transform_3, window_bounds = array<i64: 128, 8192>}, {transform_indices = @transform_4, window_bounds = array<i64: 1, 64, 128>}]} {
    %mul3A = arith.constant 128 : i32
    %mul3A_0 = arith.muli %arg1, %mul3A : i32
    %add3A = arith.constant 0 : i32
    %add3A_1 = arith.addi %mul3A_0, %add3A : i32
    %get3A = arith.index_cast %arg0 : i32 to index
    %get3A_2 = arith.index_cast %add3A_1 : i32 to index
    %get3A_3 = arith.constant 0 : index
    %get3A_4 = vector.load %arg2[%get3A, %get3A_2, %get3A_3] : memref<8x258x128xf32, #tpu.memory_space<vmem>>, vector<1x128x128xf32>
    %get3A_5 = vector.shape_cast %get3A_4 : vector<1x128x128xf32> to vector<128x128xf32>
    %add3A_6 = arith.constant 1 : i32
    %add3A_7 = arith.addi %mul3A_0, %add3A_6 : i32
    %get3A_8 = arith.index_cast %arg0 : i32 to index
    %get3A_9 = arith.index_cast %add3A_7 : i32 to index
    %get3A_10 = arith.constant 0 : index
    %get3A_11 = vector.load %arg2[%get3A_8, %get3A_9, %get3A_10] : memref<8x258x128xf32, #tpu.memory_space<vmem>>, vector<1x128x128xf32>
    %get3A_12 = vector.shape_cast %get3A_11 : vector<1x128x128xf32> to vector<128x128xf32>
    %add3A_13 = arith.constant 2 : i32
    %add3A_14 = arith.addi %mul3A_0, %add3A_13 : i32
    %get3A_15 = arith.index_cast %arg0 : i32 to index
    %get3A_16 = arith.index_cast %add3A_14 : i32 to index
    %get3A_17 = arith.constant 0 : index
    %get3A_18 = vector.load %arg2[%get3A_15, %get3A_16, %get3A_17] : memref<8x258x128xf32, #tpu.memory_space<vmem>>, vector<1x128x128xf32>
    %get3A_19 = vector.shape_cast %get3A_18 : vector<1x128x128xf32> to vector<128x128xf32>
    %get3A_20 = arith.constant 0 : index
    %get3A_21 = arith.constant 0 : index
    %get3A_22 = vector.load %arg3[%get3A_20, %get3A_21] : memref<128x16384xf32, #tpu.memory_space<vmem>>, vector<128x16384xf32>
    %dot_general3A = arith.constant dense<0.000000e+00> : vector<128x16384xf32>
    %dot_general3A_23 = tpu.matmul %get3A_12, %get3A_22, %dot_general3A {dimension_numbers = #tpu.dot_dimension_numbers<[1], [0], [0], [1], [0, 0, 1, 1], [], []>, precision = #tpu.contract_precision<fp32>, transpose_lhs_hint = false} : vector<128x128xf32>, vector<128x16384xf32>, vector<128x16384xf32> -> vector<128x16384xf32>
    %get3A_24 = arith.constant 0 : index
    %get3A_25 = arith.constant 0 : index
    %get3A_26 = vector.load %arg4[%get3A_24, %get3A_25] : memref<128x8192xf32, #tpu.memory_space<vmem>>, vector<128x8192xf32>
    %dot_general3A_27 = arith.constant dense<0.000000e+00> : vector<128x8192xf32>
    %dot_general3A_28 = tpu.matmul %get3A_5, %get3A_26, %dot_general3A_27 {dimension_numbers = #tpu.dot_dimension_numbers<[1], [0], [0], [1], [0, 0, 1, 1], [], []>, precision = #tpu.contract_precision<fp32>, transpose_lhs_hint = false} : vector<128x128xf32>, vector<128x8192xf32>, vector<128x8192xf32> -> vector<128x8192xf32>
    %get3A_29 = arith.constant 0 : index
    %get3A_30 = arith.constant 0 : index
    %get3A_31 = vector.load %arg5[%get3A_29, %get3A_30] : memref<128x8192xf32, #tpu.memory_space<vmem>>, vector<128x8192xf32>
    %dot_general3A_32 = arith.constant dense<0.000000e+00> : vector<128x8192xf32>
    %dot_general3A_33 = tpu.matmul %get3A_19, %get3A_31, %dot_general3A_32 {dimension_numbers = #tpu.dot_dimension_numbers<[1], [0], [0], [1], [0, 0, 1, 1], [], []>, precision = #tpu.contract_precision<fp32>, transpose_lhs_hint = false} : vector<128x128xf32>, vector<128x8192xf32>, vector<128x8192xf32> -> vector<128x8192xf32>
    %concatenate3A = tpu.concatenate %dot_general3A_28, %dot_general3A_33 in 1 : vector<128x8192xf32>, vector<128x8192xf32> -> vector<128x16384xf32>
    %add3A_34 = arith.addf %dot_general3A_23, %concatenate3A : vector<128x16384xf32>
    %abs3A = math.absf %add3A_34 : vector<128x16384xf32>
    %reshape3A = vector.shape_cast %abs3A : vector<128x16384xf32> to vector<128x128x128xf32>
    %reduce_sum3A = arith.constant dense<0.000000e+00> : vector<128x128xf32>
    %reduce_sum3A_35 = vector.multi_reduction <add>, %reshape3A, %reduce_sum3A [1] : vector<128x128x128xf32> to vector<128x128xf32>
    %reshape3A_36 = vector.shape_cast %reduce_sum3A_35 : vector<128x128xf32> to vector<64x2x128xf32>
    %reduce_sum3A_37 = arith.constant dense<0.000000e+00> : vector<64x128xf32>
    %reduce_sum3A_38 = vector.multi_reduction <add>, %reshape3A_36, %reduce_sum3A_37 [1] : vector<64x2x128xf32> to vector<64x128xf32>
    %mul3A_39 = arith.constant 3.906250e-03 : f32
    %mul3A_40 = vector.broadcast %mul3A_39 : f32 to vector<64x128xf32>
    %mul3A_41 = arith.mulf %reduce_sum3A_38, %mul3A_40 : vector<64x128xf32>
    %swap3A = arith.constant 0 : index
    %swap3A_42 = arith.constant 0 : index
    %swap3A_43 = arith.constant 0 : index
    %swap3A_44 = vector.load %arg6[%swap3A, %swap3A_42, %swap3A_43] : memref<1x64x128xf32, #tpu.memory_space<vmem>>, vector<1x64x128xf32>
    %swap3A_45 = vector.shape_cast %swap3A_44 : vector<1x64x128xf32> to vector<64x128xf32>
    %swap3A_46 = vector.shape_cast %mul3A_41 : vector<64x128xf32> to vector<1x64x128xf32>
    tpu.vector_store %arg6[%swap3A, %swap3A_42, %swap3A_43], %swap3A_46 {strides = array<i32>} : memref<1x64x128xf32, #tpu.memory_space<vmem>>, vector<1x64x128xf32>,
    return
  }
  func.func @transform_0(%arg0: i32, %arg1: i32) -> (i32, i32, i32) {
    %c0_i32 = arith.constant 0 : i32
    %c0_i32_0 = arith.constant 0 : i32
    %c0_i32_1 = arith.constant 0 : i32
    %c0_i32_2 = arith.constant 0 : i32
    return %c0_i32, %c0_i32_0, %c0_i32_1 : i32, i32, i32
  }
  func.func @transform_1(%arg0: i32, %arg1: i32) -> (i32, i32) {
    %c0_i32 = arith.constant 0 : i32
    %c0_i32_0 = arith.constant 0 : i32
    %c0_i32_1 = arith.constant 0 : i32
    return %c0_i32, %c0_i32_0 : i32, i32
  }
  func.func @transform_2(%arg0: i32, %arg1: i32) -> (i32, i32) {
    %c0_i32 = arith.constant 0 : i32
    %c0_i32_0 = arith.constant 0 : i32
    %c0_i32_1 = arith.constant 0 : i32
    return %c0_i32, %c0_i32_0 : i32, i32
  }
  func.func @transform_3(%arg0: i32, %arg1: i32) -> (i32, i32) {
    %c0_i32 = arith.constant 0 : i32
    %c0_i32_0 = arith.constant 0 : i32
    %c0_i32_1 = arith.constant 0 : i32
    return %c0_i32, %c0_i32_0 : i32, i32
  }
  func.func @transform_4(%arg0: i32, %arg1: i32) -> (i32, i32, i32) {
    %c0_i32 = arith.constant 0 : i32
    %c0_i32_0 = arith.constant 0 : i32
    return %arg0, %arg1, %c0_i32 : i32, i32, i32
  }
}

module attributes {stable_mosaic.version = 14 : i64} {
  func.func @_stage_b_body(%arg0: memref<8x128x128xf32, #tpu.memory_space<vmem>>, %arg1: memref<128x128xf32, #tpu.memory_space<vmem>>, %arg2: memref<40x128xf32, #tpu.memory_space<vmem>>, %arg3: memref<128x40xf32, #tpu.memory_space<vmem>>, %arg4: memref<5x3x128x128xf32, #tpu.memory_space<vmem>>, %arg5: memref<128x128xf32, #tpu.memory_space<vmem>>, %arg6: memref<8x128xi32, #tpu.memory_space<vmem>>) attributes {dimension_semantics = [], scalar_prefetch = 0 : i64, scratch_operands = 0 : i64, tpu.core_type = #tpu.core_type<tc>} {
    %get3A = arith.constant 0 : index
    %get3A_0 = arith.constant 0 : index
    %get3A_1 = arith.constant 0 : index
    %get3A_2 = vector.load %arg0[%get3A, %get3A_0, %get3A_1] : memref<8x128x128xf32, #tpu.memory_space<vmem>>, vector<8x128x128xf32>
    %reshape3A = vector.shape_cast %get3A_2 : vector<8x128x128xf32> to vector<1024x128xf32>
    %get3A_3 = arith.constant 0 : index
    %get3A_4 = arith.constant 0 : index
    %get3A_5 = vector.load %arg1[%get3A_3, %get3A_4] : memref<128x128xf32, #tpu.memory_space<vmem>>, vector<128x128xf32>
    %dot_general3A = arith.constant dense<0.000000e+00> : vector<1024x128xf32>
    %dot_general3A_6 = tpu.matmul %reshape3A, %get3A_5, %dot_general3A {dimension_numbers = #tpu.dot_dimension_numbers<[1], [0], [0], [1], [0, 0, 1, 1], [], []>, precision = #tpu.contract_precision<fp32>, transpose_lhs_hint = false} : vector<1024x128xf32>, vector<128x128xf32>, vector<1024x128xf32> -> vector<1024x128xf32>
    %get3A_7 = arith.constant 0 : index
    %get3A_8 = arith.constant 0 : index
    %get3A_9 = vector.load %arg3[%get3A_7, %get3A_8] : memref<128x40xf32, #tpu.memory_space<vmem>>, vector<128x40xf32>
    %get3A_10 = arith.constant 0 : index
    %get3A_11 = arith.constant 0 : index
    %get3A_12 = vector.load %arg2[%get3A_10, %get3A_11] : memref<40x128xf32, #tpu.memory_space<vmem>>, vector<40x128xf32>
    %dot_general3A_13 = arith.constant dense<0.000000e+00> : vector<128x128xf32>
    %dot_general3A_14 = tpu.matmul %get3A_9, %get3A_12, %dot_general3A_13 {dimension_numbers = #tpu.dot_dimension_numbers<[1], [0], [0], [1], [0, 0, 1, 1], [], []>, precision = #tpu.contract_precision<fp32>, transpose_lhs_hint = false} : vector<128x40xf32>, vector<40x128xf32>, vector<128x128xf32> -> vector<128x128xf32>
    %reshape3A_15 = vector.shape_cast %dot_general3A_6 : vector<1024x128xf32> to vector<8x128x128xf32>
    %broadcast_in_dim3A = vector.shape_cast %dot_general3A_14 : vector<128x128xf32> to vector<1x128x128xf32>
    %add3A = vector.broadcast %broadcast_in_dim3A : vector<1x128x128xf32> to vector<8x128x128xf32>
    %add3A_16 = arith.addf %reshape3A_15, %add3A : vector<8x128x128xf32>
    %get3A_17 = arith.constant 0 : index
    %get3A_18 = arith.constant 0 : index
    %get3A_19 = arith.constant 0 : index
    %get3A_20 = arith.constant 0 : index
    %get3A_21 = vector.load %arg4[%get3A_17, %get3A_18, %get3A_19, %get3A_20] : memref<5x3x128x128xf32, #tpu.memory_space<vmem>>, vector<1x1x128x128xf32>
    %get3A_22 = vector.shape_cast %get3A_21 : vector<1x1x128x128xf32> to vector<128x128xf32>
    %get3A_23 = arith.constant 0 : index
    %get3A_24 = arith.constant 1 : index
    %get3A_25 = arith.constant 0 : index
    %get3A_26 = arith.constant 0 : index
    %get3A_27 = vector.load %arg4[%get3A_23, %get3A_24, %get3A_25, %get3A_26] : memref<5x3x128x128xf32, #tpu.memory_space<vmem>>, vector<1x1x128x128xf32>
    %get3A_28 = vector.shape_cast %get3A_27 : vector<1x1x128x128xf32> to vector<128x128xf32>
    %get3A_29 = arith.constant 0 : index
    %get3A_30 = arith.constant 2 : index
    %get3A_31 = arith.constant 0 : index
    %get3A_32 = arith.constant 0 : index
    %get3A_33 = vector.load %arg4[%get3A_29, %get3A_30, %get3A_31, %get3A_32] : memref<5x3x128x128xf32, #tpu.memory_space<vmem>>, vector<1x1x128x128xf32>
    %get3A_34 = vector.shape_cast %get3A_33 : vector<1x1x128x128xf32> to vector<128x128xf32>
    %broadcast_in_dim3A_35 = arith.constant 0.000000e+00 : f32
    %broadcast_in_dim3A_36 = vector.broadcast %broadcast_in_dim3A_35 : f32 to vector<8x1x128xf32>
    %slice3A = vector.extract_strided_slice %add3A_16 {offsets = [0, 0, 0], sizes = [8, 127, 128], strides = [1, 1, 1]} : vector<8x128x128xf32> to vector<8x127x128xf32>
    %concatenate3A = tpu.concatenate %broadcast_in_dim3A_36, %slice3A in 1 : vector<8x1x128xf32>, vector<8x127x128xf32> -> vector<8x128x128xf32>
    %slice3A_37 = vector.extract_strided_slice %add3A_16 {offsets = [0, 1, 0], sizes = [8, 127, 128], strides = [1, 1, 1]} : vector<8x128x128xf32> to vector<8x127x128xf32>
    %concatenate3A_38 = tpu.concatenate %slice3A_37, %broadcast_in_dim3A_36 in 1 : vector<8x127x128xf32>, vector<8x1x128xf32> -> vector<8x128x128xf32>
    %reshape3A_39 = vector.shape_cast %concatenate3A : vector<8x128x128xf32> to vector<1024x128xf32>
    %dot_general3A_40 = arith.constant dense<0.000000e+00> : vector<1024x128xf32>
    %dot_general3A_41 = tpu.matmul %reshape3A_39, %get3A_22, %dot_general3A_40 {dimension_numbers = #tpu.dot_dimension_numbers<[1], [0], [0], [1], [0, 0, 1, 1], [], []>, precision = #tpu.contract_precision<fp32>, transpose_lhs_hint = false} : vector<1024x128xf32>, vector<128x128xf32>, vector<1024x128xf32> -> vector<1024x128xf32>
    %reshape3A_42 = vector.shape_cast %add3A_16 : vector<8x128x128xf32> to vector<1024x128xf32>
    %dot_general3A_43 = arith.constant dense<0.000000e+00> : vector<1024x128xf32>
    %dot_general3A_44 = tpu.matmul %reshape3A_42, %get3A_28, %dot_general3A_43 {dimension_numbers = #tpu.dot_dimension_numbers<[1], [0], [0], [1], [0, 0, 1, 1], [], []>, precision = #tpu.contract_precision<fp32>, transpose_lhs_hint = false} : vector<1024x128xf32>, vector<128x128xf32>, vector<1024x128xf32> -> vector<1024x128xf32>
    %add3A_45 = arith.addf %dot_general3A_41, %dot_general3A_44 : vector<1024x128xf32>
    %reshape3A_46 = vector.shape_cast %concatenate3A_38 : vector<8x128x128xf32> to vector<1024x128xf32>
    %dot_general3A_47 = arith.constant dense<0.000000e+00> : vector<1024x128xf32>
    %dot_general3A_48 = tpu.matmul %reshape3A_46, %get3A_34, %dot_general3A_47 {dimension_numbers = #tpu.dot_dimension_numbers<[1], [0], [0], [1], [0, 0, 1, 1], [], []>, precision = #tpu.contract_precision<fp32>, transpose_lhs_hint = false} : vector<1024x128xf32>, vector<128x128xf32>, vector<1024x128xf32> -> vector<1024x128xf32>
    %add3A_49 = arith.addf %add3A_45, %dot_general3A_48 : vector<1024x128xf32>
    %reshape3A_50 = vector.shape_cast %add3A_49 : vector<1024x128xf32> to vector<8x128x128xf32>
    %ge3A = arith.constant 0.000000e+00 : f32
    %ge3A_51 = vector.broadcast %ge3A : f32 to vector<8x128x128xf32>
    %ge3A_52 = arith.cmpf oge, %reshape3A_50, %ge3A_51 : vector<8x128x128xf32>
    %mul3A = arith.constant 0.00999999977 : f32
    %mul3A_53 = vector.broadcast %mul3A : f32 to vector<8x128x128xf32>
    %mul3A_54 = arith.mulf %mul3A_53, %reshape3A_50 : vector<8x128x128xf32>
    %select_n3A = arith.select %ge3A_52, %reshape3A_50, %mul3A_54 : vector<8x128x128xi1>, vector<8x128x128xf32>
    %add3A_55 = arith.addf %select_n3A, %add3A_16 : vector<8x128x128xf32>
    %get3A_56 = arith.constant 1 : index
    %get3A_57 = arith.constant 0 : index
    %get3A_58 = arith.constant 0 : index
    %get3A_59 = arith.constant 0 : index
    %get3A_60 = vector.load %arg4[%get3A_56, %get3A_57, %get3A_58, %get3A_59] : memref<5x3x128x128xf32, #tpu.memory_space<vmem>>, vector<1x1x128x128xf32>
    %get3A_61 = vector.shape_cast %get3A_60 : vector<1x1x128x128xf32> to vector<128x128xf32>
    %get3A_62 = arith.constant 1 : index
    %get3A_63 = arith.constant 1 : index
    %get3A_64 = arith.constant 0 : index
    %get3A_65 = arith.constant 0 : index
    %get3A_66 = vector.load %arg4[%get3A_62, %get3A_63, %get3A_64, %get3A_65] : memref<5x3x128x128xf32, #tpu.memory_space<vmem>>, vector<1x1x128x128xf32>
    %get3A_67 = vector.shape_cast %get3A_66 : vector<1x1x128x128xf32> to vector<128x128xf32>
    %get3A_68 = arith.constant 1 : index
    %get3A_69 = arith.constant 2 : index
    %get3A_70 = arith.constant 0 : index
    %get3A_71 = arith.constant 0 : index
    %get3A_72 = vector.load %arg4[%get3A_68, %get3A_69, %get3A_70, %get3A_71] : memref<5x3x128x128xf32, #tpu.memory_space<vmem>>, vector<1x1x128x128xf32>
    %get3A_73 = vector.shape_cast %get3A_72 : vector<1x1x128x128xf32> to vector<128x128xf32>
    %broadcast_in_dim3A_74 = arith.constant 0.000000e+00 : f32
    %broadcast_in_dim3A_75 = vector.broadcast %broadcast_in_dim3A_74 : f32 to vector<8x3x128xf32>
    %slice3A_76 = vector.extract_strided_slice %add3A_55 {offsets = [0, 0, 0], sizes = [8, 125, 128], strides = [1, 1, 1]} : vector<8x128x128xf32> to vector<8x125x128xf32>
    %concatenate3A_77 = tpu.concatenate %broadcast_in_dim3A_75, %slice3A_76 in 1 : vector<8x3x128xf32>, vector<8x125x128xf32> -> vector<8x128x128xf32>
    %slice3A_78 = vector.extract_strided_slice %add3A_55 {offsets = [0, 3, 0], sizes = [8, 125, 128], strides = [1, 1, 1]} : vector<8x128x128xf32> to vector<8x125x128xf32>
    %concatenate3A_79 = tpu.concatenate %slice3A_78, %broadcast_in_dim3A_75 in 1 : vector<8x125x128xf32>, vector<8x3x128xf32> -> vector<8x128x128xf32>
    %reshape3A_80 = vector.shape_cast %concatenate3A_77 : vector<8x128x128xf32> to vector<1024x128xf32>
    %dot_general3A_81 = arith.constant dense<0.000000e+00> : vector<1024x128xf32>
    %dot_general3A_82 = tpu.matmul %reshape3A_80, %get3A_61, %dot_general3A_81 {dimension_numbers = #tpu.dot_dimension_numbers<[1], [0], [0], [1], [0, 0, 1, 1], [], []>, precision = #tpu.contract_precision<fp32>, transpose_lhs_hint = false} : vector<1024x128xf32>, vector<128x128xf32>, vector<1024x128xf32> -> vector<1024x128xf32>
    %reshape3A_83 = vector.shape_cast %add3A_55 : vector<8x128x128xf32> to vector<1024x128xf32>
    %dot_general3A_84 = arith.constant dense<0.000000e+00> : vector<1024x128xf32>
    %dot_general3A_85 = tpu.matmul %reshape3A_83, %get3A_67, %dot_general3A_84 {dimension_numbers = #tpu.dot_dimension_numbers<[1], [0], [0], [1], [0, 0, 1, 1], [], []>, precision = #tpu.contract_precision<fp32>, transpose_lhs_hint = false} : vector<1024x128xf32>, vector<128x128xf32>, vector<1024x128xf32> -> vector<1024x128xf32>
    %add3A_86 = arith.addf %dot_general3A_82, %dot_general3A_85 : vector<1024x128xf32>
    %reshape3A_87 = vector.shape_cast %concatenate3A_79 : vector<8x128x128xf32> to vector<1024x128xf32>
    %dot_general3A_88 = arith.constant dense<0.000000e+00> : vector<1024x128xf32>
    %dot_general3A_89 = tpu.matmul %reshape3A_87, %get3A_73, %dot_general3A_88 {dimension_numbers = #tpu.dot_dimension_numbers<[1], [0], [0], [1], [0, 0, 1, 1], [], []>, precision = #tpu.contract_precision<fp32>, transpose_lhs_hint = false} : vector<1024x128xf32>, vector<128x128xf32>, vector<1024x128xf32> -> vector<1024x128xf32>
    %add3A_90 = arith.addf %add3A_86, %dot_general3A_89 : vector<1024x128xf32>
    %reshape3A_91 = vector.shape_cast %add3A_90 : vector<1024x128xf32> to vector<8x128x128xf32>
    %ge3A_92 = arith.constant 0.000000e+00 : f32
    %ge3A_93 = vector.broadcast %ge3A_92 : f32 to vector<8x128x128xf32>
    %ge3A_94 = arith.cmpf oge, %reshape3A_91, %ge3A_93 : vector<8x128x128xf32>
    %mul3A_95 = arith.constant 0.00999999977 : f32
    %mul3A_96 = vector.broadcast %mul3A_95 : f32 to vector<8x128x128xf32>
    %mul3A_97 = arith.mulf %mul3A_96, %reshape3A_91 : vector<8x128x128xf32>
    %select_n3A_98 = arith.select %ge3A_94, %reshape3A_91, %mul3A_97 : vector<8x128x128xi1>, vector<8x128x128xf32>
    %add3A_99 = arith.addf %select_n3A_98, %add3A_55 : vector<8x128x128xf32>
    %get3A_100 = arith.constant 2 : index
    %get3A_101 = arith.constant 0 : index
    %get3A_102 = arith.constant 0 : index
    %get3A_103 = arith.constant 0 : index
    %get3A_104 = vector.load %arg4[%get3A_100, %get3A_101, %get3A_102, %get3A_103] : memref<5x3x128x128xf32, #tpu.memory_space<vmem>>, vector<1x1x128x128xf32>
    %get3A_105 = vector.shape_cast %get3A_104 : vector<1x1x128x128xf32> to vector<128x128xf32>
    %get3A_106 = arith.constant 2 : index
    %get3A_107 = arith.constant 1 : index
    %get3A_108 = arith.constant 0 : index
    %get3A_109 = arith.constant 0 : index
    %get3A_110 = vector.load %arg4[%get3A_106, %get3A_107, %get3A_108, %get3A_109] : memref<5x3x128x128xf32, #tpu.memory_space<vmem>>, vector<1x1x128x128xf32>
    %get3A_111 = vector.shape_cast %get3A_110 : vector<1x1x128x128xf32> to vector<128x128xf32>
    %get3A_112 = arith.constant 2 : index
    %get3A_113 = arith.constant 2 : index
    %get3A_114 = arith.constant 0 : index
    %get3A_115 = arith.constant 0 : index
    %get3A_116 = vector.load %arg4[%get3A_112, %get3A_113, %get3A_114, %get3A_115] : memref<5x3x128x128xf32, #tpu.memory_space<vmem>>, vector<1x1x128x128xf32>
    %get3A_117 = vector.shape_cast %get3A_116 : vector<1x1x128x128xf32> to vector<128x128xf32>
    %broadcast_in_dim3A_118 = arith.constant 0.000000e+00 : f32
    %broadcast_in_dim3A_119 = vector.broadcast %broadcast_in_dim3A_118 : f32 to vector<8x9x128xf32>
    %slice3A_120 = vector.extract_strided_slice %add3A_99 {offsets = [0, 0, 0], sizes = [8, 119, 128], strides = [1, 1, 1]} : vector<8x128x128xf32> to vector<8x119x128xf32>
    %concatenate3A_121 = tpu.concatenate %broadcast_in_dim3A_119, %slice3A_120 in 1 : vector<8x9x128xf32>, vector<8x119x128xf32> -> vector<8x128x128xf32>
    %slice3A_122 = vector.extract_strided_slice %add3A_99 {offsets = [0, 9, 0], sizes = [8, 119, 128], strides = [1, 1, 1]} : vector<8x128x128xf32> to vector<8x119x128xf32>
    %concatenate3A_123 = tpu.concatenate %slice3A_122, %broadcast_in_dim3A_119 in 1 : vector<8x119x128xf32>, vector<8x9x128xf32> -> vector<8x128x128xf32>
    %reshape3A_124 = vector.shape_cast %concatenate3A_121 : vector<8x128x128xf32> to vector<1024x128xf32>
    %dot_general3A_125 = arith.constant dense<0.000000e+00> : vector<1024x128xf32>
    %dot_general3A_126 = tpu.matmul %reshape3A_124, %get3A_105, %dot_general3A_125 {dimension_numbers = #tpu.dot_dimension_numbers<[1], [0], [0], [1], [0, 0, 1, 1], [], []>, precision = #tpu.contract_precision<fp32>, transpose_lhs_hint = false} : vector<1024x128xf32>, vector<128x128xf32>, vector<1024x128xf32> -> vector<1024x128xf32>
    %reshape3A_127 = vector.shape_cast %add3A_99 : vector<8x128x128xf32> to vector<1024x128xf32>
    %dot_general3A_128 = arith.constant dense<0.000000e+00> : vector<1024x128xf32>
    %dot_general3A_129 = tpu.matmul %reshape3A_127, %get3A_111, %dot_general3A_128 {dimension_numbers = #tpu.dot_dimension_numbers<[1], [0], [0], [1], [0, 0, 1, 1], [], []>, precision = #tpu.contract_precision<fp32>, transpose_lhs_hint = false} : vector<1024x128xf32>, vector<128x128xf32>, vector<1024x128xf32> -> vector<1024x128xf32>
    %add3A_130 = arith.addf %dot_general3A_126, %dot_general3A_129 : vector<1024x128xf32>
    %reshape3A_131 = vector.shape_cast %concatenate3A_123 : vector<8x128x128xf32> to vector<1024x128xf32>
    %dot_general3A_132 = arith.constant dense<0.000000e+00> : vector<1024x128xf32>
    %dot_general3A_133 = tpu.matmul %reshape3A_131, %get3A_117, %dot_general3A_132 {dimension_numbers = #tpu.dot_dimension_numbers<[1], [0], [0], [1], [0, 0, 1, 1], [], []>, precision = #tpu.contract_precision<fp32>, transpose_lhs_hint = false} : vector<1024x128xf32>, vector<128x128xf32>, vector<1024x128xf32> -> vector<1024x128xf32>
    %add3A_134 = arith.addf %add3A_130, %dot_general3A_133 : vector<1024x128xf32>
    %reshape3A_135 = vector.shape_cast %add3A_134 : vector<1024x128xf32> to vector<8x128x128xf32>
    %ge3A_136 = arith.constant 0.000000e+00 : f32
    %ge3A_137 = vector.broadcast %ge3A_136 : f32 to vector<8x128x128xf32>
    %ge3A_138 = arith.cmpf oge, %reshape3A_135, %ge3A_137 : vector<8x128x128xf32>
    %mul3A_139 = arith.constant 0.00999999977 : f32
    %mul3A_140 = vector.broadcast %mul3A_139 : f32 to vector<8x128x128xf32>
    %mul3A_141 = arith.mulf %mul3A_140, %reshape3A_135 : vector<8x128x128xf32>
    %select_n3A_142 = arith.select %ge3A_138, %reshape3A_135, %mul3A_141 : vector<8x128x128xi1>, vector<8x128x128xf32>
    %add3A_143 = arith.addf %select_n3A_142, %add3A_99 : vector<8x128x128xf32>
    %get3A_144 = arith.constant 3 : index
    %get3A_145 = arith.constant 0 : index
    %get3A_146 = arith.constant 0 : index
    %get3A_147 = arith.constant 0 : index
    %get3A_148 = vector.load %arg4[%get3A_144, %get3A_145, %get3A_146, %get3A_147] : memref<5x3x128x128xf32, #tpu.memory_space<vmem>>, vector<1x1x128x128xf32>
    %get3A_149 = vector.shape_cast %get3A_148 : vector<1x1x128x128xf32> to vector<128x128xf32>
    %get3A_150 = arith.constant 3 : index
    %get3A_151 = arith.constant 1 : index
    %get3A_152 = arith.constant 0 : index
    %get3A_153 = arith.constant 0 : index
    %get3A_154 = vector.load %arg4[%get3A_150, %get3A_151, %get3A_152, %get3A_153] : memref<5x3x128x128xf32, #tpu.memory_space<vmem>>, vector<1x1x128x128xf32>
    %get3A_155 = vector.shape_cast %get3A_154 : vector<1x1x128x128xf32> to vector<128x128xf32>
    %get3A_156 = arith.constant 3 : index
    %get3A_157 = arith.constant 2 : index
    %get3A_158 = arith.constant 0 : index
    %get3A_159 = arith.constant 0 : index
    %get3A_160 = vector.load %arg4[%get3A_156, %get3A_157, %get3A_158, %get3A_159] : memref<5x3x128x128xf32, #tpu.memory_space<vmem>>, vector<1x1x128x128xf32>
    %get3A_161 = vector.shape_cast %get3A_160 : vector<1x1x128x128xf32> to vector<128x128xf32>
    %broadcast_in_dim3A_162 = arith.constant 0.000000e+00 : f32
    %broadcast_in_dim3A_163 = vector.broadcast %broadcast_in_dim3A_162 : f32 to vector<8x27x128xf32>
    %slice3A_164 = vector.extract_strided_slice %add3A_143 {offsets = [0, 0, 0], sizes = [8, 101, 128], strides = [1, 1, 1]} : vector<8x128x128xf32> to vector<8x101x128xf32>
    %concatenate3A_165 = tpu.concatenate %broadcast_in_dim3A_163, %slice3A_164 in 1 : vector<8x27x128xf32>, vector<8x101x128xf32> -> vector<8x128x128xf32>
    %slice3A_166 = vector.extract_strided_slice %add3A_143 {offsets = [0, 27, 0], sizes = [8, 101, 128], strides = [1, 1, 1]} : vector<8x128x128xf32> to vector<8x101x128xf32>
    %concatenate3A_167 = tpu.concatenate %slice3A_166, %broadcast_in_dim3A_163 in 1 : vector<8x101x128xf32>, vector<8x27x128xf32> -> vector<8x128x128xf32>
    %reshape3A_168 = vector.shape_cast %concatenate3A_165 : vector<8x128x128xf32> to vector<1024x128xf32>
    %dot_general3A_169 = arith.constant dense<0.000000e+00> : vector<1024x128xf32>
    %dot_general3A_170 = tpu.matmul %reshape3A_168, %get3A_149, %dot_general3A_169 {dimension_numbers = #tpu.dot_dimension_numbers<[1], [0], [0], [1], [0, 0, 1, 1], [], []>, precision = #tpu.contract_precision<fp32>, transpose_lhs_hint = false} : vector<1024x128xf32>, vector<128x128xf32>, vector<1024x128xf32> -> vector<1024x128xf32>
    %reshape3A_171 = vector.shape_cast %add3A_143 : vector<8x128x128xf32> to vector<1024x128xf32>
    %dot_general3A_172 = arith.constant dense<0.000000e+00> : vector<1024x128xf32>
    %dot_general3A_173 = tpu.matmul %reshape3A_171, %get3A_155, %dot_general3A_172 {dimension_numbers = #tpu.dot_dimension_numbers<[1], [0], [0], [1], [0, 0, 1, 1], [], []>, precision = #tpu.contract_precision<fp32>, transpose_lhs_hint = false} : vector<1024x128xf32>, vector<128x128xf32>, vector<1024x128xf32> -> vector<1024x128xf32>
    %add3A_174 = arith.addf %dot_general3A_170, %dot_general3A_173 : vector<1024x128xf32>
    %reshape3A_175 = vector.shape_cast %concatenate3A_167 : vector<8x128x128xf32> to vector<1024x128xf32>
    %dot_general3A_176 = arith.constant dense<0.000000e+00> : vector<1024x128xf32>
    %dot_general3A_177 = tpu.matmul %reshape3A_175, %get3A_161, %dot_general3A_176 {dimension_numbers = #tpu.dot_dimension_numbers<[1], [0], [0], [1], [0, 0, 1, 1], [], []>, precision = #tpu.contract_precision<fp32>, transpose_lhs_hint = false} : vector<1024x128xf32>, vector<128x128xf32>, vector<1024x128xf32> -> vector<1024x128xf32>
    %add3A_178 = arith.addf %add3A_174, %dot_general3A_177 : vector<1024x128xf32>
    %reshape3A_179 = vector.shape_cast %add3A_178 : vector<1024x128xf32> to vector<8x128x128xf32>
    %ge3A_180 = arith.constant 0.000000e+00 : f32
    %ge3A_181 = vector.broadcast %ge3A_180 : f32 to vector<8x128x128xf32>
    %ge3A_182 = arith.cmpf oge, %reshape3A_179, %ge3A_181 : vector<8x128x128xf32>
    %mul3A_183 = arith.constant 0.00999999977 : f32
    %mul3A_184 = vector.broadcast %mul3A_183 : f32 to vector<8x128x128xf32>
    %mul3A_185 = arith.mulf %mul3A_184, %reshape3A_179 : vector<8x128x128xf32>
    %select_n3A_186 = arith.select %ge3A_182, %reshape3A_179, %mul3A_185 : vector<8x128x128xi1>, vector<8x128x128xf32>
    %add3A_187 = arith.addf %select_n3A_186, %add3A_143 : vector<8x128x128xf32>
    %get3A_188 = arith.constant 4 : index
    %get3A_189 = arith.constant 0 : index
    %get3A_190 = arith.constant 0 : index
    %get3A_191 = arith.constant 0 : index
    %get3A_192 = vector.load %arg4[%get3A_188, %get3A_189, %get3A_190, %get3A_191] : memref<5x3x128x128xf32, #tpu.memory_space<vmem>>, vector<1x1x128x128xf32>
    %get3A_193 = vector.shape_cast %get3A_192 : vector<1x1x128x128xf32> to vector<128x128xf32>
    %get3A_194 = arith.constant 4 : index
    %get3A_195 = arith.constant 1 : index
    %get3A_196 = arith.constant 0 : index
    %get3A_197 = arith.constant 0 : index
    %get3A_198 = vector.load %arg4[%get3A_194, %get3A_195, %get3A_196, %get3A_197] : memref<5x3x128x128xf32, #tpu.memory_space<vmem>>, vector<1x1x128x128xf32>
    %get3A_199 = vector.shape_cast %get3A_198 : vector<1x1x128x128xf32> to vector<128x128xf32>
    %get3A_200 = arith.constant 4 : index
    %get3A_201 = arith.constant 2 : index
    %get3A_202 = arith.constant 0 : index
    %get3A_203 = arith.constant 0 : index
    %get3A_204 = vector.load %arg4[%get3A_200, %get3A_201, %get3A_202, %get3A_203] : memref<5x3x128x128xf32, #tpu.memory_space<vmem>>, vector<1x1x128x128xf32>
    %get3A_205 = vector.shape_cast %get3A_204 : vector<1x1x128x128xf32> to vector<128x128xf32>
    %broadcast_in_dim3A_206 = arith.constant 0.000000e+00 : f32
    %broadcast_in_dim3A_207 = vector.broadcast %broadcast_in_dim3A_206 : f32 to vector<8x1x128xf32>
    %slice3A_208 = vector.extract_strided_slice %add3A_187 {offsets = [0, 0, 0], sizes = [8, 127, 128], strides = [1, 1, 1]} : vector<8x128x128xf32> to vector<8x127x128xf32>
    %concatenate3A_209 = tpu.concatenate %broadcast_in_dim3A_207, %slice3A_208 in 1 : vector<8x1x128xf32>, vector<8x127x128xf32> -> vector<8x128x128xf32>
    %slice3A_210 = vector.extract_strided_slice %add3A_187 {offsets = [0, 1, 0], sizes = [8, 127, 128], strides = [1, 1, 1]} : vector<8x128x128xf32> to vector<8x127x128xf32>
    %concatenate3A_211 = tpu.concatenate %slice3A_210, %broadcast_in_dim3A_207 in 1 : vector<8x127x128xf32>, vector<8x1x128xf32> -> vector<8x128x128xf32>
    %reshape3A_212 = vector.shape_cast %concatenate3A_209 : vector<8x128x128xf32> to vector<1024x128xf32>
    %dot_general3A_213 = arith.constant dense<0.000000e+00> : vector<1024x128xf32>
    %dot_general3A_214 = tpu.matmul %reshape3A_212, %get3A_193, %dot_general3A_213 {dimension_numbers = #tpu.dot_dimension_numbers<[1], [0], [0], [1], [0, 0, 1, 1], [], []>, precision = #tpu.contract_precision<fp32>, transpose_lhs_hint = false} : vector<1024x128xf32>, vector<128x128xf32>, vector<1024x128xf32> -> vector<1024x128xf32>
    %reshape3A_215 = vector.shape_cast %add3A_187 : vector<8x128x128xf32> to vector<1024x128xf32>
    %dot_general3A_216 = arith.constant dense<0.000000e+00> : vector<1024x128xf32>
    %dot_general3A_217 = tpu.matmul %reshape3A_215, %get3A_199, %dot_general3A_216 {dimension_numbers = #tpu.dot_dimension_numbers<[1], [0], [0], [1], [0, 0, 1, 1], [], []>, precision = #tpu.contract_precision<fp32>, transpose_lhs_hint = false} : vector<1024x128xf32>, vector<128x128xf32>, vector<1024x128xf32> -> vector<1024x128xf32>
    %add3A_218 = arith.addf %dot_general3A_214, %dot_general3A_217 : vector<1024x128xf32>
    %reshape3A_219 = vector.shape_cast %concatenate3A_211 : vector<8x128x128xf32> to vector<1024x128xf32>
    %dot_general3A_220 = arith.constant dense<0.000000e+00> : vector<1024x128xf32>
    %dot_general3A_221 = tpu.matmul %reshape3A_219, %get3A_205, %dot_general3A_220 {dimension_numbers = #tpu.dot_dimension_numbers<[1], [0], [0], [1], [0, 0, 1, 1], [], []>, precision = #tpu.contract_precision<fp32>, transpose_lhs_hint = false} : vector<1024x128xf32>, vector<128x128xf32>, vector<1024x128xf32> -> vector<1024x128xf32>
    %add3A_222 = arith.addf %add3A_218, %dot_general3A_221 : vector<1024x128xf32>
    %reshape3A_223 = vector.shape_cast %add3A_222 : vector<1024x128xf32> to vector<8x128x128xf32>
    %ge3A_224 = arith.constant 0.000000e+00 : f32
    %ge3A_225 = vector.broadcast %ge3A_224 : f32 to vector<8x128x128xf32>
    %ge3A_226 = arith.cmpf oge, %reshape3A_223, %ge3A_225 : vector<8x128x128xf32>
    %mul3A_227 = arith.constant 0.00999999977 : f32
    %mul3A_228 = vector.broadcast %mul3A_227 : f32 to vector<8x128x128xf32>
    %mul3A_229 = arith.mulf %mul3A_228, %reshape3A_223 : vector<8x128x128xf32>
    %select_n3A_230 = arith.select %ge3A_226, %reshape3A_223, %mul3A_229 : vector<8x128x128xi1>, vector<8x128x128xf32>
    %add3A_231 = arith.addf %select_n3A_230, %add3A_187 : vector<8x128x128xf32>
    %mul3A_232 = arith.mulf %add3A_231, %add3A_231 : vector<8x128x128xf32>
    %reduce_sum3A = arith.constant dense<0.000000e+00> : vector<8x128xf32>
    %reduce_sum3A_233 = vector.multi_reduction <add>, %mul3A_232, %reduce_sum3A [2] : vector<8x128x128xf32> to vector<8x128xf32>
    %iota3A = tpu.iota {dimensions = array<i32: 1>} : vector<8x128xi32>
    %broadcast_in_dim3A_234 = arith.constant 0 : i32
    %broadcast_in_dim3A_235 = vector.broadcast %broadcast_in_dim3A_234 : i32 to vector<8x128xi32>
    %reduce_max3A = arith.constant dense<0xFF800000> : vector<8xf32>
    %reduce_max3A_236 = vector.multi_reduction <maximumf>, %reduce_sum3A_233, %reduce_max3A [1] : vector<8x128xf32> to vector<8xf32>
    %broadcast_in_dim3A_237 = vector.shape_cast %reduce_max3A_236 : vector<8xf32> to vector<8x1xf32>
    %eq3A = vector.broadcast %broadcast_in_dim3A_237 : vector<8x1xf32> to vector<8x128xf32>
    %eq3A_238 = arith.cmpf oeq, %reduce_sum3A_233, %eq3A : vector<8x128xf32>
    %jit3A = arith.constant 128 : i32
    %broadcast_in_dim3A_239 = vector.broadcast %jit3A : i32 to vector<8x128xi32>
    %select_n3A_240 = arith.select %eq3A_238, %iota3A, %broadcast_in_dim3A_239 : vector<8x128xi1>, vector<8x128xi32>
    %reduce_min3A = arith.constant dense<2147483647> : vector<8xi32>
    %reduce_min3A_241 = vector.multi_reduction <minsi>, %select_n3A_240, %reduce_min3A [1] : vector<8x128xi32> to vector<8xi32>
    %broadcast_in_dim3A_242 = vector.shape_cast %reduce_min3A_241 : vector<8xi32> to vector<8x1xi32>
    %eq3A_243 = vector.broadcast %broadcast_in_dim3A_242 : vector<8x1xi32> to vector<8x128xi32>
    %eq3A_244 = arith.cmpi eq, %iota3A, %eq3A_243 : vector<8x128xi32>
    %convert_element_type3A = arith.extui %eq3A_244 : vector<8x128xi1> to vector<8x128xi32>
    %convert_element_type3A_245 = arith.sitofp %convert_element_type3A : vector<8x128xi32> to vector<8x128xf32>
    %eq3A_246 = arith.constant 0 : i32
    %eq3A_247 = vector.broadcast %eq3A_246 : i32 to vector<8x128xi32>
    %eq3A_248 = arith.cmpi eq, %iota3A, %eq3A_247 : vector<8x128xi32>
    %broadcast_in_dim3A_249 = vector.shape_cast %broadcast_in_dim3A_242 : vector<8x1xi32> to vector<8x1xi32>
    %broadcast_in_dim3A_250 = vector.broadcast %broadcast_in_dim3A_249 : vector<8x1xi32> to vector<8x128xi32>
    %select_n3A_251 = arith.select %eq3A_248, %broadcast_in_dim3A_250, %broadcast_in_dim3A_235 : vector<8x128xi1>, vector<8x128xi32>
    %jit3A_252 = arith.constant -1.000000e+00 : f32
    %broadcast_in_dim3A_253 = vector.broadcast %jit3A_252 : f32 to vector<8x128xf32>
    %select_n3A_254 = arith.select %eq3A_244, %broadcast_in_dim3A_253, %reduce_sum3A_233 : vector<8x128xi1>, vector<8x128xf32>
    %reduce_max3A_255 = arith.constant dense<0xFF800000> : vector<8xf32>
    %reduce_max3A_256 = vector.multi_reduction <maximumf>, %select_n3A_254, %reduce_max3A_255 [1] : vector<8x128xf32> to vector<8xf32>
    %broadcast_in_dim3A_257 = vector.shape_cast %reduce_max3A_256 : vector<8xf32> to vector<8x1xf32>
    %eq3A_258 = vector.broadcast %broadcast_in_dim3A_257 : vector<8x1xf32> to vector<8x128xf32>
    %eq3A_259 = arith.cmpf oeq, %select_n3A_254, %eq3A_258 : vector<8x128xf32>
    %jit3A_260 = arith.constant 128 : i32
    %broadcast_in_dim3A_261 = vector.broadcast %jit3A_260 : i32 to vector<8x128xi32>
    %select_n3A_262 = arith.select %eq3A_259, %iota3A, %broadcast_in_dim3A_261 : vector<8x128xi1>, vector<8x128xi32>
    %reduce_min3A_263 = arith.constant dense<2147483647> : vector<8xi32>
    %reduce_min3A_264 = vector.multi_reduction <minsi>, %select_n3A_262, %reduce_min3A_263 [1] : vector<8x128xi32> to vector<8xi32>
    %broadcast_in_dim3A_265 = vector.shape_cast %reduce_min3A_264 : vector<8xi32> to vector<8x1xi32>
    %eq3A_266 = vector.broadcast %broadcast_in_dim3A_265 : vector<8x1xi32> to vector<8x128xi32>
    %eq3A_267 = arith.cmpi eq, %iota3A, %eq3A_266 : vector<8x128xi32>
    %convert_element_type3A_268 = arith.extui %eq3A_267 : vector<8x128xi1> to vector<8x128xi32>
    %convert_element_type3A_269 = arith.sitofp %convert_element_type3A_268 : vector<8x128xi32> to vector<8x128xf32>
    %eq3A_270 = arith.constant 1 : i32
    %eq3A_271 = vector.broadcast %eq3A_270 : i32 to vector<8x128xi32>
    %eq3A_272 = arith.cmpi eq, %iota3A, %eq3A_271 : vector<8x128xi32>
    %broadcast_in_dim3A_273 = vector.shape_cast %broadcast_in_dim3A_265 : vector<8x1xi32> to vector<8x1xi32>
    %broadcast_in_dim3A_274 = vector.broadcast %broadcast_in_dim3A_273 : vector<8x1xi32> to vector<8x128xi32>
    %select_n3A_275 = arith.select %eq3A_272, %broadcast_in_dim3A_274, %select_n3A_251 : vector<8x128xi1>, vector<8x128xi32>
    %jit3A_276 = arith.constant -1.000000e+00 : f32
    %broadcast_in_dim3A_277 = vector.broadcast %jit3A_276 : f32 to vector<8x128xf32>
    %select_n3A_278 = arith.select %eq3A_267, %broadcast_in_dim3A_277, %select_n3A_254 : vector<8x128xi1>, vector<8x128xf32>
    %reduce_max3A_279 = arith.constant dense<0xFF800000> : vector<8xf32>
    %reduce_max3A_280 = vector.multi_reduction <maximumf>, %select_n3A_278, %reduce_max3A_279 [1] : vector<8x128xf32> to vector<8xf32>
    %broadcast_in_dim3A_281 = vector.shape_cast %reduce_max3A_280 : vector<8xf32> to vector<8x1xf32>
    %eq3A_282 = vector.broadcast %broadcast_in_dim3A_281 : vector<8x1xf32> to vector<8x128xf32>
    %eq3A_283 = arith.cmpf oeq, %select_n3A_278, %eq3A_282 : vector<8x128xf32>
    %jit3A_284 = arith.constant 128 : i32
    %broadcast_in_dim3A_285 = vector.broadcast %jit3A_284 : i32 to vector<8x128xi32>
    %select_n3A_286 = arith.select %eq3A_283, %iota3A, %broadcast_in_dim3A_285 : vector<8x128xi1>, vector<8x128xi32>
    %reduce_min3A_287 = arith.constant dense<2147483647> : vector<8xi32>
    %reduce_min3A_288 = vector.multi_reduction <minsi>, %select_n3A_286, %reduce_min3A_287 [1] : vector<8x128xi32> to vector<8xi32>
    %broadcast_in_dim3A_289 = vector.shape_cast %reduce_min3A_288 : vector<8xi32> to vector<8x1xi32>
    %eq3A_290 = vector.broadcast %broadcast_in_dim3A_289 : vector<8x1xi32> to vector<8x128xi32>
    %eq3A_291 = arith.cmpi eq, %iota3A, %eq3A_290 : vector<8x128xi32>
    %convert_element_type3A_292 = arith.extui %eq3A_291 : vector<8x128xi1> to vector<8x128xi32>
    %convert_element_type3A_293 = arith.sitofp %convert_element_type3A_292 : vector<8x128xi32> to vector<8x128xf32>
    %eq3A_294 = arith.constant 2 : i32
    %eq3A_295 = vector.broadcast %eq3A_294 : i32 to vector<8x128xi32>
    %eq3A_296 = arith.cmpi eq, %iota3A, %eq3A_295 : vector<8x128xi32>
    %broadcast_in_dim3A_297 = vector.shape_cast %broadcast_in_dim3A_289 : vector<8x1xi32> to vector<8x1xi32>
    %broadcast_in_dim3A_298 = vector.broadcast %broadcast_in_dim3A_297 : vector<8x1xi32> to vector<8x128xi32>
    %select_n3A_299 = arith.select %eq3A_296, %broadcast_in_dim3A_298, %select_n3A_275 : vector<8x128xi1>, vector<8x128xi32>
    %jit3A_300 = arith.constant -1.000000e+00 : f32
    %broadcast_in_dim3A_301 = vector.broadcast %jit3A_300 : f32 to vector<8x128xf32>
    %select_n3A_302 = arith.select %eq3A_291, %broadcast_in_dim3A_301, %select_n3A_278 : vector<8x128xi1>, vector<8x128xf32>
    %reduce_max3A_303 = arith.constant dense<0xFF800000> : vector<8xf32>
    %reduce_max3A_304 = vector.multi_reduction <maximumf>, %select_n3A_302, %reduce_max3A_303 [1] : vector<8x128xf32> to vector<8xf32>
    %broadcast_in_dim3A_305 = vector.shape_cast %reduce_max3A_304 : vector<8xf32> to vector<8x1xf32>
    %eq3A_306 = vector.broadcast %broadcast_in_dim3A_305 : vector<8x1xf32> to vector<8x128xf32>
    %eq3A_307 = arith.cmpf oeq, %select_n3A_302, %eq3A_306 : vector<8x128xf32>
    %jit3A_308 = arith.constant 128 : i32
    %broadcast_in_dim3A_309 = vector.broadcast %jit3A_308 : i32 to vector<8x128xi32>
    %select_n3A_310 = arith.select %eq3A_307, %iota3A, %broadcast_in_dim3A_309 : vector<8x128xi1>, vector<8x128xi32>
    %reduce_min3A_311 = arith.constant dense<2147483647> : vector<8xi32>
    %reduce_min3A_312 = vector.multi_reduction <minsi>, %select_n3A_310, %reduce_min3A_311 [1] : vector<8x128xi32> to vector<8xi32>
    %broadcast_in_dim3A_313 = vector.shape_cast %reduce_min3A_312 : vector<8xi32> to vector<8x1xi32>
    %eq3A_314 = vector.broadcast %broadcast_in_dim3A_313 : vector<8x1xi32> to vector<8x128xi32>
    %eq3A_315 = arith.cmpi eq, %iota3A, %eq3A_314 : vector<8x128xi32>
    %convert_element_type3A_316 = arith.extui %eq3A_315 : vector<8x128xi1> to vector<8x128xi32>
    %convert_element_type3A_317 = arith.sitofp %convert_element_type3A_316 : vector<8x128xi32> to vector<8x128xf32>
    %eq3A_318 = arith.constant 3 : i32
    %eq3A_319 = vector.broadcast %eq3A_318 : i32 to vector<8x128xi32>
    %eq3A_320 = arith.cmpi eq, %iota3A, %eq3A_319 : vector<8x128xi32>
    %broadcast_in_dim3A_321 = vector.shape_cast %broadcast_in_dim3A_313 : vector<8x1xi32> to vector<8x1xi32>
    %broadcast_in_dim3A_322 = vector.broadcast %broadcast_in_dim3A_321 : vector<8x1xi32> to vector<8x128xi32>
    %select_n3A_323 = arith.select %eq3A_320, %broadcast_in_dim3A_322, %select_n3A_299 : vector<8x128xi1>, vector<8x128xi32>
    %jit3A_324 = arith.constant -1.000000e+00 : f32
    %broadcast_in_dim3A_325 = vector.broadcast %jit3A_324 : f32 to vector<8x128xf32>
    %select_n3A_326 = arith.select %eq3A_315, %broadcast_in_dim3A_325, %select_n3A_302 : vector<8x128xi1>, vector<8x128xf32>
    %reduce_max3A_327 = arith.constant dense<0xFF800000> : vector<8xf32>
    %reduce_max3A_328 = vector.multi_reduction <maximumf>, %select_n3A_326, %reduce_max3A_327 [1] : vector<8x128xf32> to vector<8xf32>
    %broadcast_in_dim3A_329 = vector.shape_cast %reduce_max3A_328 : vector<8xf32> to vector<8x1xf32>
    %eq3A_330 = vector.broadcast %broadcast_in_dim3A_329 : vector<8x1xf32> to vector<8x128xf32>
    %eq3A_331 = arith.cmpf oeq, %select_n3A_326, %eq3A_330 : vector<8x128xf32>
    %jit3A_332 = arith.constant 128 : i32
    %broadcast_in_dim3A_333 = vector.broadcast %jit3A_332 : i32 to vector<8x128xi32>
    %select_n3A_334 = arith.select %eq3A_331, %iota3A, %broadcast_in_dim3A_333 : vector<8x128xi1>, vector<8x128xi32>
    %reduce_min3A_335 = arith.constant dense<2147483647> : vector<8xi32>
    %reduce_min3A_336 = vector.multi_reduction <minsi>, %select_n3A_334, %reduce_min3A_335 [1] : vector<8x128xi32> to vector<8xi32>
    %broadcast_in_dim3A_337 = vector.shape_cast %reduce_min3A_336 : vector<8xi32> to vector<8x1xi32>
    %eq3A_338 = vector.broadcast %broadcast_in_dim3A_337 : vector<8x1xi32> to vector<8x128xi32>
    %eq3A_339 = arith.cmpi eq, %iota3A, %eq3A_338 : vector<8x128xi32>
    %convert_element_type3A_340 = arith.extui %eq3A_339 : vector<8x128xi1> to vector<8x128xi32>
    %convert_element_type3A_341 = arith.sitofp %convert_element_type3A_340 : vector<8x128xi32> to vector<8x128xf32>
    %eq3A_342 = arith.constant 4 : i32
    %eq3A_343 = vector.broadcast %eq3A_342 : i32 to vector<8x128xi32>
    %eq3A_344 = arith.cmpi eq, %iota3A, %eq3A_343 : vector<8x128xi32>
    %broadcast_in_dim3A_345 = vector.shape_cast %broadcast_in_dim3A_337 : vector<8x1xi32> to vector<8x1xi32>
    %broadcast_in_dim3A_346 = vector.broadcast %broadcast_in_dim3A_345 : vector<8x1xi32> to vector<8x128xi32>
    %select_n3A_347 = arith.select %eq3A_344, %broadcast_in_dim3A_346, %select_n3A_323 : vector<8x128xi1>, vector<8x128xi32>
    %jit3A_348 = arith.constant -1.000000e+00 : f32
    %broadcast_in_dim3A_349 = vector.broadcast %jit3A_348 : f32 to vector<8x128xf32>
    %select_n3A_350 = arith.select %eq3A_339, %broadcast_in_dim3A_349, %select_n3A_326 : vector<8x128xi1>, vector<8x128xf32>
    %reduce_max3A_351 = arith.constant dense<0xFF800000> : vector<8xf32>
    %reduce_max3A_352 = vector.multi_reduction <maximumf>, %select_n3A_350, %reduce_max3A_351 [1] : vector<8x128xf32> to vector<8xf32>
    %broadcast_in_dim3A_353 = vector.shape_cast %reduce_max3A_352 : vector<8xf32> to vector<8x1xf32>
    %eq3A_354 = vector.broadcast %broadcast_in_dim3A_353 : vector<8x1xf32> to vector<8x128xf32>
    %eq3A_355 = arith.cmpf oeq, %select_n3A_350, %eq3A_354 : vector<8x128xf32>
    %jit3A_356 = arith.constant 128 : i32
    %broadcast_in_dim3A_357 = vector.broadcast %jit3A_356 : i32 to vector<8x128xi32>
    %select_n3A_358 = arith.select %eq3A_355, %iota3A, %broadcast_in_dim3A_357 : vector<8x128xi1>, vector<8x128xi32>
    %reduce_min3A_359 = arith.constant dense<2147483647> : vector<8xi32>
    %reduce_min3A_360 = vector.multi_reduction <minsi>, %select_n3A_358, %reduce_min3A_359 [1] : vector<8x128xi32> to vector<8xi32>
    %broadcast_in_dim3A_361 = vector.shape_cast %reduce_min3A_360 : vector<8xi32> to vector<8x1xi32>
    %eq3A_362 = vector.broadcast %broadcast_in_dim3A_361 : vector<8x1xi32> to vector<8x128xi32>
    %eq3A_363 = arith.cmpi eq, %iota3A, %eq3A_362 : vector<8x128xi32>
    %convert_element_type3A_364 = arith.extui %eq3A_363 : vector<8x128xi1> to vector<8x128xi32>
    %convert_element_type3A_365 = arith.sitofp %convert_element_type3A_364 : vector<8x128xi32> to vector<8x128xf32>
    %eq3A_366 = arith.constant 5 : i32
    %eq3A_367 = vector.broadcast %eq3A_366 : i32 to vector<8x128xi32>
    %eq3A_368 = arith.cmpi eq, %iota3A, %eq3A_367 : vector<8x128xi32>
    %broadcast_in_dim3A_369 = vector.shape_cast %broadcast_in_dim3A_361 : vector<8x1xi32> to vector<8x1xi32>
    %broadcast_in_dim3A_370 = vector.broadcast %broadcast_in_dim3A_369 : vector<8x1xi32> to vector<8x128xi32>
    %select_n3A_371 = arith.select %eq3A_368, %broadcast_in_dim3A_370, %select_n3A_347 : vector<8x128xi1>, vector<8x128xi32>
    %jit3A_372 = arith.constant -1.000000e+00 : f32
    %broadcast_in_dim3A_373 = vector.broadcast %jit3A_372 : f32 to vector<8x128xf32>
    %select_n3A_374 = arith.select %eq3A_363, %broadcast_in_dim3A_373, %select_n3A_350 : vector<8x128xi1>, vector<8x128xf32>
    %reduce_max3A_375 = arith.constant dense<0xFF800000> : vector<8xf32>
    %reduce_max3A_376 = vector.multi_reduction <maximumf>, %select_n3A_374, %reduce_max3A_375 [1] : vector<8x128xf32> to vector<8xf32>
    %broadcast_in_dim3A_377 = vector.shape_cast %reduce_max3A_376 : vector<8xf32> to vector<8x1xf32>
    %eq3A_378 = vector.broadcast %broadcast_in_dim3A_377 : vector<8x1xf32> to vector<8x128xf32>
    %eq3A_379 = arith.cmpf oeq, %select_n3A_374, %eq3A_378 : vector<8x128xf32>
    %jit3A_380 = arith.constant 128 : i32
    %broadcast_in_dim3A_381 = vector.broadcast %jit3A_380 : i32 to vector<8x128xi32>
    %select_n3A_382 = arith.select %eq3A_379, %iota3A, %broadcast_in_dim3A_381 : vector<8x128xi1>, vector<8x128xi32>
    %reduce_min3A_383 = arith.constant dense<2147483647> : vector<8xi32>
    %reduce_min3A_384 = vector.multi_reduction <minsi>, %select_n3A_382, %reduce_min3A_383 [1] : vector<8x128xi32> to vector<8xi32>
    %broadcast_in_dim3A_385 = vector.shape_cast %reduce_min3A_384 : vector<8xi32> to vector<8x1xi32>
    %eq3A_386 = vector.broadcast %broadcast_in_dim3A_385 : vector<8x1xi32> to vector<8x128xi32>
    %eq3A_387 = arith.cmpi eq, %iota3A, %eq3A_386 : vector<8x128xi32>
    %convert_element_type3A_388 = arith.extui %eq3A_387 : vector<8x128xi1> to vector<8x128xi32>
    %convert_element_type3A_389 = arith.sitofp %convert_element_type3A_388 : vector<8x128xi32> to vector<8x128xf32>
    %eq3A_390 = arith.constant 6 : i32
    %eq3A_391 = vector.broadcast %eq3A_390 : i32 to vector<8x128xi32>
    %eq3A_392 = arith.cmpi eq, %iota3A, %eq3A_391 : vector<8x128xi32>
    %broadcast_in_dim3A_393 = vector.shape_cast %broadcast_in_dim3A_385 : vector<8x1xi32> to vector<8x1xi32>
    %broadcast_in_dim3A_394 = vector.broadcast %broadcast_in_dim3A_393 : vector<8x1xi32> to vector<8x128xi32>
    %select_n3A_395 = arith.select %eq3A_392, %broadcast_in_dim3A_394, %select_n3A_371 : vector<8x128xi1>, vector<8x128xi32>
    %jit3A_396 = arith.constant -1.000000e+00 : f32
    %broadcast_in_dim3A_397 = vector.broadcast %jit3A_396 : f32 to vector<8x128xf32>
    %select_n3A_398 = arith.select %eq3A_387, %broadcast_in_dim3A_397, %select_n3A_374 : vector<8x128xi1>, vector<8x128xf32>
    %reduce_max3A_399 = arith.constant dense<0xFF800000> : vector<8xf32>
    %reduce_max3A_400 = vector.multi_reduction <maximumf>, %select_n3A_398, %reduce_max3A_399 [1] : vector<8x128xf32> to vector<8xf32>
    %broadcast_in_dim3A_401 = vector.shape_cast %reduce_max3A_400 : vector<8xf32> to vector<8x1xf32>
    %eq3A_402 = vector.broadcast %broadcast_in_dim3A_401 : vector<8x1xf32> to vector<8x128xf32>
    %eq3A_403 = arith.cmpf oeq, %select_n3A_398, %eq3A_402 : vector<8x128xf32>
    %jit3A_404 = arith.constant 128 : i32
    %broadcast_in_dim3A_405 = vector.broadcast %jit3A_404 : i32 to vector<8x128xi32>
    %select_n3A_406 = arith.select %eq3A_403, %iota3A, %broadcast_in_dim3A_405 : vector<8x128xi1>, vector<8x128xi32>
    %reduce_min3A_407 = arith.constant dense<2147483647> : vector<8xi32>
    %reduce_min3A_408 = vector.multi_reduction <minsi>, %select_n3A_406, %reduce_min3A_407 [1] : vector<8x128xi32> to vector<8xi32>
    %broadcast_in_dim3A_409 = vector.shape_cast %reduce_min3A_408 : vector<8xi32> to vector<8x1xi32>
    %eq3A_410 = vector.broadcast %broadcast_in_dim3A_409 : vector<8x1xi32> to vector<8x128xi32>
    %eq3A_411 = arith.cmpi eq, %iota3A, %eq3A_410 : vector<8x128xi32>
    %convert_element_type3A_412 = arith.extui %eq3A_411 : vector<8x128xi1> to vector<8x128xi32>
    %convert_element_type3A_413 = arith.sitofp %convert_element_type3A_412 : vector<8x128xi32> to vector<8x128xf32>
    %eq3A_414 = arith.constant 7 : i32
    %eq3A_415 = vector.broadcast %eq3A_414 : i32 to vector<8x128xi32>
    %eq3A_416 = arith.cmpi eq, %iota3A, %eq3A_415 : vector<8x128xi32>
    %broadcast_in_dim3A_417 = vector.shape_cast %broadcast_in_dim3A_409 : vector<8x1xi32> to vector<8x1xi32>
    %broadcast_in_dim3A_418 = vector.broadcast %broadcast_in_dim3A_417 : vector<8x1xi32> to vector<8x128xi32>
    %select_n3A_419 = arith.select %eq3A_416, %broadcast_in_dim3A_418, %select_n3A_395 : vector<8x128xi1>, vector<8x128xi32>
    %jit3A_420 = arith.constant -1.000000e+00 : f32
    %broadcast_in_dim3A_421 = vector.broadcast %jit3A_420 : f32 to vector<8x128xf32>
    %select_n3A_422 = arith.select %eq3A_411, %broadcast_in_dim3A_421, %select_n3A_398 : vector<8x128xi1>, vector<8x128xf32>
    %reduce_max3A_423 = arith.constant dense<0xFF800000> : vector<8xf32>
    %reduce_max3A_424 = vector.multi_reduction <maximumf>, %select_n3A_422, %reduce_max3A_423 [1] : vector<8x128xf32> to vector<8xf32>
    %broadcast_in_dim3A_425 = vector.shape_cast %reduce_max3A_424 : vector<8xf32> to vector<8x1xf32>
    %eq3A_426 = vector.broadcast %broadcast_in_dim3A_425 : vector<8x1xf32> to vector<8x128xf32>
    %eq3A_427 = arith.cmpf oeq, %select_n3A_422, %eq3A_426 : vector<8x128xf32>
    %jit3A_428 = arith.constant 128 : i32
    %broadcast_in_dim3A_429 = vector.broadcast %jit3A_428 : i32 to vector<8x128xi32>
    %select_n3A_430 = arith.select %eq3A_427, %iota3A, %broadcast_in_dim3A_429 : vector<8x128xi1>, vector<8x128xi32>
    %reduce_min3A_431 = arith.constant dense<2147483647> : vector<8xi32>
    %reduce_min3A_432 = vector.multi_reduction <minsi>, %select_n3A_430, %reduce_min3A_431 [1] : vector<8x128xi32> to vector<8xi32>
    %broadcast_in_dim3A_433 = vector.shape_cast %reduce_min3A_432 : vector<8xi32> to vector<8x1xi32>
    %eq3A_434 = vector.broadcast %broadcast_in_dim3A_433 : vector<8x1xi32> to vector<8x128xi32>
    %eq3A_435 = arith.cmpi eq, %iota3A, %eq3A_434 : vector<8x128xi32>
    %convert_element_type3A_436 = arith.extui %eq3A_435 : vector<8x128xi1> to vector<8x128xi32>
    %convert_element_type3A_437 = arith.sitofp %convert_element_type3A_436 : vector<8x128xi32> to vector<8x128xf32>
    %eq3A_438 = arith.constant 8 : i32
    %eq3A_439 = vector.broadcast %eq3A_438 : i32 to vector<8x128xi32>
    %eq3A_440 = arith.cmpi eq, %iota3A, %eq3A_439 : vector<8x128xi32>
    %broadcast_in_dim3A_441 = vector.shape_cast %broadcast_in_dim3A_433 : vector<8x1xi32> to vector<8x1xi32>
    %broadcast_in_dim3A_442 = vector.broadcast %broadcast_in_dim3A_441 : vector<8x1xi32> to vector<8x128xi32>
    %select_n3A_443 = arith.select %eq3A_440, %broadcast_in_dim3A_442, %select_n3A_419 : vector<8x128xi1>, vector<8x128xi32>
    %jit3A_444 = arith.constant -1.000000e+00 : f32
    %broadcast_in_dim3A_445 = vector.broadcast %jit3A_444 : f32 to vector<8x128xf32>
    %select_n3A_446 = arith.select %eq3A_435, %broadcast_in_dim3A_445, %select_n3A_422 : vector<8x128xi1>, vector<8x128xf32>
    %reduce_max3A_447 = arith.constant dense<0xFF800000> : vector<8xf32>
    %reduce_max3A_448 = vector.multi_reduction <maximumf>, %select_n3A_446, %reduce_max3A_447 [1] : vector<8x128xf32> to vector<8xf32>
    %broadcast_in_dim3A_449 = vector.shape_cast %reduce_max3A_448 : vector<8xf32> to vector<8x1xf32>
    %eq3A_450 = vector.broadcast %broadcast_in_dim3A_449 : vector<8x1xf32> to vector<8x128xf32>
    %eq3A_451 = arith.cmpf oeq, %select_n3A_446, %eq3A_450 : vector<8x128xf32>
    %jit3A_452 = arith.constant 128 : i32
    %broadcast_in_dim3A_453 = vector.broadcast %jit3A_452 : i32 to vector<8x128xi32>
    %select_n3A_454 = arith.select %eq3A_451, %iota3A, %broadcast_in_dim3A_453 : vector<8x128xi1>, vector<8x128xi32>
    %reduce_min3A_455 = arith.constant dense<2147483647> : vector<8xi32>
    %reduce_min3A_456 = vector.multi_reduction <minsi>, %select_n3A_454, %reduce_min3A_455 [1] : vector<8x128xi32> to vector<8xi32>
    %broadcast_in_dim3A_457 = vector.shape_cast %reduce_min3A_456 : vector<8xi32> to vector<8x1xi32>
    %eq3A_458 = vector.broadcast %broadcast_in_dim3A_457 : vector<8x1xi32> to vector<8x128xi32>
    %eq3A_459 = arith.cmpi eq, %iota3A, %eq3A_458 : vector<8x128xi32>
    %convert_element_type3A_460 = arith.extui %eq3A_459 : vector<8x128xi1> to vector<8x128xi32>
    %convert_element_type3A_461 = arith.sitofp %convert_element_type3A_460 : vector<8x128xi32> to vector<8x128xf32>
    %eq3A_462 = arith.constant 9 : i32
    %eq3A_463 = vector.broadcast %eq3A_462 : i32 to vector<8x128xi32>
    %eq3A_464 = arith.cmpi eq, %iota3A, %eq3A_463 : vector<8x128xi32>
    %broadcast_in_dim3A_465 = vector.shape_cast %broadcast_in_dim3A_457 : vector<8x1xi32> to vector<8x1xi32>
    %broadcast_in_dim3A_466 = vector.broadcast %broadcast_in_dim3A_465 : vector<8x1xi32> to vector<8x128xi32>
    %select_n3A_467 = arith.select %eq3A_464, %broadcast_in_dim3A_466, %select_n3A_443 : vector<8x128xi1>, vector<8x128xi32>
    %jit3A_468 = arith.constant -1.000000e+00 : f32
    %broadcast_in_dim3A_469 = vector.broadcast %jit3A_468 : f32 to vector<8x128xf32>
    %select_n3A_470 = arith.select %eq3A_459, %broadcast_in_dim3A_469, %select_n3A_446 : vector<8x128xi1>, vector<8x128xf32>
    %reduce_max3A_471 = arith.constant dense<0xFF800000> : vector<8xf32>
    %reduce_max3A_472 = vector.multi_reduction <maximumf>, %select_n3A_470, %reduce_max3A_471 [1] : vector<8x128xf32> to vector<8xf32>
    %broadcast_in_dim3A_473 = vector.shape_cast %reduce_max3A_472 : vector<8xf32> to vector<8x1xf32>
    %eq3A_474 = vector.broadcast %broadcast_in_dim3A_473 : vector<8x1xf32> to vector<8x128xf32>
    %eq3A_475 = arith.cmpf oeq, %select_n3A_470, %eq3A_474 : vector<8x128xf32>
    %jit3A_476 = arith.constant 128 : i32
    %broadcast_in_dim3A_477 = vector.broadcast %jit3A_476 : i32 to vector<8x128xi32>
    %select_n3A_478 = arith.select %eq3A_475, %iota3A, %broadcast_in_dim3A_477 : vector<8x128xi1>, vector<8x128xi32>
    %reduce_min3A_479 = arith.constant dense<2147483647> : vector<8xi32>
    %reduce_min3A_480 = vector.multi_reduction <minsi>, %select_n3A_478, %reduce_min3A_479 [1] : vector<8x128xi32> to vector<8xi32>
    %broadcast_in_dim3A_481 = vector.shape_cast %reduce_min3A_480 : vector<8xi32> to vector<8x1xi32>
    %eq3A_482 = vector.broadcast %broadcast_in_dim3A_481 : vector<8x1xi32> to vector<8x128xi32>
    %eq3A_483 = arith.cmpi eq, %iota3A, %eq3A_482 : vector<8x128xi32>
    %convert_element_type3A_484 = arith.extui %eq3A_483 : vector<8x128xi1> to vector<8x128xi32>
    %convert_element_type3A_485 = arith.sitofp %convert_element_type3A_484 : vector<8x128xi32> to vector<8x128xf32>
    %eq3A_486 = arith.constant 10 : i32
    %eq3A_487 = vector.broadcast %eq3A_486 : i32 to vector<8x128xi32>
    %eq3A_488 = arith.cmpi eq, %iota3A, %eq3A_487 : vector<8x128xi32>
    %broadcast_in_dim3A_489 = vector.shape_cast %broadcast_in_dim3A_481 : vector<8x1xi32> to vector<8x1xi32>
    %broadcast_in_dim3A_490 = vector.broadcast %broadcast_in_dim3A_489 : vector<8x1xi32> to vector<8x128xi32>
    %select_n3A_491 = arith.select %eq3A_488, %broadcast_in_dim3A_490, %select_n3A_467 : vector<8x128xi1>, vector<8x128xi32>
    %jit3A_492 = arith.constant -1.000000e+00 : f32
    %broadcast_in_dim3A_493 = vector.broadcast %jit3A_492 : f32 to vector<8x128xf32>
    %select_n3A_494 = arith.select %eq3A_483, %broadcast_in_dim3A_493, %select_n3A_470 : vector<8x128xi1>, vector<8x128xf32>
    %reduce_max3A_495 = arith.constant dense<0xFF800000> : vector<8xf32>
    %reduce_max3A_496 = vector.multi_reduction <maximumf>, %select_n3A_494, %reduce_max3A_495 [1] : vector<8x128xf32> to vector<8xf32>
    %broadcast_in_dim3A_497 = vector.shape_cast %reduce_max3A_496 : vector<8xf32> to vector<8x1xf32>
    %eq3A_498 = vector.broadcast %broadcast_in_dim3A_497 : vector<8x1xf32> to vector<8x128xf32>
    %eq3A_499 = arith.cmpf oeq, %select_n3A_494, %eq3A_498 : vector<8x128xf32>
    %jit3A_500 = arith.constant 128 : i32
    %broadcast_in_dim3A_501 = vector.broadcast %jit3A_500 : i32 to vector<8x128xi32>
    %select_n3A_502 = arith.select %eq3A_499, %iota3A, %broadcast_in_dim3A_501 : vector<8x128xi1>, vector<8x128xi32>
    %reduce_min3A_503 = arith.constant dense<2147483647> : vector<8xi32>
    %reduce_min3A_504 = vector.multi_reduction <minsi>, %select_n3A_502, %reduce_min3A_503 [1] : vector<8x128xi32> to vector<8xi32>
    %broadcast_in_dim3A_505 = vector.shape_cast %reduce_min3A_504 : vector<8xi32> to vector<8x1xi32>
    %eq3A_506 = vector.broadcast %broadcast_in_dim3A_505 : vector<8x1xi32> to vector<8x128xi32>
    %eq3A_507 = arith.cmpi eq, %iota3A, %eq3A_506 : vector<8x128xi32>
    %convert_element_type3A_508 = arith.extui %eq3A_507 : vector<8x128xi1> to vector<8x128xi32>
    %convert_element_type3A_509 = arith.sitofp %convert_element_type3A_508 : vector<8x128xi32> to vector<8x128xf32>
    %eq3A_510 = arith.constant 11 : i32
    %eq3A_511 = vector.broadcast %eq3A_510 : i32 to vector<8x128xi32>
    %eq3A_512 = arith.cmpi eq, %iota3A, %eq3A_511 : vector<8x128xi32>
    %broadcast_in_dim3A_513 = vector.shape_cast %broadcast_in_dim3A_505 : vector<8x1xi32> to vector<8x1xi32>
    %broadcast_in_dim3A_514 = vector.broadcast %broadcast_in_dim3A_513 : vector<8x1xi32> to vector<8x128xi32>
    %select_n3A_515 = arith.select %eq3A_512, %broadcast_in_dim3A_514, %select_n3A_491 : vector<8x128xi1>, vector<8x128xi32>
    %jit3A_516 = arith.constant -1.000000e+00 : f32
    %broadcast_in_dim3A_517 = vector.broadcast %jit3A_516 : f32 to vector<8x128xf32>
    %select_n3A_518 = arith.select %eq3A_507, %broadcast_in_dim3A_517, %select_n3A_494 : vector<8x128xi1>, vector<8x128xf32>
    %reduce_max3A_519 = arith.constant dense<0xFF800000> : vector<8xf32>
    %reduce_max3A_520 = vector.multi_reduction <maximumf>, %select_n3A_518, %reduce_max3A_519 [1] : vector<8x128xf32> to vector<8xf32>
    %broadcast_in_dim3A_521 = vector.shape_cast %reduce_max3A_520 : vector<8xf32> to vector<8x1xf32>
    %eq3A_522 = vector.broadcast %broadcast_in_dim3A_521 : vector<8x1xf32> to vector<8x128xf32>
    %eq3A_523 = arith.cmpf oeq, %select_n3A_518, %eq3A_522 : vector<8x128xf32>
    %jit3A_524 = arith.constant 128 : i32
    %broadcast_in_dim3A_525 = vector.broadcast %jit3A_524 : i32 to vector<8x128xi32>
    %select_n3A_526 = arith.select %eq3A_523, %iota3A, %broadcast_in_dim3A_525 : vector<8x128xi1>, vector<8x128xi32>
    %reduce_min3A_527 = arith.constant dense<2147483647> : vector<8xi32>
    %reduce_min3A_528 = vector.multi_reduction <minsi>, %select_n3A_526, %reduce_min3A_527 [1] : vector<8x128xi32> to vector<8xi32>
    %broadcast_in_dim3A_529 = vector.shape_cast %reduce_min3A_528 : vector<8xi32> to vector<8x1xi32>
    %eq3A_530 = vector.broadcast %broadcast_in_dim3A_529 : vector<8x1xi32> to vector<8x128xi32>
    %eq3A_531 = arith.cmpi eq, %iota3A, %eq3A_530 : vector<8x128xi32>
    %convert_element_type3A_532 = arith.extui %eq3A_531 : vector<8x128xi1> to vector<8x128xi32>
    %convert_element_type3A_533 = arith.sitofp %convert_element_type3A_532 : vector<8x128xi32> to vector<8x128xf32>
    %eq3A_534 = arith.constant 12 : i32
    %eq3A_535 = vector.broadcast %eq3A_534 : i32 to vector<8x128xi32>
    %eq3A_536 = arith.cmpi eq, %iota3A, %eq3A_535 : vector<8x128xi32>
    %broadcast_in_dim3A_537 = vector.shape_cast %broadcast_in_dim3A_529 : vector<8x1xi32> to vector<8x1xi32>
    %broadcast_in_dim3A_538 = vector.broadcast %broadcast_in_dim3A_537 : vector<8x1xi32> to vector<8x128xi32>
    %select_n3A_539 = arith.select %eq3A_536, %broadcast_in_dim3A_538, %select_n3A_515 : vector<8x128xi1>, vector<8x128xi32>
    %jit3A_540 = arith.constant -1.000000e+00 : f32
    %broadcast_in_dim3A_541 = vector.broadcast %jit3A_540 : f32 to vector<8x128xf32>
    %select_n3A_542 = arith.select %eq3A_531, %broadcast_in_dim3A_541, %select_n3A_518 : vector<8x128xi1>, vector<8x128xf32>
    %reduce_max3A_543 = arith.constant dense<0xFF800000> : vector<8xf32>
    %reduce_max3A_544 = vector.multi_reduction <maximumf>, %select_n3A_542, %reduce_max3A_543 [1] : vector<8x128xf32> to vector<8xf32>
    %broadcast_in_dim3A_545 = vector.shape_cast %reduce_max3A_544 : vector<8xf32> to vector<8x1xf32>
    %eq3A_546 = vector.broadcast %broadcast_in_dim3A_545 : vector<8x1xf32> to vector<8x128xf32>
    %eq3A_547 = arith.cmpf oeq, %select_n3A_542, %eq3A_546 : vector<8x128xf32>
    %jit3A_548 = arith.constant 128 : i32
    %broadcast_in_dim3A_549 = vector.broadcast %jit3A_548 : i32 to vector<8x128xi32>
    %select_n3A_550 = arith.select %eq3A_547, %iota3A, %broadcast_in_dim3A_549 : vector<8x128xi1>, vector<8x128xi32>
    %reduce_min3A_551 = arith.constant dense<2147483647> : vector<8xi32>
    %reduce_min3A_552 = vector.multi_reduction <minsi>, %select_n3A_550, %reduce_min3A_551 [1] : vector<8x128xi32> to vector<8xi32>
    %broadcast_in_dim3A_553 = vector.shape_cast %reduce_min3A_552 : vector<8xi32> to vector<8x1xi32>
    %eq3A_554 = vector.broadcast %broadcast_in_dim3A_553 : vector<8x1xi32> to vector<8x128xi32>
    %eq3A_555 = arith.cmpi eq, %iota3A, %eq3A_554 : vector<8x128xi32>
    %convert_element_type3A_556 = arith.extui %eq3A_555 : vector<8x128xi1> to vector<8x128xi32>
    %convert_element_type3A_557 = arith.sitofp %convert_element_type3A_556 : vector<8x128xi32> to vector<8x128xf32>
    %eq3A_558 = arith.constant 13 : i32
    %eq3A_559 = vector.broadcast %eq3A_558 : i32 to vector<8x128xi32>
    %eq3A_560 = arith.cmpi eq, %iota3A, %eq3A_559 : vector<8x128xi32>
    %broadcast_in_dim3A_561 = vector.shape_cast %broadcast_in_dim3A_553 : vector<8x1xi32> to vector<8x1xi32>
    %broadcast_in_dim3A_562 = vector.broadcast %broadcast_in_dim3A_561 : vector<8x1xi32> to vector<8x128xi32>
    %select_n3A_563 = arith.select %eq3A_560, %broadcast_in_dim3A_562, %select_n3A_539 : vector<8x128xi1>, vector<8x128xi32>
    %jit3A_564 = arith.constant -1.000000e+00 : f32
    %broadcast_in_dim3A_565 = vector.broadcast %jit3A_564 : f32 to vector<8x128xf32>
    %select_n3A_566 = arith.select %eq3A_555, %broadcast_in_dim3A_565, %select_n3A_542 : vector<8x128xi1>, vector<8x128xf32>
    %reduce_max3A_567 = arith.constant dense<0xFF800000> : vector<8xf32>
    %reduce_max3A_568 = vector.multi_reduction <maximumf>, %select_n3A_566, %reduce_max3A_567 [1] : vector<8x128xf32> to vector<8xf32>
    %broadcast_in_dim3A_569 = vector.shape_cast %reduce_max3A_568 : vector<8xf32> to vector<8x1xf32>
    %eq3A_570 = vector.broadcast %broadcast_in_dim3A_569 : vector<8x1xf32> to vector<8x128xf32>
    %eq3A_571 = arith.cmpf oeq, %select_n3A_566, %eq3A_570 : vector<8x128xf32>
    %jit3A_572 = arith.constant 128 : i32
    %broadcast_in_dim3A_573 = vector.broadcast %jit3A_572 : i32 to vector<8x128xi32>
    %select_n3A_574 = arith.select %eq3A_571, %iota3A, %broadcast_in_dim3A_573 : vector<8x128xi1>, vector<8x128xi32>
    %reduce_min3A_575 = arith.constant dense<2147483647> : vector<8xi32>
    %reduce_min3A_576 = vector.multi_reduction <minsi>, %select_n3A_574, %reduce_min3A_575 [1] : vector<8x128xi32> to vector<8xi32>
    %broadcast_in_dim3A_577 = vector.shape_cast %reduce_min3A_576 : vector<8xi32> to vector<8x1xi32>
    %eq3A_578 = vector.broadcast %broadcast_in_dim3A_577 : vector<8x1xi32> to vector<8x128xi32>
    %eq3A_579 = arith.cmpi eq, %iota3A, %eq3A_578 : vector<8x128xi32>
    %convert_element_type3A_580 = arith.extui %eq3A_579 : vector<8x128xi1> to vector<8x128xi32>
    %convert_element_type3A_581 = arith.sitofp %convert_element_type3A_580 : vector<8x128xi32> to vector<8x128xf32>
    %eq3A_582 = arith.constant 14 : i32
    %eq3A_583 = vector.broadcast %eq3A_582 : i32 to vector<8x128xi32>
    %eq3A_584 = arith.cmpi eq, %iota3A, %eq3A_583 : vector<8x128xi32>
    %broadcast_in_dim3A_585 = vector.shape_cast %broadcast_in_dim3A_577 : vector<8x1xi32> to vector<8x1xi32>
    %broadcast_in_dim3A_586 = vector.broadcast %broadcast_in_dim3A_585 : vector<8x1xi32> to vector<8x128xi32>
    %select_n3A_587 = arith.select %eq3A_584, %broadcast_in_dim3A_586, %select_n3A_563 : vector<8x128xi1>, vector<8x128xi32>
    %jit3A_588 = arith.constant -1.000000e+00 : f32
    %broadcast_in_dim3A_589 = vector.broadcast %jit3A_588 : f32 to vector<8x128xf32>
    %select_n3A_590 = arith.select %eq3A_579, %broadcast_in_dim3A_589, %select_n3A_566 : vector<8x128xi1>, vector<8x128xf32>
    %reduce_max3A_591 = arith.constant dense<0xFF800000> : vector<8xf32>
    %reduce_max3A_592 = vector.multi_reduction <maximumf>, %select_n3A_590, %reduce_max3A_591 [1] : vector<8x128xf32> to vector<8xf32>
    %broadcast_in_dim3A_593 = vector.shape_cast %reduce_max3A_592 : vector<8xf32> to vector<8x1xf32>
    %eq3A_594 = vector.broadcast %broadcast_in_dim3A_593 : vector<8x1xf32> to vector<8x128xf32>
    %eq3A_595 = arith.cmpf oeq, %select_n3A_590, %eq3A_594 : vector<8x128xf32>
    %jit3A_596 = arith.constant 128 : i32
    %broadcast_in_dim3A_597 = vector.broadcast %jit3A_596 : i32 to vector<8x128xi32>
    %select_n3A_598 = arith.select %eq3A_595, %iota3A, %broadcast_in_dim3A_597 : vector<8x128xi1>, vector<8x128xi32>
    %reduce_min3A_599 = arith.constant dense<2147483647> : vector<8xi32>
    %reduce_min3A_600 = vector.multi_reduction <minsi>, %select_n3A_598, %reduce_min3A_599 [1] : vector<8x128xi32> to vector<8xi32>
    %broadcast_in_dim3A_601 = vector.shape_cast %reduce_min3A_600 : vector<8xi32> to vector<8x1xi32>
    %eq3A_602 = vector.broadcast %broadcast_in_dim3A_601 : vector<8x1xi32> to vector<8x128xi32>
    %eq3A_603 = arith.cmpi eq, %iota3A, %eq3A_602 : vector<8x128xi32>
    %convert_element_type3A_604 = arith.extui %eq3A_603 : vector<8x128xi1> to vector<8x128xi32>
    %convert_element_type3A_605 = arith.sitofp %convert_element_type3A_604 : vector<8x128xi32> to vector<8x128xf32>
    %eq3A_606 = arith.constant 15 : i32
    %eq3A_607 = vector.broadcast %eq3A_606 : i32 to vector<8x128xi32>
    %eq3A_608 = arith.cmpi eq, %iota3A, %eq3A_607 : vector<8x128xi32>
    %broadcast_in_dim3A_609 = vector.shape_cast %broadcast_in_dim3A_601 : vector<8x1xi32> to vector<8x1xi32>
    %broadcast_in_dim3A_610 = vector.broadcast %broadcast_in_dim3A_609 : vector<8x1xi32> to vector<8x128xi32>
    %select_n3A_611 = arith.select %eq3A_608, %broadcast_in_dim3A_610, %select_n3A_587 : vector<8x128xi1>, vector<8x128xi32>
    %swap3A = arith.constant 0 : index
    %swap3A_612 = arith.constant 0 : index
    %swap3A_613 = vector.load %arg6[%swap3A, %swap3A_612] : memref<8x128xi32, #tpu.memory_space<vmem>>, vector<8x128xi32>
    tpu.vector_store %arg6[%swap3A, %swap3A_612], %select_n3A_611 {strides = array<i32>} : memref<8x128xi32, #tpu.memory_space<vmem>>, vector<8x128xi32>,
    %stack3A = vector.shape_cast %convert_element_type3A_245 : vector<8x128xf32> to vector<8x1x128xf32>
    %stack3A_614 = vector.shape_cast %convert_element_type3A_269 : vector<8x128xf32> to vector<8x1x128xf32>
    %stack3A_615 = vector.shape_cast %convert_element_type3A_293 : vector<8x128xf32> to vector<8x1x128xf32>
    %stack3A_616 = vector.shape_cast %convert_element_type3A_317 : vector<8x128xf32> to vector<8x1x128xf32>
    %stack3A_617 = vector.shape_cast %convert_element_type3A_341 : vector<8x128xf32> to vector<8x1x128xf32>
    %stack3A_618 = vector.shape_cast %convert_element_type3A_365 : vector<8x128xf32> to vector<8x1x128xf32>
    %stack3A_619 = vector.shape_cast %convert_element_type3A_389 : vector<8x128xf32> to vector<8x1x128xf32>
    %stack3A_620 = vector.shape_cast %convert_element_type3A_413 : vector<8x128xf32> to vector<8x1x128xf32>
    %stack3A_621 = vector.shape_cast %convert_element_type3A_437 : vector<8x128xf32> to vector<8x1x128xf32>
    %stack3A_622 = vector.shape_cast %convert_element_type3A_461 : vector<8x128xf32> to vector<8x1x128xf32>
    %stack3A_623 = vector.shape_cast %convert_element_type3A_485 : vector<8x128xf32> to vector<8x1x128xf32>
    %stack3A_624 = vector.shape_cast %convert_element_type3A_509 : vector<8x128xf32> to vector<8x1x128xf32>
    %stack3A_625 = vector.shape_cast %convert_element_type3A_533 : vector<8x128xf32> to vector<8x1x128xf32>
    %stack3A_626 = vector.shape_cast %convert_element_type3A_557 : vector<8x128xf32> to vector<8x1x128xf32>
    %stack3A_627 = vector.shape_cast %convert_element_type3A_581 : vector<8x128xf32> to vector<8x1x128xf32>
    %stack3A_628 = vector.shape_cast %convert_element_type3A_605 : vector<8x128xf32> to vector<8x1x128xf32>
    %stack3A_629 = tpu.concatenate %stack3A, %stack3A_614, %stack3A_615, %stack3A_616, %stack3A_617, %stack3A_618, %stack3A_619, %stack3A_620, %stack3A_621, %stack3A_622, %stack3A_623, %stack3A_624, %stack3A_625, %stack3A_626, %stack3A_627, %stack3A_628 in 1 : vector<8x1x128xf32>, vector<8x1x128xf32>, vector<8x1x128xf32>, vector<8x1x128xf32>, vector<8x1x128xf32>, vector<8x1x128xf32>, vector<8x1x128xf32>, vector<8x1x128xf32>, vector<8x1x128xf32>, vector<8x1x128xf32>, vector<8x1x128xf32>, vector<8x1x128xf32>, vector<8x1x128xf32>, vector<8x1x128xf32>, vector<8x1x128xf32>, vector<8x1x128xf32> -> vector<8x16x128xf32>
    %slice3A_630 = vector.extract_strided_slice %stack3A_629 {offsets = [0, 0, 0], sizes = [1, 16, 128], strides = [1, 1, 1]} : vector<8x16x128xf32> to vector<1x16x128xf32>
    %squeeze3A = vector.shape_cast %slice3A_630 : vector<1x16x128xf32> to vector<16x128xf32>
    %slice3A_631 = vector.extract_strided_slice %add3A_231 {offsets = [0, 0, 0], sizes = [1, 128, 128], strides = [1, 1, 1]} : vector<8x128x128xf32> to vector<1x128x128xf32>
    %squeeze3A_632 = vector.shape_cast %slice3A_631 : vector<1x128x128xf32> to vector<128x128xf32>
    %dot_general3A_633 = arith.constant dense<0.000000e+00> : vector<16x128xf32>
    %dot_general3A_634 = tpu.matmul %squeeze3A, %squeeze3A_632, %dot_general3A_633 {dimension_numbers = #tpu.dot_dimension_numbers<[1], [0], [0], [1], [0, 0, 1, 1], [], []>, precision = #tpu.contract_precision<fp32>, transpose_lhs_hint = false} : vector<16x128xf32>, vector<128x128xf32>, vector<16x128xf32> -> vector<16x128xf32>
    %swap3A_635 = arith.constant 0 : index
    %swap3A_636 = arith.constant 0 : index
    %swap3A_637 = vector.load %arg5[%swap3A_635, %swap3A_636] : memref<128x128xf32, #tpu.memory_space<vmem>>, vector<16x128xf32>
    tpu.vector_store %arg5[%swap3A_635, %swap3A_636], %dot_general3A_634 {strides = array<i32>} : memref<128x128xf32, #tpu.memory_space<vmem>>, vector<16x128xf32>,
    %slice3A_638 = vector.extract_strided_slice %stack3A_629 {offsets = [1, 0, 0], sizes = [1, 16, 128], strides = [1, 1, 1]} : vector<8x16x128xf32> to vector<1x16x128xf32>
    %squeeze3A_639 = vector.shape_cast %slice3A_638 : vector<1x16x128xf32> to vector<16x128xf32>
    %slice3A_640 = vector.extract_strided_slice %add3A_231 {offsets = [1, 0, 0], sizes = [1, 128, 128], strides = [1, 1, 1]} : vector<8x128x128xf32> to vector<1x128x128xf32>
    %squeeze3A_641 = vector.shape_cast %slice3A_640 : vector<1x128x128xf32> to vector<128x128xf32>
    %dot_general3A_642 = arith.constant dense<0.000000e+00> : vector<16x128xf32>
    %dot_general3A_643 = tpu.matmul %squeeze3A_639, %squeeze3A_641, %dot_general3A_642 {dimension_numbers = #tpu.dot_dimension_numbers<[1], [0], [0], [1], [0, 0, 1, 1], [], []>, precision = #tpu.contract_precision<fp32>, transpose_lhs_hint = false} : vector<16x128xf32>, vector<128x128xf32>, vector<16x128xf32> -> vector<16x128xf32>
    %swap3A_644 = arith.constant 16 : index
    %swap3A_645 = arith.constant 0 : index
    %swap3A_646 = vector.load %arg5[%swap3A_644, %swap3A_645] : memref<128x128xf32, #tpu.memory_space<vmem>>, vector<16x128xf32>
    tpu.vector_store %arg5[%swap3A_644, %swap3A_645], %dot_general3A_643 {strides = array<i32>} : memref<128x128xf32, #tpu.memory_space<vmem>>, vector<16x128xf32>,
    %slice3A_647 = vector.extract_strided_slice %stack3A_629 {offsets = [2, 0, 0], sizes = [1, 16, 128], strides = [1, 1, 1]} : vector<8x16x128xf32> to vector<1x16x128xf32>
    %squeeze3A_648 = vector.shape_cast %slice3A_647 : vector<1x16x128xf32> to vector<16x128xf32>
    %slice3A_649 = vector.extract_strided_slice %add3A_231 {offsets = [2, 0, 0], sizes = [1, 128, 128], strides = [1, 1, 1]} : vector<8x128x128xf32> to vector<1x128x128xf32>
    %squeeze3A_650 = vector.shape_cast %slice3A_649 : vector<1x128x128xf32> to vector<128x128xf32>
    %dot_general3A_651 = arith.constant dense<0.000000e+00> : vector<16x128xf32>
    %dot_general3A_652 = tpu.matmul %squeeze3A_648, %squeeze3A_650, %dot_general3A_651 {dimension_numbers = #tpu.dot_dimension_numbers<[1], [0], [0], [1], [0, 0, 1, 1], [], []>, precision = #tpu.contract_precision<fp32>, transpose_lhs_hint = false} : vector<16x128xf32>, vector<128x128xf32>, vector<16x128xf32> -> vector<16x128xf32>
    %swap3A_653 = arith.constant 32 : index
    %swap3A_654 = arith.constant 0 : index
    %swap3A_655 = vector.load %arg5[%swap3A_653, %swap3A_654] : memref<128x128xf32, #tpu.memory_space<vmem>>, vector<16x128xf32>
    tpu.vector_store %arg5[%swap3A_653, %swap3A_654], %dot_general3A_652 {strides = array<i32>} : memref<128x128xf32, #tpu.memory_space<vmem>>, vector<16x128xf32>,
    %slice3A_656 = vector.extract_strided_slice %stack3A_629 {offsets = [3, 0, 0], sizes = [1, 16, 128], strides = [1, 1, 1]} : vector<8x16x128xf32> to vector<1x16x128xf32>
    %squeeze3A_657 = vector.shape_cast %slice3A_656 : vector<1x16x128xf32> to vector<16x128xf32>
    %slice3A_658 = vector.extract_strided_slice %add3A_231 {offsets = [3, 0, 0], sizes = [1, 128, 128], strides = [1, 1, 1]} : vector<8x128x128xf32> to vector<1x128x128xf32>
    %squeeze3A_659 = vector.shape_cast %slice3A_658 : vector<1x128x128xf32> to vector<128x128xf32>
    %dot_general3A_660 = arith.constant dense<0.000000e+00> : vector<16x128xf32>
    %dot_general3A_661 = tpu.matmul %squeeze3A_657, %squeeze3A_659, %dot_general3A_660 {dimension_numbers = #tpu.dot_dimension_numbers<[1], [0], [0], [1], [0, 0, 1, 1], [], []>, precision = #tpu.contract_precision<fp32>, transpose_lhs_hint = false} : vector<16x128xf32>, vector<128x128xf32>, vector<16x128xf32> -> vector<16x128xf32>
    %swap3A_662 = arith.constant 48 : index
    %swap3A_663 = arith.constant 0 : index
    %swap3A_664 = vector.load %arg5[%swap3A_662, %swap3A_663] : memref<128x128xf32, #tpu.memory_space<vmem>>, vector<16x128xf32>
    tpu.vector_store %arg5[%swap3A_662, %swap3A_663], %dot_general3A_661 {strides = array<i32>} : memref<128x128xf32, #tpu.memory_space<vmem>>, vector<16x128xf32>,
    %slice3A_665 = vector.extract_strided_slice %stack3A_629 {offsets = [4, 0, 0], sizes = [1, 16, 128], strides = [1, 1, 1]} : vector<8x16x128xf32> to vector<1x16x128xf32>
    %squeeze3A_666 = vector.shape_cast %slice3A_665 : vector<1x16x128xf32> to vector<16x128xf32>
    %slice3A_667 = vector.extract_strided_slice %add3A_231 {offsets = [4, 0, 0], sizes = [1, 128, 128], strides = [1, 1, 1]} : vector<8x128x128xf32> to vector<1x128x128xf32>
    %squeeze3A_668 = vector.shape_cast %slice3A_667 : vector<1x128x128xf32> to vector<128x128xf32>
    %dot_general3A_669 = arith.constant dense<0.000000e+00> : vector<16x128xf32>
    %dot_general3A_670 = tpu.matmul %squeeze3A_666, %squeeze3A_668, %dot_general3A_669 {dimension_numbers = #tpu.dot_dimension_numbers<[1], [0], [0], [1], [0, 0, 1, 1], [], []>, precision = #tpu.contract_precision<fp32>, transpose_lhs_hint = false} : vector<16x128xf32>, vector<128x128xf32>, vector<16x128xf32> -> vector<16x128xf32>
    %swap3A_671 = arith.constant 64 : index
    %swap3A_672 = arith.constant 0 : index
    %swap3A_673 = vector.load %arg5[%swap3A_671, %swap3A_672] : memref<128x128xf32, #tpu.memory_space<vmem>>, vector<16x128xf32>
    tpu.vector_store %arg5[%swap3A_671, %swap3A_672], %dot_general3A_670 {strides = array<i32>} : memref<128x128xf32, #tpu.memory_space<vmem>>, vector<16x128xf32>,
    %slice3A_674 = vector.extract_strided_slice %stack3A_629 {offsets = [5, 0, 0], sizes = [1, 16, 128], strides = [1, 1, 1]} : vector<8x16x128xf32> to vector<1x16x128xf32>
    %squeeze3A_675 = vector.shape_cast %slice3A_674 : vector<1x16x128xf32> to vector<16x128xf32>
    %slice3A_676 = vector.extract_strided_slice %add3A_231 {offsets = [5, 0, 0], sizes = [1, 128, 128], strides = [1, 1, 1]} : vector<8x128x128xf32> to vector<1x128x128xf32>
    %squeeze3A_677 = vector.shape_cast %slice3A_676 : vector<1x128x128xf32> to vector<128x128xf32>
    %dot_general3A_678 = arith.constant dense<0.000000e+00> : vector<16x128xf32>
    %dot_general3A_679 = tpu.matmul %squeeze3A_675, %squeeze3A_677, %dot_general3A_678 {dimension_numbers = #tpu.dot_dimension_numbers<[1], [0], [0], [1], [0, 0, 1, 1], [], []>, precision = #tpu.contract_precision<fp32>, transpose_lhs_hint = false} : vector<16x128xf32>, vector<128x128xf32>, vector<16x128xf32> -> vector<16x128xf32>
    %swap3A_680 = arith.constant 80 : index
    %swap3A_681 = arith.constant 0 : index
    %swap3A_682 = vector.load %arg5[%swap3A_680, %swap3A_681] : memref<128x128xf32, #tpu.memory_space<vmem>>, vector<16x128xf32>
    tpu.vector_store %arg5[%swap3A_680, %swap3A_681], %dot_general3A_679 {strides = array<i32>} : memref<128x128xf32, #tpu.memory_space<vmem>>, vector<16x128xf32>,
    %slice3A_683 = vector.extract_strided_slice %stack3A_629 {offsets = [6, 0, 0], sizes = [1, 16, 128], strides = [1, 1, 1]} : vector<8x16x128xf32> to vector<1x16x128xf32>
    %squeeze3A_684 = vector.shape_cast %slice3A_683 : vector<1x16x128xf32> to vector<16x128xf32>
    %slice3A_685 = vector.extract_strided_slice %add3A_231 {offsets = [6, 0, 0], sizes = [1, 128, 128], strides = [1, 1, 1]} : vector<8x128x128xf32> to vector<1x128x128xf32>
    %squeeze3A_686 = vector.shape_cast %slice3A_685 : vector<1x128x128xf32> to vector<128x128xf32>
    %dot_general3A_687 = arith.constant dense<0.000000e+00> : vector<16x128xf32>
    %dot_general3A_688 = tpu.matmul %squeeze3A_684, %squeeze3A_686, %dot_general3A_687 {dimension_numbers = #tpu.dot_dimension_numbers<[1], [0], [0], [1], [0, 0, 1, 1], [], []>, precision = #tpu.contract_precision<fp32>, transpose_lhs_hint = false} : vector<16x128xf32>, vector<128x128xf32>, vector<16x128xf32> -> vector<16x128xf32>
    %swap3A_689 = arith.constant 96 : index
    %swap3A_690 = arith.constant 0 : index
    %swap3A_691 = vector.load %arg5[%swap3A_689, %swap3A_690] : memref<128x128xf32, #tpu.memory_space<vmem>>, vector<16x128xf32>
    tpu.vector_store %arg5[%swap3A_689, %swap3A_690], %dot_general3A_688 {strides = array<i32>} : memref<128x128xf32, #tpu.memory_space<vmem>>, vector<16x128xf32>,
    %slice3A_692 = vector.extract_strided_slice %stack3A_629 {offsets = [7, 0, 0], sizes = [1, 16, 128], strides = [1, 1, 1]} : vector<8x16x128xf32> to vector<1x16x128xf32>
    %squeeze3A_693 = vector.shape_cast %slice3A_692 : vector<1x16x128xf32> to vector<16x128xf32>
    %slice3A_694 = vector.extract_strided_slice %add3A_231 {offsets = [7, 0, 0], sizes = [1, 128, 128], strides = [1, 1, 1]} : vector<8x128x128xf32> to vector<1x128x128xf32>
    %squeeze3A_695 = vector.shape_cast %slice3A_694 : vector<1x128x128xf32> to vector<128x128xf32>
    %dot_general3A_696 = arith.constant dense<0.000000e+00> : vector<16x128xf32>
    %dot_general3A_697 = tpu.matmul %squeeze3A_693, %squeeze3A_695, %dot_general3A_696 {dimension_numbers = #tpu.dot_dimension_numbers<[1], [0], [0], [1], [0, 0, 1, 1], [], []>, precision = #tpu.contract_precision<fp32>, transpose_lhs_hint = false} : vector<16x128xf32>, vector<128x128xf32>, vector<16x128xf32> -> vector<16x128xf32>
    %swap3A_698 = arith.constant 112 : index
    %swap3A_699 = arith.constant 0 : index
    %swap3A_700 = vector.load %arg5[%swap3A_698, %swap3A_699] : memref<128x128xf32, #tpu.memory_space<vmem>>, vector<16x128xf32>
    tpu.vector_store %arg5[%swap3A_698, %swap3A_699], %dot_general3A_697 {strides = array<i32>} : memref<128x128xf32, #tpu.memory_space<vmem>>, vector<16x128xf32>,
    return
  }
}

module attributes {stable_mosaic.version = 14 : i64} {
  func.func @_decode_body(%arg0: i32, %arg1: memref<128x128xf32, #tpu.memory_space<vmem>>, %arg2: memref<4096x128xf32, #tpu.memory_space<vmem>>, %arg3: memref<128x4096xf32, #tpu.memory_space<vmem>>) attributes {dimension_semantics = [#tpu.dimension_semantics<arbitrary>], iteration_bounds = array<i64: 8>, scalar_prefetch = 0 : i64, scratch_operands = 0 : i64, tpu.core_type = #tpu.core_type<tc>, window_params = [{pipeline_mode = #tpu.pipeline_mode<synchronous>, transform_indices = @transform_0, window_bounds = array<i64: 128, 128>}, {transform_indices = @transform_1, window_bounds = array<i64: 4096, 128>}, {transform_indices = @transform_2, window_bounds = array<i64: 128, 4096>}]} {
    %get3A = arith.constant 0 : index
    %get3A_0 = arith.constant 0 : index
    %get3A_1 = vector.load %arg1[%get3A, %get3A_0] : memref<128x128xf32, #tpu.memory_space<vmem>>, vector<128x128xf32>
    %get3A_2 = arith.constant 0 : index
    %get3A_3 = arith.constant 0 : index
    %get3A_4 = vector.load %arg2[%get3A_2, %get3A_3] : memref<4096x128xf32, #tpu.memory_space<vmem>>, vector<4096x128xf32>
    %dot_general3A = arith.constant dense<0.000000e+00> : vector<128x4096xf32>
    %dot_general3A_5 = tpu.matmul %get3A_1, %get3A_4, %dot_general3A {dimension_numbers = #tpu.dot_dimension_numbers<[1], [1], [0], [0], [0, 0, 1, 0], [], []>, precision = #tpu.contract_precision<fp32>, transpose_lhs_hint = false} : vector<128x128xf32>, vector<4096x128xf32>, vector<128x4096xf32> -> vector<128x4096xf32>
    %tanh3A = math.tanh %dot_general3A_5 : vector<128x4096xf32>
    %swap3A = arith.constant 0 : index
    %swap3A_6 = arith.constant 0 : index
    %swap3A_7 = vector.load %arg3[%swap3A, %swap3A_6] : memref<128x4096xf32, #tpu.memory_space<vmem>>, vector<128x4096xf32>
    tpu.vector_store %arg3[%swap3A, %swap3A_6], %tanh3A {strides = array<i32>} : memref<128x4096xf32, #tpu.memory_space<vmem>>, vector<128x4096xf32>,
    return
  }
  func.func @transform_0(%arg0: i32) -> (i32, i32) {
    %c0_i32 = arith.constant 0 : i32
    %c0_i32_0 = arith.constant 0 : i32
    %c0_i32_1 = arith.constant 0 : i32
    return %c0_i32, %c0_i32_0 : i32, i32
  }
  func.func @transform_1(%arg0: i32) -> (i32, i32) {
    %c0_i32 = arith.constant 0 : i32
    %c0_i32_0 = arith.constant 0 : i32
    return %arg0, %c0_i32 : i32, i32
  }
  func.func @transform_2(%arg0: i32) -> (i32, i32) {
    %c0_i32 = arith.constant 0 : i32
    %c0_i32_0 = arith.constant 0 : i32
    return %c0_i32, %arg0 : i32, i32
  }
}

</mosaic_0001>

<sc_bundles>
// kernel: kernel.6.cloned.1.call-start
scs
__scs_entry_jumppad:
0x0: {  	(pc) =	sbr.rel $0x88, $3  }
0x1: {  	(tag) =	ssettag $0x0;
	lr =	simm.s32 $0x1  }
0x2: {  	[smem:$0x3F98] =	sst lr;
	_ =	strace $0xD0000000  }
0x3: {  	_ = 	snop  }
0x4: {  	_ = 	snop  }
0x5: {  	_ = 	snop  }
0x6: {  	_ = 	snop  }
0x7: {  	_ = 	snop  }
__scs_overlays_trampoline_lowered:
0x8: {  	[smem:$0x3FA7] =	sst s0  }
0x9: {  	[smem:$0x3FA8] =	sst s1  }
0xa: {  	[smem:$0x3FA9] =	sst s2  }
0xb: {  	[smem:$0x3FAA] =	sst s3  }
0xc: {  	[smem:$0x3FAB] =	sst s4  }
0xd: {  	[smem:$0x3FAC] =	sst s5  }
0xe: {  	[smem:$0x3FAD] =	sst s6  }
0xf: {  	[smem:$0x3FAE] =	sst s7  }
0x10: {  	[smem:$0x3FAF] =	sst s8  }
0x11: {  	[smem:$0x3FB0] =	sst s9;
	s0 =	simm.s32 @!p0 $0x0  }
0x12: {  	s1 =	sld [smem:$0x3F96];
	s0 =	simm.s32 @p0 $0x1  }
0x13: {  	[smem:$0x3FB1] =	sst s0;
	s0 =	simm.s32 @!p1 $0x0  }
0x14: {  	s2 =	sld [smem:$0x3F95];
	s0 =	simm.s32 @p1 $0x1  }
0x15: {  	[smem:$0x3FB2] =	sst s0;
	s0 =	simm.s32 @!p2 $0x0  }
0x16: {  	s3 =	sld [smem:$0x3FDB];
	s0 =	simm.s32 @p2 $0x1  }
0x17: {  	s4 =	simm.s32 $0x1BF5;
	[smem:$0x3FB4] =	sst s0  }
0x18: {  	s0 =	sld [smem:$0x3F97];
	_ =	swait.ge [sflag:s4], $0x0  }
0x19: {  	s7 =	sld [smem:$0x3F98]  }
0x1a: {  	s8 =	sadd.s32 $0xFFFFE003, lr  }
0x1b: {  	s9 =	sadd.s32 $0xFFFFFEF7, lr;
	s5 =	simm.s32 $0xFFFFFFFF;
	p2 =	slt.u32 s8, $0xFFFFF086  }
0x1c: {  	p1 =	slt.u32 s9, $0xF7A;
	s5 =	simm.s32 @!p2 $0x0  }
0x1d: {  	s5 =	simm.s32 @p1 $0x1;
	p0 =	seq.s32 s7, s2  }
0x1e: {  	s7 =	smul.u32 @!p0 $0xF7A, s2;
	p2 =	seq.s32 @!p0 s5, $0x0  }
0x1f: {  	s9 =	smul.u32 $0xF7A, s1;
	s8 =	simm.s32 @!p0 $0x1BF5;
	p2 =	por !p2, p0  }
0x20: {  	[sflag:s8] =	ssyncset.s32 @!p0 $0xFFFFF086;
	s6 =	sadd.s32 @!p0 s3, s7;
	s7 =	simm.s32 @!p0 $0x108  }
0x21: {  	s3 =	sadd.s32 s3, s9;
	s6 =	sadd.s32 @!p0 $0x88, s6;
	s7 =	simm.s32 @p2 $0x1082  }
0x22: {  	[simem:s7], [sflag:s8] =	dma.local @!p0 [hbm:s6], $0xF7A  }
0x23: {  	s9 =	sor.u32 $0xD0000000, s2;
	s6 =	simm.s32 $0x108;
	_ =	swait.ge @!p0 [sflag:s8], $0x0  }
0x24: {  	s3 =	sadd.s32 $0x88, s3;
	s6 =	simm.s32 @!p1 $0x1082;
	[sflag:s4] =	ssyncset.s32 $0xFFFFF086  }
0x25: {  	[simem:s6], [sflag:s4] =	dma.local [hbm:s3], $0xF7A  }
0x26: {  	[smem:$0x3F98] =	sst s1;
	(tag) =	ssettag s2;
	_ =	strace s9  }
0x27: {  	s1 =	sld [smem:$0x3FA8]  }
0x28: {  	s2 =	sld [smem:$0x3FA9]  }
0x29: {  	s4 =	sld [smem:$0x3FAB]  }
0x2a: {  	p0 =	seq.s32 s5, $0x0;
	s5 =	sld [smem:$0x3FAC]  }
0x2b: {  	s6 =	sld [smem:$0x3FAD]  }
0x2c: {  	s7 =	sld [smem:$0x3FAE]  }
0x2d: {  	s3 =	simm.s32 $0x108;
	s8 =	sld [smem:$0x3FAF]  }
0x2e: {  	s3 =	simm.s32 @!p0 $0x1082;
	s9 =	sld [smem:$0x3FB0]  }
0x2f: {  	lr =	sadd.s32 s0, s3;
	s0 =	sld [smem:$0x3FA7]  }
0x30: {  	s3 =	sld [smem:$0x3FAA]  }
0x31: {  	[smem:$0x3FB3] =	sst s10  }
0x32: {  	s10 =	sld [smem:$0x3FB1];
	_ =	sdelay $0x3  }
0x33: {  	p0 =	seq.s32 s10, $0x1;
	s10 =	sld [smem:$0x3FB3];
	_ =	sdelay $0x3  }
0x34: {  	[smem:$0x3FB3] =	sst s10  }
0x35: {  	s10 =	sld [smem:$0x3FB2];
	_ =	sdelay $0x3  }
0x36: {  	p1 =	seq.s32 s10, $0x1;
	s10 =	sld [smem:$0x3FB3];
	_ =	sdelay $0x3  }
0x37: {  	[smem:$0x3FB3] =	sst s10  }
0x38: {  	s10 =	sld [smem:$0x3FB4]  }
0x39: {  	_ = 	snop;
	(pc) =	sbr.ind lr, $3  }
0x3a: {  	_ = 	snop  }
0x3b: {  	_ = 	snop  }
0x3c: {  	p2 =	seq.s32 s10, $0x1;
	s10 =	sld [smem:$0x3FB3]  }
0x3d: {  	_ =	shalt  }
0x3e: {  	_ =	shalt  }
0x3f: {  	_ =	shalt  }
0x40: {  	_ =	shalt  }
0x41: {  	_ =	shalt  }
0x42: {  	_ =	shalt  }
0x43: {  	_ =	shalt  }
0x44: {  	_ =	shalt  }
0x45: {  	_ =	shalt  }
0x46: {  	_ =	shalt  }
0x47: {  	_ =	shalt  }
0x48: {  	_ =	shalt  }
0x49: {  	_ =	shalt  }
0x4a: {  	_ =	shalt  }
0x4b: {  	_ =	shalt  }
0x4c: {  	_ =	shalt  }
0x4d: {  	_ =	shalt  }
0x4e: {  	_ =	shalt  }
0x4f: {  	_ =	shalt  }
0x50: {  	_ =	shalt  }
0x51: {  	_ =	shalt  }
0x52: {  	_ =	shalt  }
0x53: {  	_ =	shalt  }
0x54: {  	_ =	shalt  }
0x55: {  	_ =	shalt  }
0x56: {  	_ =	shalt  }
0x57: {  	_ =	shalt  }
0x58: {  	_ =	shalt  }
0x59: {  	_ =	shalt  }
0x5a: {  	_ =	shalt  }
0x5b: {  	_ =	shalt  }
0x5c: {  	_ =	shalt  }
0x5d: {  	_ =	shalt  }
0x5e: {  	_ =	shalt  }
0x5f: {  	_ =	shalt  }
0x60: {  	_ =	shalt  }
0x61: {  	_ =	shalt  }
0x62: {  	_ =	shalt  }
0x63: {  	_ =	shalt  }
0x64: {  	_ =	shalt  }
0x65: {  	_ =	shalt  }
0x66: {  	_ =	shalt  }
0x67: {  	_ =	shalt  }
0x68: {  	_ =	shalt  }
0x69: {  	_ =	shalt  }
0x6a: {  	_ =	shalt  }
0x6b: {  	_ =	shalt  }
0x6c: {  	_ =	shalt  }
0x6d: {  	_ =	shalt  }
0x6e: {  	_ =	shalt  }
0x6f: {  	_ =	shalt  }
0x70: {  	_ =	shalt  }
0x71: {  	_ =	shalt  }
0x72: {  	_ =	shalt  }
0x73: {  	_ =	shalt  }
0x74: {  	_ =	shalt  }
0x75: {  	_ =	shalt  }
0x76: {  	_ =	shalt  }
0x77: {  	_ =	shalt  }
0x78: {  	_ =	shalt  }
0x79: {  	_ =	shalt  }
0x7a: {  	_ =	shalt  }
0x7b: {  	_ =	shalt  }
0x7c: {  	_ =	shalt  }
0x7d: {  	_ =	shalt  }
0x7e: {  	_ =	shalt  }
0x7f: {  	_ =	shalt  }
0x80: {  	_ =	shalt  }
0x81: {  	_ =	shalt  }
0x82: {  	_ =	shalt  }
0x83: {  	_ =	shalt  }
0x84: {  	_ =	shalt  }
0x85: {  	_ =	shalt  }
0x86: {  	_ =	shalt  }
0x87: {  	_ =	shalt  }
.Lfunc_end0:
.L_simem_size_0:
called_computation_lowered:
.L_overlay_start_0:
0x88: {  	s2 =	sld [smem:$0x3FD9]  }
0x89: {  	s3 =	sld [smem:$0x3FFE];
	_ =	sdelay $0x1  }
0x8a: {  	s1 =	srdreg.scid  }
0x8b: {  	s0 =	sand.u32 $0x1, s1  }
0x8c: {  	s17 =	sshll.u32 s0, $0xA;
	s2 =	sadd.s32 s3, s2  }
0x8d: {  	s2 =	sadd.s32 s2, s17  }
0x8e: {  	[smem:$0x3FBF] =	sst s2  }
0x8f: {  	_ = 	snop  }
0x90: {  	s2 =	sld [smem:$0x3FD0];
	(tm) =	ssettm $0x1  }
0x91: {  	s18 =	sld [smem:$0x3FFB];
	_ =	sdelay $0x3  }
0x92: {  	_ =	strace s18  }
0x93: {  	s3 =	sld [smem:$0x3FFC];
	_ =	sdelay $0x3  }
0x94: {  	_ =	strace s3  }
0x95: {  	s3 =	sld [smem:$0x3FFD];
	_ =	sdelay $0x3  }
0x96: {  	_ =	strace s3  }
0x97: {  	_ =	strace $0x8FFFFFFF  }
0x98: {  	s19 =	sld [smem:$0x3FDB];
	_ =	sdelay $0x1  }
0x99: {  	s4 =	simm.s32 $_scs_section_size  }
0x9a: {  	s5 =	simm.s32 $_size__tile_overlayer_lowered;
	s6 =	simm.s32 $_tile_overlayer_lowered  }
0x9b: {  	s22 =	simm.s32 $0x1BFF;
	s21 =	sshll.u32 s6, $0x1;
	s3 =	sadd.s32 s4, s19  }
0x9c: {  	s7 =	simm.s32 $0x0;
	s20 =	sshll.u32 s5, $0x1;
	s5 =	sadd.s32 s21, s3  }
0x9d: {  	[timem:s7], [sflag:s22] =	dma.local [hbm:s5], s20  }
0x9e: {  	_ =	swait.ge [sflag:s22], s20  }
0x9f: {  	s4 =	ssub.s32 $0x0, s20;
	[sflag:s22] =	ssyncset.done $0x0  }
0xa0: {  	[sflag:s22] =	ssyncadd.s32 s4;
	_ =	sdelay $0x1  }
0xa1: {  	s23 =	simm.s32 $0x1B8B  }
0xa2: {  	_ =	swait.ge [sflag:s23], $0x1  }
0xa3: {  	[sflag:s23] =	ssyncset.done $0x0  }
0xa4: {  	s25 =	simm.s32 $0x1B8E;
	s24 =	sld [smem:$0x3FFE];
	[sflag:s23] =	ssyncadd.s32 $0xFFFFFFFF  }
0xa5: {  	s26 =	simm.s32 $execute0_lowered;
	[smem:$0x3FD2] =	sst s25  }
0xa6: {  	s5 =	sshll.u32 s26, $0x1;
	_ =	strace $0x80000046;
	[dreg:$0x1] =	wrdreg $0xFFFFFFFF  }
0xa7: {  	s28 =	simm.s32 $_size_execute0_lowered;
	s3 =	sadd.s32 s3, s5;
	[dreg:$0x0] =	wrdreg $0x0  }
0xa8: {  	s5 =	sshll.u32 s28, $0x1;
	[dreg:$0x2] =	wrdreg s3  }
0xa9: {  	[dreg:$0x3] =	wrdreg s5  }
0xaa: {  	[dreg:$0x4] =	wrdreg $0xC0  }
0xab: {  	_ =	task [dreg:s7], $0x5FFFF  }
0xac: {  	[dreg:$0x1] =	wrdreg $0xFFFFFFFF  }
0xad: {  	[dreg:$0x0] =	wrdreg $0x60  }
0xae: {  	[dreg:$0x2] =	wrdreg s24  }
0xaf: {  	[dreg:$0x3] =	wrdreg s2  }
0xb0: {  	[dreg:$0x4] =	wrdreg $0x9  }
0xb1: {  	_ =	task.clear_ibuf [dreg:s7], $0x5FFFF;
	_ =	strace $0x90000046  }
0xb2: {  	s29 =	simm.s32 $0x9;
	_ =	strace $0x80000048  }
0xb3: {  	_ =	swait.ge [sflag:s29], $0x1  }
0xb4: {  	[sflag:s29] =	ssyncadd.s32 $0xFFFFFFFF  }
0xb5: {  	_ =	strace $0x90000048  }
0xb6: {  	_ =	sfence  }
0xb7: {  	s30 =	sld [smem:$0x0];
	_ =	sdelay $0x2  }
0xb8: {  	s31 =	sshll.u32 s1, $0xD;
	s1 =	sshrl.u32 s1, $0x2  }
0xb9: {  	s3 =	sand.u32 $0x4000, s31;
	s1 =	sadd.s32 s1, s30  }
0xba: {  	s0 =	sor.u32 s3, s0;
	s1 =	sshll.u32 s1, $0x11  }
0xbb: {  	s0 =	sor.u32 s1, s0  }
0xbc: {  	s0 =	sadd.s32 $0x8F2B, s0  }
0xbd: {  	[sflag:s0] =	ssyncadd.remote.s32 $0x1  }
0xbe: {  	_ =	sfence.sel $0xFFFF  }
0xbf: {  	[dreg:$0x0] =	wrdreg $0xFFFFFFFF;
	(pc) =	sbr.abs _section_cstart, $3  }
0xc0: {  	[dreg:$0x1] =	wrdreg $0xFFFFFFFF  }
0xc1: {  	_ =	task.clear_ibuf [dreg:s7], $0x2FFFF;
	_ =	strace $0x9FFFFFFF  }
0xc2: {  	(tm) =	ssettm $0x7FFFFFFF  }
0xc3: {  	_ =	shalt  }
tec
execute0_lowered:
.L_overlay_start_1:
0x0: {  	(tag) =	ssettag $0x1  }
0x1: {  	s0 =	rddreg [dreg:$0x0]  }
0x2: {  	s1 =	rddreg [dreg:$0x1];
	s28 =	simm.s32 $0x0  }
0x3: {  	s21 =	stileid.u32;
	s2 =	srdreg.scid;
	s29 =	simm.s32 $0x0  }
0x4: {  	[smem:$0x7FF] =	sst s28;
	s3 =	sadd.s32 $0x3600, s0;
	s4 =	sand.u32 $0xE, s21  }
0x5: {  	s2 =	sand.u32 $0x1, s2;
	s5 =	sshll.u32 s21, $0x1;
	s20 =	sshrl.u32 s21, $0x1  }
0x6: {  	s21 =	sand.u32 $0x1, s21;
	_ =	strace $0x80000047;
	s0 =	sadd.s32 s4, s0  }
0x7: {  	s26 =	ssub.s32 $0x2, s2;
	s5 =	sand.u32 $0x2, s5;
	s30 =	sshll.u32 s20, $0xF  }
0x8: {  	s23 =	sshll.u32 s21, $0xE;
	s6 =	sshrl.u32 s26, $0x1;
	s5 =	sor.u32 s2, s5  }
0x9: {  	s0 =	sadd.s32 $0x83600, s0;
	s2 =	sshll.u32 s2, $0xD;
	s24 =	ssub.s32 s26, s6  }
0xa: {  	s4 =	sshll.u32 s5, $0xD;
	s5 =	sshll.u32 s20, $0x13;
	[dreg:$0x3] =	wrdreg s0  }
0xb: {  	s31 =	sor.u32 s23, s2;
	s26 =	simm.s32 $0x1;
	s7 =	sadd.s32 $0x2000, s4  }
0xc: {  	s8 =	sor.u32 $0x8000, s5;
	s9 =	sor.u32 $0x10000, s5;
	s10 =	sor.u32 $0x18000, s5  }
0xd: {  	s11 =	sor.u32 $0x20000, s5;
	s12 =	sor.u32 $0x28000, s5;
	s13 =	sor.u32 $0x30000, s5  }
.Ltmp0:
0xe: {  	s14 =	sor.u32 $0x38000, s5;
	s15 =	sor.u32 $0x40000, s5;
	(pc) =	sbr.rel .LBB2_1-.Ltmp0, $4  }
0xf: {  	s16 =	sor.u32 $0x48000, s5;
	s17 =	sor.u32 $0x50000, s5;
	s18 =	sor.u32 $0x58000, s5  }
0x10: {  	s19 =	sor.u32 $0x60000, s5;
	s20 =	sor.u32 $0x68000, s5;
	s0 =	sor.u32 s30, s4  }
0x11: {  	s22 =	sor.u32 $0x70000, s5;
	s23 =	sor.u32 $0x78000, s5;
	s0 =	sshrl.u32 s0, $0x3  }
0x12: {  	v0 =	vimm.f32 $0.0e+00;
	s24 =	smax.u32 s24, $0x1;
	s25 =	ssub.s32 $0x0, s31;
	s21 =	sadd.s32 s1, s0  }
.LBB2_95:
0x13: {  	_ = 	snop  }
.LBB2_98:
0x14: {  	s0 =	sand.u32 $0xFFFFFF80, s2;
	s31 =	sand.u32 $0x70, s31;
	[tilespmem:s1+$0x2080] =	vst @p0 v1  }
0x15: {  	s0 =	sor.u32 s31, s0;
	v1 =	vld [tilespmem:s30+$0x0]  }
0x16: {  	v2 =	vld [tilespmem:s0+$0x2080];
	_ =	sdelay $0x4  }
0x17: {  	v1 =	vadd.f32 v1, v2;
	_ =	sdelay $0x1  }
0x18: {  	[tilespmem:s0+$0x2080] =	vst v1  }
.LBB2_99:
0x19: {  	s29 =	sadd.s32 $0x1, s29  }
0x1a: {  	p0 =	sne.s32 s29, s24  }
.Ltmp1:
0x1b: {  	s28 =	simm.s32 $0x0;
	s0 =	simm.s32 $0x2080;
	(pc) =	sbr.rel @!p0 .LBB2_100-.Ltmp1, $4  }
0x1c: {  	[hbm4b:s21+s28] =	stream.linear.scatter [tilespmem:s0], [sflag:$0x1], $0x2000, $0x38;
	[tilespmem:$0x4080] =	vst v63  }
0x1d: {  	_ =	swait.ge [sflag:s26], $0x2000  }
0x1e: {  	[sflag:s26] =	ssyncset.done $0x0  }
0x1f: {  	[sflag:s26] =	ssyncadd.s32 $0xFFFFE000  }
.LBB2_1:
0x20: {  	s0 =	rddreg [dreg:$0x3]  }
0x21: {  	[tilespmem:s28], [sflag:$0x1] =	stream.linear.gather [hbm4b:s0+s28], $0x10, $0x38;
	[tilespmem:$0x4080] =	vst v63  }
0x22: {  	_ =	swait.ge [sflag:s26], $0x10  }
0x23: {  	[sflag:s26] =	ssyncset.done $0x0  }
0x24: {  	[sflag:s26] =	ssyncadd.s32 $0xFFFFFFF0  }
0x25: {  	s1 =	simm.s32 $0x0;
	s0 =	simm.s32 $0x40;
	v1 =	vld [tilespmem:$0x0]  }
.LBB2_2:
0x26: {  	p0 =	sne.s32 s0, $0x7FC0;
	[tilespmem:s1+$0x2080] =	vst v0;
	s1 =	smov.u32 s0;
	s0 =	sadd.s32 $0x40, s0  }
.Ltmp2:
0x27: {  	(pc) =	sbr.rel @p0 .LBB2_2-.Ltmp2, $2  }
0x28: {  	_ =	sdelay $0x2  }
0x29: {  	s1 =	sshra.s32 s1, $0x2  }
0x2a: {  	(v2sf) =	vpush v1, $0x0;
	_ =	sdelay $0xe  }
0x2b: {  	s0 =	spop (v2sf)  }
0x2c: {  	s0 =	sshll.u32 s0, $0x8  }
0x2d: {  	p0 =	sge.s32 s0, s7  }
0x2e: {  	s2 =	ssub.s32 @!p0 s4, s0  }
0x2f: {  	p1 =	sgt.s32 @!p0 s2, $0x0  }
0x30: {  	p1 =	por !p1, p0  }
0x31: {  	s28 =	ssub.s32 s0, s4;
	s2 =	simm.s32 @p1 $0x0  }
0x32: {  	p1 =	sgt.s32 s28, $0x0;
	s2 =	sadd.s32 @!p0 s5, s2  }
0x33: {  	s30 =	simm.s32 @!p0 $0x80;
	s28 =	simm.s32 @!p1 $0x0;
	s2 =	sshrl.u32 @!p0 s2, $0x3  }
0x34: {  	[tilespmem:s1+$0x2080] =	vst v0;
	s28 =	ssub.s32 $0x2000, s28;
	s1 =	sadd.s32 @!p0 s3, s2;
	s2 =	simm.s32 @!p0 $0x0  }
0x35: {  	[tilespmem:s30], [sflag:$0x1] =	stream.linear.gather @!p0 [hbm4b:s1+s2], $0x2000, $0x38;
	[tilespmem:$0x4080] =	vst v63  }
0x36: {  	s1 =	sshra.s32 s28, $0x4  }
0x37: {  	p1 =	slt.s32 @!p0 s1, $0x1  }
0x38: {  	p1 =	por p0, p1  }
.Ltmp3:
0x39: {  	_ = 	snop;
	(pc) =	sbr.rel @p1 .LBB2_9-.Ltmp3, $4  }
0x3a: {  	s2 =	simm.s32 @!p0 $0x1  }
0x3b: {  	_ =	swait.ge @!p0 [sflag:s2], $0x2000  }
0x3c: {  	[sflag:s2] =	ssyncset.done @!p0 $0x0  }
0x3d: {  	[sflag:s2] =	ssyncadd.s32 @!p0 $0xFFFFE000  }
0x3e: {  	p1 =	sne.s32 s1, $0x1  }
.Ltmp4:
0x3f: {  	_ = 	snop;
	(pc) =	sbr.rel @!p1 .LBB2_5-.Ltmp4, $4  }
0x40: {  	s0 =	sadd.s32 s0, s25  }
0x41: {  	p0 =	sgt.s32 s0, $0x0  }
0x42: {  	s30 =	simm.s32 $0x80;
	s31 =	simm.s32 $0x0;
	s0 =	simm.s32 @!p0 $0x0  }
0x43: {  	s28 =	sadd.s32 $0xFFFFFFFF, s1;
	p0 =	por $0x0, $0x0;
	s2 =	sadd.s32 $0x0, s0  }
0x44: {  	s1 =	sand.u32 $0xFFFFFF80, s2;
	s6 =	sand.u32 $0x70, s31  }
0x45: {  	v2 =	vld [tilespmem:s30+$0x0];
	s1 =	sor.u32 s6, s1  }
0x46: {  	v3 =	vld [tilespmem:s1+$0x2080]  }
0x47: {  	p1 =	sne.s32 s28, $0x1  }
.Ltmp5:
0x48: {  	_ = 	snop;
	(pc) =	sbr.rel @!p1 .LBB2_8-.Ltmp5, $3  }
0x49: {  	_ =	sdelay $0x1  }
0x4a: {  	s31 =	simm.s32 $0x10;
	s2 =	sadd.s32 $0x10, s0;
	v2 =	vadd.f32 v2, v3  }
0x4b: {  	s28 =	sadd.s32 $0xFFFFFFFF, s28;
	s30 =	simm.s32 $0x90;
	p0 =	por $0x1, $0x1  }
.LBB2_7:
0x4c: {  	p1 =	sne.s32 s28, $0x1;
	s2 =	sand.u32 $0xFFFFFF80, s2;
	s6 =	sand.u32 $0x70, s31;
	[tilespmem:s1+$0x2080] =	vst v2  }
0x4d: {  	s1 =	sor.u32 s6, s2;
	v2 =	vld [tilespmem:s30+$0x0]  }
0x4e: {  	v3 =	vld [tilespmem:s1+$0x2080];
	_ =	sdelay $0x1  }
.Ltmp6:
0x4f: {  	(pc) =	sbr.rel @p1 .LBB2_7-.Ltmp6, $3  }
0x50: {  	_ =	sdelay $0x1  }
0x51: {  	s31 =	sadd.s32 $0x10, s31;
	v2 =	vadd.f32 v2, v3  }
0x52: {  	s28 =	sadd.s32 $0xFFFFFFFF, s28;
	s2 =	sadd.s32 s31, s0;
	s30 =	sadd.s32 $0x10, s30  }
.LBB2_8:
0x53: {  	s0 =	sand.u32 $0xFFFFFF80, s2;
	s31 =	sand.u32 $0x70, s31;
	[tilespmem:s1+$0x2080] =	vst @p0 v2  }
0x54: {  	s0 =	sor.u32 s31, s0;
	v2 =	vld [tilespmem:s30+$0x0]  }
0x55: {  	v3 =	vld [tilespmem:s0+$0x2080];
	_ =	sdelay $0x4  }
0x56: {  	v2 =	vadd.f32 v2, v3;
	_ =	sdelay $0x1  }
0x57: {  	[tilespmem:s0+$0x2080] =	vst v2  }
.LBB2_9:
0x58: {  	(v2sf) =	vpush v1, $0x1;
	_ =	sdelay $0xe  }
0x59: {  	s0 =	spop (v2sf)  }
0x5a: {  	s0 =	sshll.u32 s0, $0x8  }
0x5b: {  	p0 =	sge.s32 s0, s7  }
0x5c: {  	s1 =	ssub.s32 @!p0 s4, s0  }
0x5d: {  	p1 =	sgt.s32 @!p0 s1, $0x0  }
0x5e: {  	p1 =	por !p1, p0  }
0x5f: {  	s2 =	ssub.s32 s0, s4;
	s1 =	simm.s32 @p1 $0x0  }
0x60: {  	p1 =	sgt.s32 s2, $0x0;
	s1 =	sadd.s32 @!p0 s1, s8  }
0x61: {  	s6 =	simm.s32 @!p0 $0x0;
	s2 =	simm.s32 @!p1 $0x0;
	s1 =	sshrl.u32 @!p0 s1, $0x3  }
0x62: {  	s28 =	simm.s32 @!p0 $0x80;
	s2 =	ssub.s32 $0x2000, s2;
	s1 =	sadd.s32 @!p0 s3, s1  }
0x63: {  	[tilespmem:s28], [sflag:$0x1] =	stream.linear.gather @!p0 [hbm4b:s1+s6], $0x2000, $0x38;
	[tilespmem:$0x4080] =	vst v63  }
0x64: {  	s1 =	sshra.s32 s2, $0x4  }
0x65: {  	p1 =	slt.s32 @!p0 s1, $0x1  }
0x66: {  	p1 =	por p0, p1  }
.Ltmp7:
0x67: {  	_ = 	snop;
	(pc) =	sbr.rel @p1 .LBB2_15-.Ltmp7, $4  }
0x68: {  	s2 =	simm.s32 @!p0 $0x1  }
0x69: {  	_ =	swait.ge @!p0 [sflag:s2], $0x2000  }
0x6a: {  	[sflag:s2] =	ssyncset.done @!p0 $0x0  }
0x6b: {  	[sflag:s2] =	ssyncadd.s32 @!p0 $0xFFFFE000  }
0x6c: {  	p1 =	sne.s32 s1, $0x1  }
.Ltmp8:
0x6d: {  	_ = 	snop;
	(pc) =	sbr.rel @!p1 .LBB2_11-.Ltmp8, $4  }
0x6e: {  	s0 =	sadd.s32 s0, s25  }
0x6f: {  	p0 =	sgt.s32 s0, $0x0  }
0x70: {  	s30 =	simm.s32 $0x80;
	s31 =	simm.s32 $0x0;
	s0 =	simm.s32 @!p0 $0x0  }
0x71: {  	s28 =	sadd.s32 $0xFFFFFFFF, s1;
	p0 =	por $0x0, $0x0;
	s2 =	sadd.s32 $0x0, s0  }
0x72: {  	s1 =	sand.u32 $0xFFFFFF80, s2;
	s6 =	sand.u32 $0x70, s31  }
0x73: {  	v2 =	vld [tilespmem:s30+$0x0];
	s1 =	sor.u32 s6, s1  }
0x74: {  	v3 =	vld [tilespmem:s1+$0x2080]  }
0x75: {  	p1 =	sne.s32 s28, $0x1  }
.Ltmp9:
0x76: {  	_ = 	snop;
	(pc) =	sbr.rel @!p1 .LBB2_14-.Ltmp9, $3  }
0x77: {  	_ =	sdelay $0x1  }
0x78: {  	s31 =	simm.s32 $0x10;
	s2 =	sadd.s32 $0x10, s0;
	v2 =	vadd.f32 v2, v3  }
0x79: {  	s28 =	sadd.s32 $0xFFFFFFFF, s28;
	s30 =	simm.s32 $0x90;
	p0 =	por $0x1, $0x1  }
.LBB2_13:
0x7a: {  	p1 =	sne.s32 s28, $0x1;
	s2 =	sand.u32 $0xFFFFFF80, s2;
	s6 =	sand.u32 $0x70, s31;
	[tilespmem:s1+$0x2080] =	vst v2  }
0x7b: {  	s1 =	sor.u32 s6, s2;
	v2 =	vld [tilespmem:s30+$0x0]  }
0x7c: {  	v3 =	vld [tilespmem:s1+$0x2080];
	_ =	sdelay $0x1  }
.Ltmp10:
0x7d: {  	(pc) =	sbr.rel @p1 .LBB2_13-.Ltmp10, $3  }
0x7e: {  	_ =	sdelay $0x1  }
0x7f: {  	s31 =	sadd.s32 $0x10, s31;
	v2 =	vadd.f32 v2, v3  }
0x80: {  	s28 =	sadd.s32 $0xFFFFFFFF, s28;
	s2 =	sadd.s32 s31, s0;
	s30 =	sadd.s32 $0x10, s30  }
.LBB2_14:
0x81: {  	s0 =	sand.u32 $0xFFFFFF80, s2;
	s31 =	sand.u32 $0x70, s31;
	[tilespmem:s1+$0x2080] =	vst @p0 v2  }
0x82: {  	s0 =	sor.u32 s31, s0;
	v2 =	vld [tilespmem:s30+$0x0]  }
0x83: {  	v3 =	vld [tilespmem:s0+$0x2080];
	_ =	sdelay $0x4  }
0x84: {  	v2 =	vadd.f32 v2, v3;
	_ =	sdelay $0x1  }
0x85: {  	[tilespmem:s0+$0x2080] =	vst v2  }
.LBB2_15:
0x86: {  	(v2sf) =	vpush v1, $0x2;
	_ =	sdelay $0xe  }
0x87: {  	s0 =	spop (v2sf)  }
0x88: {  	s0 =	sshll.u32 s0, $0x8  }
0x89: {  	p0 =	sge.s32 s0, s7  }
0x8a: {  	s1 =	ssub.s32 @!p0 s4, s0  }
0x8b: {  	p1 =	sgt.s32 @!p0 s1, $0x0  }
0x8c: {  	p1 =	por !p1, p0  }
0x8d: {  	s2 =	ssub.s32 s0, s4;
	s1 =	simm.s32 @p1 $0x0  }
0x8e: {  	p1 =	sgt.s32 s2, $0x0;
	s1 =	sadd.s32 @!p0 s1, s9  }
0x8f: {  	s6 =	simm.s32 @!p0 $0x0;
	s2 =	simm.s32 @!p1 $0x0;
	s1 =	sshrl.u32 @!p0 s1, $0x3  }
0x90: {  	s28 =	simm.s32 @!p0 $0x80;
	s2 =	ssub.s32 $0x2000, s2;
	s1 =	sadd.s32 @!p0 s3, s1  }
0x91: {  	[tilespmem:s28], [sflag:$0x1] =	stream.linear.gather @!p0 [hbm4b:s1+s6], $0x2000, $0x38;
	[tilespmem:$0x4080] =	vst v63  }
0x92: {  	s1 =	sshra.s32 s2, $0x4  }
0x93: {  	p1 =	slt.s32 @!p0 s1, $0x1  }
0x94: {  	p1 =	por p0, p1  }
.Ltmp11:
0x95: {  	_ = 	snop;
	(pc) =	sbr.rel @p1 .LBB2_21-.Ltmp11, $4  }
0x96: {  	s2 =	simm.s32 @!p0 $0x1  }
0x97: {  	_ =	swait.ge @!p0 [sflag:s2], $0x2000  }
0x98: {  	[sflag:s2] =	ssyncset.done @!p0 $0x0  }
0x99: {  	[sflag:s2] =	ssyncadd.s32 @!p0 $0xFFFFE000  }
0x9a: {  	p1 =	sne.s32 s1, $0x1  }
.Ltmp12:
0x9b: {  	_ = 	snop;
	(pc) =	sbr.rel @!p1 .LBB2_17-.Ltmp12, $4  }
0x9c: {  	s0 =	sadd.s32 s0, s25  }
0x9d: {  	p0 =	sgt.s32 s0, $0x0  }
0x9e: {  	s30 =	simm.s32 $0x80;
	s31 =	simm.s32 $0x0;
	s0 =	simm.s32 @!p0 $0x0  }
0x9f: {  	s28 =	sadd.s32 $0xFFFFFFFF, s1;
	p0 =	por $0x0, $0x0;
	s2 =	sadd.s32 $0x0, s0  }
0xa0: {  	s1 =	sand.u32 $0xFFFFFF80, s2;
	s6 =	sand.u32 $0x70, s31  }
0xa1: {  	v2 =	vld [tilespmem:s30+$0x0];
	s1 =	sor.u32 s6, s1  }
0xa2: {  	v3 =	vld [tilespmem:s1+$0x2080]  }
0xa3: {  	p1 =	sne.s32 s28, $0x1  }
.Ltmp13:
0xa4: {  	_ = 	snop;
	(pc) =	sbr.rel @!p1 .LBB2_20-.Ltmp13, $3  }
0xa5: {  	_ =	sdelay $0x1  }
0xa6: {  	s31 =	simm.s32 $0x10;
	s2 =	sadd.s32 $0x10, s0;
	v2 =	vadd.f32 v2, v3  }
0xa7: {  	s28 =	sadd.s32 $0xFFFFFFFF, s28;
	s30 =	simm.s32 $0x90;
	p0 =	por $0x1, $0x1  }
.LBB2_19:
0xa8: {  	p1 =	sne.s32 s28, $0x1;
	s2 =	sand.u32 $0xFFFFFF80, s2;
	s6 =	sand.u32 $0x70, s31;
	[tilespmem:s1+$0x2080] =	vst v2  }
0xa9: {  	s1 =	sor.u32 s6, s2;
	v2 =	vld [tilespmem:s30+$0x0]  }
0xaa: {  	v3 =	vld [tilespmem:s1+$0x2080];
	_ =	sdelay $0x1  }
.Ltmp14:
0xab: {  	(pc) =	sbr.rel @p1 .LBB2_19-.Ltmp14, $3  }
0xac: {  	_ =	sdelay $0x1  }
0xad: {  	s31 =	sadd.s32 $0x10, s31;
	v2 =	vadd.f32 v2, v3  }
0xae: {  	s28 =	sadd.s32 $0xFFFFFFFF, s28;
	s2 =	sadd.s32 s31, s0;
	s30 =	sadd.s32 $0x10, s30  }
.LBB2_20:
0xaf: {  	s0 =	sand.u32 $0xFFFFFF80, s2;
	s31 =	sand.u32 $0x70, s31;
	[tilespmem:s1+$0x2080] =	vst @p0 v2  }
0xb0: {  	s0 =	sor.u32 s31, s0;
	v2 =	vld [tilespmem:s30+$0x0]  }
0xb1: {  	v3 =	vld [tilespmem:s0+$0x2080];
	_ =	sdelay $0x4  }
0xb2: {  	v2 =	vadd.f32 v2, v3;
	_ =	sdelay $0x1  }
0xb3: {  	[tilespmem:s0+$0x2080] =	vst v2  }
.LBB2_21:
0xb4: {  	(v2sf) =	vpush v1, $0x3;
	_ =	sdelay $0xe  }
0xb5: {  	s0 =	spop (v2sf)  }
0xb6: {  	s0 =	sshll.u32 s0, $0x8  }
0xb7: {  	p0 =	sge.s32 s0, s7  }
0xb8: {  	s1 =	ssub.s32 @!p0 s4, s0  }
0xb9: {  	p1 =	sgt.s32 @!p0 s1, $0x0  }
0xba: {  	p1 =	por !p1, p0  }
0xbb: {  	s2 =	ssub.s32 s0, s4;
	s1 =	simm.s32 @p1 $0x0  }
0xbc: {  	p1 =	sgt.s32 s2, $0x0;
	s1 =	sadd.s32 @!p0 s1, s10  }
0xbd: {  	s6 =	simm.s32 @!p0 $0x0;
	s2 =	simm.s32 @!p1 $0x0;
	s1 =	sshrl.u32 @!p0 s1, $0x3  }
0xbe: {  	s28 =	simm.s32 @!p0 $0x80;
	s2 =	ssub.s32 $0x2000, s2;
	s1 =	sadd.s32 @!p0 s3, s1  }
0xbf: {  	[tilespmem:s28], [sflag:$0x1] =	stream.linear.gather @!p0 [hbm4b:s1+s6], $0x2000, $0x38;
	[tilespmem:$0x4080] =	vst v63  }
0xc0: {  	s1 =	sshra.s32 s2, $0x4  }
0xc1: {  	p1 =	slt.s32 @!p0 s1, $0x1  }
0xc2: {  	p1 =	por p0, p1  }
.Ltmp15:
0xc3: {  	_ = 	snop;
	(pc) =	sbr.rel @p1 .LBB2_27-.Ltmp15, $4  }
0xc4: {  	s2 =	simm.s32 @!p0 $0x1  }
0xc5: {  	_ =	swait.ge @!p0 [sflag:s2], $0x2000  }
0xc6: {  	[sflag:s2] =	ssyncset.done @!p0 $0x0  }
0xc7: {  	[sflag:s2] =	ssyncadd.s32 @!p0 $0xFFFFE000  }
0xc8: {  	p1 =	sne.s32 s1, $0x1  }
.Ltmp16:
0xc9: {  	_ = 	snop;
	(pc) =	sbr.rel @!p1 .LBB2_23-.Ltmp16, $4  }
0xca: {  	s0 =	sadd.s32 s0, s25  }
0xcb: {  	p0 =	sgt.s32 s0, $0x0  }
0xcc: {  	s30 =	simm.s32 $0x80;
	s31 =	simm.s32 $0x0;
	s0 =	simm.s32 @!p0 $0x0  }
0xcd: {  	s28 =	sadd.s32 $0xFFFFFFFF, s1;
	p0 =	por $0x0, $0x0;
	s2 =	sadd.s32 $0x0, s0  }
0xce: {  	s1 =	sand.u32 $0xFFFFFF80, s2;
	s6 =	sand.u32 $0x70, s31  }
0xcf: {  	v2 =	vld [tilespmem:s30+$0x0];
	s1 =	sor.u32 s6, s1  }
0xd0: {  	v3 =	vld [tilespmem:s1+$0x2080]  }
0xd1: {  	p1 =	sne.s32 s28, $0x1  }
.Ltmp17:
0xd2: {  	_ = 	snop;
	(pc) =	sbr.rel @!p1 .LBB2_26-.Ltmp17, $3  }
0xd3: {  	_ =	sdelay $0x1  }
0xd4: {  	s31 =	simm.s32 $0x10;
	s2 =	sadd.s32 $0x10, s0;
	v2 =	vadd.f32 v2, v3  }
0xd5: {  	s28 =	sadd.s32 $0xFFFFFFFF, s28;
	s30 =	simm.s32 $0x90;
	p0 =	por $0x1, $0x1  }
.LBB2_25:
0xd6: {  	p1 =	sne.s32 s28, $0x1;
	s2 =	sand.u32 $0xFFFFFF80, s2;
	s6 =	sand.u32 $0x70, s31;
	[tilespmem:s1+$0x2080] =	vst v2  }
0xd7: {  	s1 =	sor.u32 s6, s2;
	v2 =	vld [tilespmem:s30+$0x0]  }
0xd8: {  	v3 =	vld [tilespmem:s1+$0x2080];
	_ =	sdelay $0x1  }
.Ltmp18:
0xd9: {  	(pc) =	sbr.rel @p1 .LBB2_25-.Ltmp18, $3  }
0xda: {  	_ =	sdelay $0x1  }
0xdb: {  	s31 =	sadd.s32 $0x10, s31;
	v2 =	vadd.f32 v2, v3  }
0xdc: {  	s28 =	sadd.s32 $0xFFFFFFFF, s28;
	s2 =	sadd.s32 s31, s0;
	s30 =	sadd.s32 $0x10, s30  }
.LBB2_26:
0xdd: {  	s0 =	sand.u32 $0xFFFFFF80, s2;
	s31 =	sand.u32 $0x70, s31;
	[tilespmem:s1+$0x2080] =	vst @p0 v2  }
0xde: {  	s0 =	sor.u32 s31, s0;
	v2 =	vld [tilespmem:s30+$0x0]  }
0xdf: {  	v3 =	vld [tilespmem:s0+$0x2080];
	_ =	sdelay $0x4  }
0xe0: {  	v2 =	vadd.f32 v2, v3;
	_ =	sdelay $0x1  }
0xe1: {  	[tilespmem:s0+$0x2080] =	vst v2  }
.LBB2_27:
0xe2: {  	(v2sf) =	vpush v1, $0x4;
	_ =	sdelay $0xe  }
0xe3: {  	s0 =	spop (v2sf)  }
0xe4: {  	s0 =	sshll.u32 s0, $0x8  }
0xe5: {  	p0 =	sge.s32 s0, s7  }
0xe6: {  	s1 =	ssub.s32 @!p0 s4, s0  }
0xe7: {  	p1 =	sgt.s32 @!p0 s1, $0x0  }
0xe8: {  	p1 =	por !p1, p0  }
0xe9: {  	s2 =	ssub.s32 s0, s4;
	s1 =	simm.s32 @p1 $0x0  }
0xea: {  	p1 =	sgt.s32 s2, $0x0;
	s1 =	sadd.s32 @!p0 s1, s11  }
0xeb: {  	s6 =	simm.s32 @!p0 $0x0;
	s2 =	simm.s32 @!p1 $0x0;
	s1 =	sshrl.u32 @!p0 s1, $0x3  }
0xec: {  	s28 =	simm.s32 @!p0 $0x80;
	s2 =	ssub.s32 $0x2000, s2;
	s1 =	sadd.s32 @!p0 s3, s1  }
0xed: {  	[tilespmem:s28], [sflag:$0x1] =	stream.linear.gather @!p0 [hbm4b:s1+s6], $0x2000, $0x38;
	[tilespmem:$0x4080] =	vst v63  }
0xee: {  	s1 =	sshra.s32 s2, $0x4  }
0xef: {  	p1 =	slt.s32 @!p0 s1, $0x1  }
0xf0: {  	p1 =	por p0, p1  }
.Ltmp19:
0xf1: {  	_ = 	snop;
	(pc) =	sbr.rel @p1 .LBB2_33-.Ltmp19, $4  }
0xf2: {  	s2 =	simm.s32 @!p0 $0x1  }
0xf3: {  	_ =	swait.ge @!p0 [sflag:s2], $0x2000  }
0xf4: {  	[sflag:s2] =	ssyncset.done @!p0 $0x0  }
0xf5: {  	[sflag:s2] =	ssyncadd.s32 @!p0 $0xFFFFE000  }
0xf6: {  	p1 =	sne.s32 s1, $0x1  }
.Ltmp20:
0xf7: {  	_ = 	snop;
	(pc) =	sbr.rel @!p1 .LBB2_29-.Ltmp20, $4  }
0xf8: {  	s0 =	sadd.s32 s0, s25  }
0xf9: {  	p0 =	sgt.s32 s0, $0x0  }
0xfa: {  	s30 =	simm.s32 $0x80;
	s31 =	simm.s32 $0x0;
	s0 =	simm.s32 @!p0 $0x0  }
0xfb: {  	s28 =	sadd.s32 $0xFFFFFFFF, s1;
	p0 =	por $0x0, $0x0;
	s2 =	sadd.s32 $0x0, s0  }
0xfc: {  	s1 =	sand.u32 $0xFFFFFF80, s2;
	s6 =	sand.u32 $0x70, s31  }
0xfd: {  	v2 =	vld [tilespmem:s30+$0x0];
	s1 =	sor.u32 s6, s1  }
0xfe: {  	v3 =	vld [tilespmem:s1+$0x2080]  }
0xff: {  	p1 =	sne.s32 s28, $0x1  }
.Ltmp21:
0x100: {  	_ = 	snop;
	(pc) =	sbr.rel @!p1 .LBB2_32-.Ltmp21, $3  }
0x101: {  	_ =	sdelay $0x1  }
0x102: {  	s31 =	simm.s32 $0x10;
	s2 =	sadd.s32 $0x10, s0;
	v2 =	vadd.f32 v2, v3  }
0x103: {  	s28 =	sadd.s32 $0xFFFFFFFF, s28;
	s30 =	simm.s32 $0x90;
	p0 =	por $0x1, $0x1  }
.LBB2_31:
0x104: {  	p1 =	sne.s32 s28, $0x1;
	s2 =	sand.u32 $0xFFFFFF80, s2;
	s6 =	sand.u32 $0x70, s31;
	[tilespmem:s1+$0x2080] =	vst v2  }
0x105: {  	s1 =	sor.u32 s6, s2;
	v2 =	vld [tilespmem:s30+$0x0]  }
0x106: {  	v3 =	vld [tilespmem:s1+$0x2080];
	_ =	sdelay $0x1  }
.Ltmp22:
0x107: {  	(pc) =	sbr.rel @p1 .LBB2_31-.Ltmp22, $3  }
0x108: {  	_ =	sdelay $0x1  }
0x109: {  	s31 =	sadd.s32 $0x10, s31;
	v2 =	vadd.f32 v2, v3  }
0x10a: {  	s28 =	sadd.s32 $0xFFFFFFFF, s28;
	s2 =	sadd.s32 s31, s0;
	s30 =	sadd.s32 $0x10, s30  }
.LBB2_32:
0x10b: {  	s0 =	sand.u32 $0xFFFFFF80, s2;
	s31 =	sand.u32 $0x70, s31;
	[tilespmem:s1+$0x2080] =	vst @p0 v2  }
0x10c: {  	s0 =	sor.u32 s31, s0;
	v2 =	vld [tilespmem:s30+$0x0]  }
0x10d: {  	v3 =	vld [tilespmem:s0+$0x2080];
	_ =	sdelay $0x4  }
0x10e: {  	v2 =	vadd.f32 v2, v3;
	_ =	sdelay $0x1  }
0x10f: {  	[tilespmem:s0+$0x2080] =	vst v2  }
.LBB2_33:
0x110: {  	(v2sf) =	vpush v1, $0x5;
	_ =	sdelay $0xe  }
0x111: {  	s0 =	spop (v2sf)  }
0x112: {  	s0 =	sshll.u32 s0, $0x8  }
0x113: {  	p0 =	sge.s32 s0, s7  }
0x114: {  	s1 =	ssub.s32 @!p0 s4, s0  }
0x115: {  	p1 =	sgt.s32 @!p0 s1, $0x0  }
0x116: {  	p1 =	por !p1, p0  }
0x117: {  	s2 =	ssub.s32 s0, s4;
	s1 =	simm.s32 @p1 $0x0  }
0x118: {  	p1 =	sgt.s32 s2, $0x0;
	s1 =	sadd.s32 @!p0 s1, s12  }
0x119: {  	s6 =	simm.s32 @!p0 $0x0;
	s2 =	simm.s32 @!p1 $0x0;
	s1 =	sshrl.u32 @!p0 s1, $0x3  }
0x11a: {  	s28 =	simm.s32 @!p0 $0x80;
	s2 =	ssub.s32 $0x2000, s2;
	s1 =	sadd.s32 @!p0 s3, s1  }
0x11b: {  	[tilespmem:s28], [sflag:$0x1] =	stream.linear.gather @!p0 [hbm4b:s1+s6], $0x2000, $0x38;
	[tilespmem:$0x4080] =	vst v63  }
0x11c: {  	s1 =	sshra.s32 s2, $0x4  }
0x11d: {  	p1 =	slt.s32 @!p0 s1, $0x1  }
0x11e: {  	p1 =	por p0, p1  }
.Ltmp23:
0x11f: {  	_ = 	snop;
	(pc) =	sbr.rel @p1 .LBB2_39-.Ltmp23, $4  }
0x120: {  	s2 =	simm.s32 @!p0 $0x1  }
0x121: {  	_ =	swait.ge @!p0 [sflag:s2], $0x2000  }
0x122: {  	[sflag:s2] =	ssyncset.done @!p0 $0x0  }
0x123: {  	[sflag:s2] =	ssyncadd.s32 @!p0 $0xFFFFE000  }
0x124: {  	p1 =	sne.s32 s1, $0x1  }
.Ltmp24:
0x125: {  	_ = 	snop;
	(pc) =	sbr.rel @!p1 .LBB2_35-.Ltmp24, $4  }
0x126: {  	s0 =	sadd.s32 s0, s25  }
0x127: {  	p0 =	sgt.s32 s0, $0x0  }
0x128: {  	s30 =	simm.s32 $0x80;
	s31 =	simm.s32 $0x0;
	s0 =	simm.s32 @!p0 $0x0  }
0x129: {  	s28 =	sadd.s32 $0xFFFFFFFF, s1;
	p0 =	por $0x0, $0x0;
	s2 =	sadd.s32 $0x0, s0  }
0x12a: {  	s1 =	sand.u32 $0xFFFFFF80, s2;
	s6 =	sand.u32 $0x70, s31  }
0x12b: {  	v2 =	vld [tilespmem:s30+$0x0];
	s1 =	sor.u32 s6, s1  }
0x12c: {  	v3 =	vld [tilespmem:s1+$0x2080]  }
0x12d: {  	p1 =	sne.s32 s28, $0x1  }
.Ltmp25:
0x12e: {  	_ = 	snop;
	(pc) =	sbr.rel @!p1 .LBB2_38-.Ltmp25, $3  }
0x12f: {  	_ =	sdelay $0x1  }
0x130: {  	s31 =	simm.s32 $0x10;
	s2 =	sadd.s32 $0x10, s0;
	v2 =	vadd.f32 v2, v3  }
0x131: {  	s28 =	sadd.s32 $0xFFFFFFFF, s28;
	s30 =	simm.s32 $0x90;
	p0 =	por $0x1, $0x1  }
.LBB2_37:
0x132: {  	p1 =	sne.s32 s28, $0x1;
	s2 =	sand.u32 $0xFFFFFF80, s2;
	s6 =	sand.u32 $0x70, s31;
	[tilespmem:s1+$0x2080] =	vst v2  }
0x133: {  	s1 =	sor.u32 s6, s2;
	v2 =	vld [tilespmem:s30+$0x0]  }
0x134: {  	v3 =	vld [tilespmem:s1+$0x2080];
	_ =	sdelay $0x1  }
.Ltmp26:
0x135: {  	(pc) =	sbr.rel @p1 .LBB2_37-.Ltmp26, $3  }
0x136: {  	_ =	sdelay $0x1  }
0x137: {  	s31 =	sadd.s32 $0x10, s31;
	v2 =	vadd.f32 v2, v3  }
0x138: {  	s28 =	sadd.s32 $0xFFFFFFFF, s28;
	s2 =	sadd.s32 s31, s0;
	s30 =	sadd.s32 $0x10, s30  }
.LBB2_38:
0x139: {  	s0 =	sand.u32 $0xFFFFFF80, s2;
	s31 =	sand.u32 $0x70, s31;
	[tilespmem:s1+$0x2080] =	vst @p0 v2  }
0x13a: {  	s0 =	sor.u32 s31, s0;
	v2 =	vld [tilespmem:s30+$0x0]  }
0x13b: {  	v3 =	vld [tilespmem:s0+$0x2080];
	_ =	sdelay $0x4  }
0x13c: {  	v2 =	vadd.f32 v2, v3;
	_ =	sdelay $0x1  }
0x13d: {  	[tilespmem:s0+$0x2080] =	vst v2  }
.LBB2_39:
0x13e: {  	(v2sf) =	vpush v1, $0x6;
	_ =	sdelay $0xe  }
0x13f: {  	s0 =	spop (v2sf)  }
0x140: {  	s0 =	sshll.u32 s0, $0x8  }
0x141: {  	p0 =	sge.s32 s0, s7  }
0x142: {  	s1 =	ssub.s32 @!p0 s4, s0  }
0x143: {  	p1 =	sgt.s32 @!p0 s1, $0x0  }
0x144: {  	p1 =	por !p1, p0  }
0x145: {  	s2 =	ssub.s32 s0, s4;
	s1 =	simm.s32 @p1 $0x0  }
0x146: {  	p1 =	sgt.s32 s2, $0x0;
	s1 =	sadd.s32 @!p0 s1, s13  }
0x147: {  	s6 =	simm.s32 @!p0 $0x0;
	s2 =	simm.s32 @!p1 $0x0;
	s1 =	sshrl.u32 @!p0 s1, $0x3  }
0x148: {  	s28 =	simm.s32 @!p0 $0x80;
	s2 =	ssub.s32 $0x2000, s2;
	s1 =	sadd.s32 @!p0 s3, s1  }
0x149: {  	[tilespmem:s28], [sflag:$0x1] =	stream.linear.gather @!p0 [hbm4b:s1+s6], $0x2000, $0x38;
	[tilespmem:$0x4080] =	vst v63  }
0x14a: {  	s1 =	sshra.s32 s2, $0x4  }
0x14b: {  	p1 =	slt.s32 @!p0 s1, $0x1  }
0x14c: {  	p1 =	por p0, p1  }
.Ltmp27:
0x14d: {  	_ = 	snop;
	(pc) =	sbr.rel @p1 .LBB2_45-.Ltmp27, $4  }
0x14e: {  	s2 =	simm.s32 @!p0 $0x1  }
0x14f: {  	_ =	swait.ge @!p0 [sflag:s2], $0x2000  }
0x150: {  	[sflag:s2] =	ssyncset.done @!p0 $0x0  }
0x151: {  	[sflag:s2] =	ssyncadd.s32 @!p0 $0xFFFFE000  }
0x152: {  	p1 =	sne.s32 s1, $0x1  }
.Ltmp28:
0x153: {  	_ = 	snop;
	(pc) =	sbr.rel @!p1 .LBB2_41-.Ltmp28, $4  }
0x154: {  	s0 =	sadd.s32 s0, s25  }
0x155: {  	p0 =	sgt.s32 s0, $0x0  }
0x156: {  	s30 =	simm.s32 $0x80;
	s31 =	simm.s32 $0x0;
	s0 =	simm.s32 @!p0 $0x0  }
0x157: {  	s28 =	sadd.s32 $0xFFFFFFFF, s1;
	p0 =	por $0x0, $0x0;
	s2 =	sadd.s32 $0x0, s0  }
0x158: {  	s1 =	sand.u32 $0xFFFFFF80, s2;
	s6 =	sand.u32 $0x70, s31  }
0x159: {  	v2 =	vld [tilespmem:s30+$0x0];
	s1 =	sor.u32 s6, s1  }
0x15a: {  	v3 =	vld [tilespmem:s1+$0x2080]  }
0x15b: {  	p1 =	sne.s32 s28, $0x1  }
.Ltmp29:
0x15c: {  	_ = 	snop;
	(pc) =	sbr.rel @!p1 .LBB2_44-.Ltmp29, $3  }
0x15d: {  	_ =	sdelay $0x1  }
0x15e: {  	s31 =	simm.s32 $0x10;
	s2 =	sadd.s32 $0x10, s0;
	v2 =	vadd.f32 v2, v3  }
0x15f: {  	s28 =	sadd.s32 $0xFFFFFFFF, s28;
	s30 =	simm.s32 $0x90;
	p0 =	por $0x1, $0x1  }
.LBB2_43:
0x160: {  	p1 =	sne.s32 s28, $0x1;
	s2 =	sand.u32 $0xFFFFFF80, s2;
	s6 =	sand.u32 $0x70, s31;
	[tilespmem:s1+$0x2080] =	vst v2  }
0x161: {  	s1 =	sor.u32 s6, s2;
	v2 =	vld [tilespmem:s30+$0x0]  }
0x162: {  	v3 =	vld [tilespmem:s1+$0x2080];
	_ =	sdelay $0x1  }
.Ltmp30:
0x163: {  	(pc) =	sbr.rel @p1 .LBB2_43-.Ltmp30, $3  }
0x164: {  	_ =	sdelay $0x1  }
0x165: {  	s31 =	sadd.s32 $0x10, s31;
	v2 =	vadd.f32 v2, v3  }
0x166: {  	s28 =	sadd.s32 $0xFFFFFFFF, s28;
	s2 =	sadd.s32 s31, s0;
	s30 =	sadd.s32 $0x10, s30  }
.LBB2_44:
0x167: {  	s0 =	sand.u32 $0xFFFFFF80, s2;
	s31 =	sand.u32 $0x70, s31;
	[tilespmem:s1+$0x2080] =	vst @p0 v2  }
0x168: {  	s0 =	sor.u32 s31, s0;
	v2 =	vld [tilespmem:s30+$0x0]  }
0x169: {  	v3 =	vld [tilespmem:s0+$0x2080];
	_ =	sdelay $0x4  }
0x16a: {  	v2 =	vadd.f32 v2, v3;
	_ =	sdelay $0x1  }
0x16b: {  	[tilespmem:s0+$0x2080] =	vst v2  }
.LBB2_45:
0x16c: {  	(v2sf) =	vpush v1, $0x7;
	_ =	sdelay $0xe  }
0x16d: {  	s0 =	spop (v2sf)  }
0x16e: {  	s0 =	sshll.u32 s0, $0x8  }
0x16f: {  	p0 =	sge.s32 s0, s7  }
0x170: {  	s1 =	ssub.s32 @!p0 s4, s0  }
0x171: {  	p1 =	sgt.s32 @!p0 s1, $0x0  }
0x172: {  	p1 =	por !p1, p0  }
0x173: {  	s2 =	ssub.s32 s0, s4;
	s1 =	simm.s32 @p1 $0x0  }
0x174: {  	p1 =	sgt.s32 s2, $0x0;
	s1 =	sadd.s32 @!p0 s1, s14  }
0x175: {  	s6 =	simm.s32 @!p0 $0x0;
	s2 =	simm.s32 @!p1 $0x0;
	s1 =	sshrl.u32 @!p0 s1, $0x3  }
0x176: {  	s28 =	simm.s32 @!p0 $0x80;
	s2 =	ssub.s32 $0x2000, s2;
	s1 =	sadd.s32 @!p0 s3, s1  }
0x177: {  	[tilespmem:s28], [sflag:$0x1] =	stream.linear.gather @!p0 [hbm4b:s1+s6], $0x2000, $0x38;
	[tilespmem:$0x4080] =	vst v63  }
0x178: {  	s1 =	sshra.s32 s2, $0x4  }
0x179: {  	p1 =	slt.s32 @!p0 s1, $0x1  }
0x17a: {  	p1 =	por p0, p1  }
.Ltmp31:
0x17b: {  	_ = 	snop;
	(pc) =	sbr.rel @p1 .LBB2_51-.Ltmp31, $4  }
0x17c: {  	s2 =	simm.s32 @!p0 $0x1  }
0x17d: {  	_ =	swait.ge @!p0 [sflag:s2], $0x2000  }
0x17e: {  	[sflag:s2] =	ssyncset.done @!p0 $0x0  }
0x17f: {  	[sflag:s2] =	ssyncadd.s32 @!p0 $0xFFFFE000  }
0x180: {  	p1 =	sne.s32 s1, $0x1  }
.Ltmp32:
0x181: {  	_ = 	snop;
	(pc) =	sbr.rel @!p1 .LBB2_47-.Ltmp32, $4  }
0x182: {  	s0 =	sadd.s32 s0, s25  }
0x183: {  	p0 =	sgt.s32 s0, $0x0  }
0x184: {  	s30 =	simm.s32 $0x80;
	s31 =	simm.s32 $0x0;
	s0 =	simm.s32 @!p0 $0x0  }
0x185: {  	s28 =	sadd.s32 $0xFFFFFFFF, s1;
	p0 =	por $0x0, $0x0;
	s2 =	sadd.s32 $0x0, s0  }
0x186: {  	s1 =	sand.u32 $0xFFFFFF80, s2;
	s6 =	sand.u32 $0x70, s31  }
0x187: {  	v2 =	vld [tilespmem:s30+$0x0];
	s1 =	sor.u32 s6, s1  }
0x188: {  	v3 =	vld [tilespmem:s1+$0x2080]  }
0x189: {  	p1 =	sne.s32 s28, $0x1  }
.Ltmp33:
0x18a: {  	_ = 	snop;
	(pc) =	sbr.rel @!p1 .LBB2_50-.Ltmp33, $3  }
0x18b: {  	_ =	sdelay $0x1  }
0x18c: {  	s31 =	simm.s32 $0x10;
	s2 =	sadd.s32 $0x10, s0;
	v2 =	vadd.f32 v2, v3  }
0x18d: {  	s28 =	sadd.s32 $0xFFFFFFFF, s28;
	s30 =	simm.s32 $0x90;
	p0 =	por $0x1, $0x1  }
.LBB2_49:
0x18e: {  	p1 =	sne.s32 s28, $0x1;
	s2 =	sand.u32 $0xFFFFFF80, s2;
	s6 =	sand.u32 $0x70, s31;
	[tilespmem:s1+$0x2080] =	vst v2  }
0x18f: {  	s1 =	sor.u32 s6, s2;
	v2 =	vld [tilespmem:s30+$0x0]  }
0x190: {  	v3 =	vld [tilespmem:s1+$0x2080];
	_ =	sdelay $0x1  }
.Ltmp34:
0x191: {  	(pc) =	sbr.rel @p1 .LBB2_49-.Ltmp34, $3  }
0x192: {  	_ =	sdelay $0x1  }
0x193: {  	s31 =	sadd.s32 $0x10, s31;
	v2 =	vadd.f32 v2, v3  }
0x194: {  	s28 =	sadd.s32 $0xFFFFFFFF, s28;
	s2 =	sadd.s32 s31, s0;
	s30 =	sadd.s32 $0x10, s30  }
.LBB2_50:
0x195: {  	s0 =	sand.u32 $0xFFFFFF80, s2;
	s31 =	sand.u32 $0x70, s31;
	[tilespmem:s1+$0x2080] =	vst @p0 v2  }
0x196: {  	s0 =	sor.u32 s31, s0;
	v2 =	vld [tilespmem:s30+$0x0]  }
0x197: {  	v3 =	vld [tilespmem:s0+$0x2080];
	_ =	sdelay $0x4  }
0x198: {  	v2 =	vadd.f32 v2, v3;
	_ =	sdelay $0x1  }
0x199: {  	[tilespmem:s0+$0x2080] =	vst v2  }
.LBB2_51:
0x19a: {  	(v2sf) =	vpush v1, $0x8;
	_ =	sdelay $0xe  }
0x19b: {  	s0 =	spop (v2sf)  }
0x19c: {  	s0 =	sshll.u32 s0, $0x8  }
0x19d: {  	p0 =	sge.s32 s0, s7  }
0x19e: {  	s1 =	ssub.s32 @!p0 s4, s0  }
0x19f: {  	p1 =	sgt.s32 @!p0 s1, $0x0  }
0x1a0: {  	p1 =	por !p1, p0  }
0x1a1: {  	s2 =	ssub.s32 s0, s4;
	s1 =	simm.s32 @p1 $0x0  }
0x1a2: {  	p1 =	sgt.s32 s2, $0x0;
	s1 =	sadd.s32 @!p0 s1, s15  }
0x1a3: {  	s6 =	simm.s32 @!p0 $0x0;
	s2 =	simm.s32 @!p1 $0x0;
	s1 =	sshrl.u32 @!p0 s1, $0x3  }
0x1a4: {  	s28 =	simm.s32 @!p0 $0x80;
	s2 =	ssub.s32 $0x2000, s2;
	s1 =	sadd.s32 @!p0 s3, s1  }
0x1a5: {  	[tilespmem:s28], [sflag:$0x1] =	stream.linear.gather @!p0 [hbm4b:s1+s6], $0x2000, $0x38;
	[tilespmem:$0x4080] =	vst v63  }
0x1a6: {  	s1 =	sshra.s32 s2, $0x4  }
0x1a7: {  	p1 =	slt.s32 @!p0 s1, $0x1  }
0x1a8: {  	p1 =	por p0, p1  }
.Ltmp35:
0x1a9: {  	_ = 	snop;
	(pc) =	sbr.rel @p1 .LBB2_57-.Ltmp35, $4  }
0x1aa: {  	s2 =	simm.s32 @!p0 $0x1  }
0x1ab: {  	_ =	swait.ge @!p0 [sflag:s2], $0x2000  }
0x1ac: {  	[sflag:s2] =	ssyncset.done @!p0 $0x0  }
0x1ad: {  	[sflag:s2] =	ssyncadd.s32 @!p0 $0xFFFFE000  }
0x1ae: {  	p1 =	sne.s32 s1, $0x1  }
.Ltmp36:
0x1af: {  	_ = 	snop;
	(pc) =	sbr.rel @!p1 .LBB2_53-.Ltmp36, $4  }
0x1b0: {  	s0 =	sadd.s32 s0, s25  }
0x1b1: {  	p0 =	sgt.s32 s0, $0x0  }
0x1b2: {  	s30 =	simm.s32 $0x80;
	s31 =	simm.s32 $0x0;
	s0 =	simm.s32 @!p0 $0x0  }
0x1b3: {  	s28 =	sadd.s32 $0xFFFFFFFF, s1;
	p0 =	por $0x0, $0x0;
	s2 =	sadd.s32 $0x0, s0  }
0x1b4: {  	s1 =	sand.u32 $0xFFFFFF80, s2;
	s6 =	sand.u32 $0x70, s31  }
0x1b5: {  	v2 =	vld [tilespmem:s30+$0x0];
	s1 =	sor.u32 s6, s1  }
0x1b6: {  	v3 =	vld [tilespmem:s1+$0x2080]  }
0x1b7: {  	p1 =	sne.s32 s28, $0x1  }
.Ltmp37:
0x1b8: {  	_ = 	snop;
	(pc) =	sbr.rel @!p1 .LBB2_56-.Ltmp37, $3  }
0x1b9: {  	_ =	sdelay $0x1  }
0x1ba: {  	s31 =	simm.s32 $0x10;
	s2 =	sadd.s32 $0x10, s0;
	v2 =	vadd.f32 v2, v3  }
0x1bb: {  	s28 =	sadd.s32 $0xFFFFFFFF, s28;
	s30 =	simm.s32 $0x90;
	p0 =	por $0x1, $0x1  }
.LBB2_55:
0x1bc: {  	p1 =	sne.s32 s28, $0x1;
	s2 =	sand.u32 $0xFFFFFF80, s2;
	s6 =	sand.u32 $0x70, s31;
	[tilespmem:s1+$0x2080] =	vst v2  }
0x1bd: {  	s1 =	sor.u32 s6, s2;
	v2 =	vld [tilespmem:s30+$0x0]  }
0x1be: {  	v3 =	vld [tilespmem:s1+$0x2080];
	_ =	sdelay $0x1  }
.Ltmp38:
0x1bf: {  	(pc) =	sbr.rel @p1 .LBB2_55-.Ltmp38, $3  }
0x1c0: {  	_ =	sdelay $0x1  }
0x1c1: {  	s31 =	sadd.s32 $0x10, s31;
	v2 =	vadd.f32 v2, v3  }
0x1c2: {  	s28 =	sadd.s32 $0xFFFFFFFF, s28;
	s2 =	sadd.s32 s31, s0;
	s30 =	sadd.s32 $0x10, s30  }
.LBB2_56:
0x1c3: {  	s0 =	sand.u32 $0xFFFFFF80, s2;
	s31 =	sand.u32 $0x70, s31;
	[tilespmem:s1+$0x2080] =	vst @p0 v2  }
0x1c4: {  	s0 =	sor.u32 s31, s0;
	v2 =	vld [tilespmem:s30+$0x0]  }
0x1c5: {  	v3 =	vld [tilespmem:s0+$0x2080];
	_ =	sdelay $0x4  }
0x1c6: {  	v2 =	vadd.f32 v2, v3;
	_ =	sdelay $0x1  }
0x1c7: {  	[tilespmem:s0+$0x2080] =	vst v2  }
.LBB2_57:
0x1c8: {  	(v2sf) =	vpush v1, $0x9;
	_ =	sdelay $0xe  }
0x1c9: {  	s0 =	spop (v2sf)  }
0x1ca: {  	s0 =	sshll.u32 s0, $0x8  }
0x1cb: {  	p0 =	sge.s32 s0, s7  }
0x1cc: {  	s1 =	ssub.s32 @!p0 s4, s0  }
0x1cd: {  	p1 =	sgt.s32 @!p0 s1, $0x0  }
0x1ce: {  	p1 =	por !p1, p0  }
0x1cf: {  	s2 =	ssub.s32 s0, s4;
	s1 =	simm.s32 @p1 $0x0  }
0x1d0: {  	p1 =	sgt.s32 s2, $0x0;
	s1 =	sadd.s32 @!p0 s1, s16  }
0x1d1: {  	s6 =	simm.s32 @!p0 $0x0;
	s2 =	simm.s32 @!p1 $0x0;
	s1 =	sshrl.u32 @!p0 s1, $0x3  }
0x1d2: {  	s28 =	simm.s32 @!p0 $0x80;
	s2 =	ssub.s32 $0x2000, s2;
	s1 =	sadd.s32 @!p0 s3, s1  }
0x1d3: {  	[tilespmem:s28], [sflag:$0x1] =	stream.linear.gather @!p0 [hbm4b:s1+s6], $0x2000, $0x38;
	[tilespmem:$0x4080] =	vst v63  }
0x1d4: {  	s1 =	sshra.s32 s2, $0x4  }
0x1d5: {  	p1 =	slt.s32 @!p0 s1, $0x1  }
0x1d6: {  	p1 =	por p0, p1  }
.Ltmp39:
0x1d7: {  	_ = 	snop;
	(pc) =	sbr.rel @p1 .LBB2_63-.Ltmp39, $4  }
0x1d8: {  	s2 =	simm.s32 @!p0 $0x1  }
0x1d9: {  	_ =	swait.ge @!p0 [sflag:s2], $0x2000  }
0x1da: {  	[sflag:s2] =	ssyncset.done @!p0 $0x0  }
0x1db: {  	[sflag:s2] =	ssyncadd.s32 @!p0 $0xFFFFE000  }
0x1dc: {  	p1 =	sne.s32 s1, $0x1  }
.Ltmp40:
0x1dd: {  	_ = 	snop;
	(pc) =	sbr.rel @!p1 .LBB2_59-.Ltmp40, $4  }
0x1de: {  	s0 =	sadd.s32 s0, s25  }
0x1df: {  	p0 =	sgt.s32 s0, $0x0  }
0x1e0: {  	s30 =	simm.s32 $0x80;
	s31 =	simm.s32 $0x0;
	s0 =	simm.s32 @!p0 $0x0  }
0x1e1: {  	s28 =	sadd.s32 $0xFFFFFFFF, s1;
	p0 =	por $0x0, $0x0;
	s2 =	sadd.s32 $0x0, s0  }
0x1e2: {  	s1 =	sand.u32 $0xFFFFFF80, s2;
	s6 =	sand.u32 $0x70, s31  }
0x1e3: {  	v2 =	vld [tilespmem:s30+$0x0];
	s1 =	sor.u32 s6, s1  }
0x1e4: {  	v3 =	vld [tilespmem:s1+$0x2080]  }
0x1e5: {  	p1 =	sne.s32 s28, $0x1  }
.Ltmp41:
0x1e6: {  	_ = 	snop;
	(pc) =	sbr.rel @!p1 .LBB2_62-.Ltmp41, $3  }
0x1e7: {  	_ =	sdelay $0x1  }
0x1e8: {  	s31 =	simm.s32 $0x10;
	s2 =	sadd.s32 $0x10, s0;
	v2 =	vadd.f32 v2, v3  }
0x1e9: {  	s28 =	sadd.s32 $0xFFFFFFFF, s28;
	s30 =	simm.s32 $0x90;
	p0 =	por $0x1, $0x1  }
.LBB2_61:
0x1ea: {  	p1 =	sne.s32 s28, $0x1;
	s2 =	sand.u32 $0xFFFFFF80, s2;
	s6 =	sand.u32 $0x70, s31;
	[tilespmem:s1+$0x2080] =	vst v2  }
0x1eb: {  	s1 =	sor.u32 s6, s2;
	v2 =	vld [tilespmem:s30+$0x0]  }
0x1ec: {  	v3 =	vld [tilespmem:s1+$0x2080];
	_ =	sdelay $0x1  }
.Ltmp42:
0x1ed: {  	(pc) =	sbr.rel @p1 .LBB2_61-.Ltmp42, $3  }
0x1ee: {  	_ =	sdelay $0x1  }
0x1ef: {  	s31 =	sadd.s32 $0x10, s31;
	v2 =	vadd.f32 v2, v3  }
0x1f0: {  	s28 =	sadd.s32 $0xFFFFFFFF, s28;
	s2 =	sadd.s32 s31, s0;
	s30 =	sadd.s32 $0x10, s30  }
.LBB2_62:
0x1f1: {  	s0 =	sand.u32 $0xFFFFFF80, s2;
	s31 =	sand.u32 $0x70, s31;
	[tilespmem:s1+$0x2080] =	vst @p0 v2  }
0x1f2: {  	s0 =	sor.u32 s31, s0;
	v2 =	vld [tilespmem:s30+$0x0]  }
0x1f3: {  	v3 =	vld [tilespmem:s0+$0x2080];
	_ =	sdelay $0x4  }
0x1f4: {  	v2 =	vadd.f32 v2, v3;
	_ =	sdelay $0x1  }
0x1f5: {  	[tilespmem:s0+$0x2080] =	vst v2  }
.LBB2_63:
0x1f6: {  	(v2sf) =	vpush v1, $0xA;
	_ =	sdelay $0xe  }
0x1f7: {  	s0 =	spop (v2sf)  }
0x1f8: {  	s0 =	sshll.u32 s0, $0x8  }
0x1f9: {  	p0 =	sge.s32 s0, s7  }
0x1fa: {  	s1 =	ssub.s32 @!p0 s4, s0  }
0x1fb: {  	p1 =	sgt.s32 @!p0 s1, $0x0  }
0x1fc: {  	p1 =	por !p1, p0  }
0x1fd: {  	s2 =	ssub.s32 s0, s4;
	s1 =	simm.s32 @p1 $0x0  }
0x1fe: {  	p1 =	sgt.s32 s2, $0x0;
	s1 =	sadd.s32 @!p0 s1, s17  }
0x1ff: {  	s6 =	simm.s32 @!p0 $0x0;
	s2 =	simm.s32 @!p1 $0x0;
	s1 =	sshrl.u32 @!p0 s1, $0x3  }
0x200: {  	s28 =	simm.s32 @!p0 $0x80;
	s2 =	ssub.s32 $0x2000, s2;
	s1 =	sadd.s32 @!p0 s3, s1  }
0x201: {  	[tilespmem:s28], [sflag:$0x1] =	stream.linear.gather @!p0 [hbm4b:s1+s6], $0x2000, $0x38;
	[tilespmem:$0x4080] =	vst v63  }
0x202: {  	s1 =	sshra.s32 s2, $0x4  }
0x203: {  	p1 =	slt.s32 @!p0 s1, $0x1  }
0x204: {  	p1 =	por p0, p1  }
.Ltmp43:
0x205: {  	_ = 	snop;
	(pc) =	sbr.rel @p1 .LBB2_69-.Ltmp43, $4  }
0x206: {  	s2 =	simm.s32 @!p0 $0x1  }
0x207: {  	_ =	swait.ge @!p0 [sflag:s2], $0x2000  }
0x208: {  	[sflag:s2] =	ssyncset.done @!p0 $0x0  }
0x209: {  	[sflag:s2] =	ssyncadd.s32 @!p0 $0xFFFFE000  }
0x20a: {  	p1 =	sne.s32 s1, $0x1  }
.Ltmp44:
0x20b: {  	_ = 	snop;
	(pc) =	sbr.rel @!p1 .LBB2_65-.Ltmp44, $4  }
0x20c: {  	s0 =	sadd.s32 s0, s25  }
0x20d: {  	p0 =	sgt.s32 s0, $0x0  }
0x20e: {  	s30 =	simm.s32 $0x80;
	s31 =	simm.s32 $0x0;
	s0 =	simm.s32 @!p0 $0x0  }
0x20f: {  	s28 =	sadd.s32 $0xFFFFFFFF, s1;
	p0 =	por $0x0, $0x0;
	s2 =	sadd.s32 $0x0, s0  }
0x210: {  	s1 =	sand.u32 $0xFFFFFF80, s2;
	s6 =	sand.u32 $0x70, s31  }
0x211: {  	v2 =	vld [tilespmem:s30+$0x0];
	s1 =	sor.u32 s6, s1  }
0x212: {  	v3 =	vld [tilespmem:s1+$0x2080]  }
0x213: {  	p1 =	sne.s32 s28, $0x1  }
.Ltmp45:
0x214: {  	_ = 	snop;
	(pc) =	sbr.rel @!p1 .LBB2_68-.Ltmp45, $3  }
0x215: {  	_ =	sdelay $0x1  }
0x216: {  	s31 =	simm.s32 $0x10;
	s2 =	sadd.s32 $0x10, s0;
	v2 =	vadd.f32 v2, v3  }
0x217: {  	s28 =	sadd.s32 $0xFFFFFFFF, s28;
	s30 =	simm.s32 $0x90;
	p0 =	por $0x1, $0x1  }
.LBB2_67:
0x218: {  	p1 =	sne.s32 s28, $0x1;
	s2 =	sand.u32 $0xFFFFFF80, s2;
	s6 =	sand.u32 $0x70, s31;
	[tilespmem:s1+$0x2080] =	vst v2  }
0x219: {  	s1 =	sor.u32 s6, s2;
	v2 =	vld [tilespmem:s30+$0x0]  }
0x21a: {  	v3 =	vld [tilespmem:s1+$0x2080];
	_ =	sdelay $0x1  }
.Ltmp46:
0x21b: {  	(pc) =	sbr.rel @p1 .LBB2_67-.Ltmp46, $3  }
0x21c: {  	_ =	sdelay $0x1  }
0x21d: {  	s31 =	sadd.s32 $0x10, s31;
	v2 =	vadd.f32 v2, v3  }
0x21e: {  	s28 =	sadd.s32 $0xFFFFFFFF, s28;
	s2 =	sadd.s32 s31, s0;
	s30 =	sadd.s32 $0x10, s30  }
.LBB2_68:
0x21f: {  	s0 =	sand.u32 $0xFFFFFF80, s2;
	s31 =	sand.u32 $0x70, s31;
	[tilespmem:s1+$0x2080] =	vst @p0 v2  }
0x220: {  	s0 =	sor.u32 s31, s0;
	v2 =	vld [tilespmem:s30+$0x0]  }
0x221: {  	v3 =	vld [tilespmem:s0+$0x2080];
	_ =	sdelay $0x4  }
0x222: {  	v2 =	vadd.f32 v2, v3;
	_ =	sdelay $0x1  }
0x223: {  	[tilespmem:s0+$0x2080] =	vst v2  }
.LBB2_69:
0x224: {  	(v2sf) =	vpush v1, $0xB;
	_ =	sdelay $0xe  }
0x225: {  	s0 =	spop (v2sf)  }
0x226: {  	s0 =	sshll.u32 s0, $0x8  }
0x227: {  	p0 =	sge.s32 s0, s7  }
0x228: {  	s1 =	ssub.s32 @!p0 s4, s0  }
0x229: {  	p1 =	sgt.s32 @!p0 s1, $0x0  }
0x22a: {  	p1 =	por !p1, p0  }
0x22b: {  	s2 =	ssub.s32 s0, s4;
	s1 =	simm.s32 @p1 $0x0  }
0x22c: {  	p1 =	sgt.s32 s2, $0x0;
	s1 =	sadd.s32 @!p0 s1, s18  }
0x22d: {  	s6 =	simm.s32 @!p0 $0x0;
	s2 =	simm.s32 @!p1 $0x0;
	s1 =	sshrl.u32 @!p0 s1, $0x3  }
0x22e: {  	s28 =	simm.s32 @!p0 $0x80;
	s2 =	ssub.s32 $0x2000, s2;
	s1 =	sadd.s32 @!p0 s3, s1  }
0x22f: {  	[tilespmem:s28], [sflag:$0x1] =	stream.linear.gather @!p0 [hbm4b:s1+s6], $0x2000, $0x38;
	[tilespmem:$0x4080] =	vst v63  }
0x230: {  	s1 =	sshra.s32 s2, $0x4  }
0x231: {  	p1 =	slt.s32 @!p0 s1, $0x1  }
0x232: {  	p1 =	por p0, p1  }
.Ltmp47:
0x233: {  	_ = 	snop;
	(pc) =	sbr.rel @p1 .LBB2_75-.Ltmp47, $4  }
0x234: {  	s2 =	simm.s32 @!p0 $0x1  }
0x235: {  	_ =	swait.ge @!p0 [sflag:s2], $0x2000  }
0x236: {  	[sflag:s2] =	ssyncset.done @!p0 $0x0  }
0x237: {  	[sflag:s2] =	ssyncadd.s32 @!p0 $0xFFFFE000  }
0x238: {  	p1 =	sne.s32 s1, $0x1  }
.Ltmp48:
0x239: {  	_ = 	snop;
	(pc) =	sbr.rel @!p1 .LBB2_71-.Ltmp48, $4  }
0x23a: {  	s0 =	sadd.s32 s0, s25  }
0x23b: {  	p0 =	sgt.s32 s0, $0x0  }
0x23c: {  	s30 =	simm.s32 $0x80;
	s31 =	simm.s32 $0x0;
	s0 =	simm.s32 @!p0 $0x0  }
0x23d: {  	s28 =	sadd.s32 $0xFFFFFFFF, s1;
	p0 =	por $0x0, $0x0;
	s2 =	sadd.s32 $0x0, s0  }
0x23e: {  	s1 =	sand.u32 $0xFFFFFF80, s2;
	s6 =	sand.u32 $0x70, s31  }
0x23f: {  	v2 =	vld [tilespmem:s30+$0x0];
	s1 =	sor.u32 s6, s1  }
0x240: {  	v3 =	vld [tilespmem:s1+$0x2080]  }
0x241: {  	p1 =	sne.s32 s28, $0x1  }
.Ltmp49:
0x242: {  	_ = 	snop;
	(pc) =	sbr.rel @!p1 .LBB2_74-.Ltmp49, $3  }
0x243: {  	_ =	sdelay $0x1  }
0x244: {  	s31 =	simm.s32 $0x10;
	s2 =	sadd.s32 $0x10, s0;
	v2 =	vadd.f32 v2, v3  }
0x245: {  	s28 =	sadd.s32 $0xFFFFFFFF, s28;
	s30 =	simm.s32 $0x90;
	p0 =	por $0x1, $0x1  }
.LBB2_73:
0x246: {  	p1 =	sne.s32 s28, $0x1;
	s2 =	sand.u32 $0xFFFFFF80, s2;
	s6 =	sand.u32 $0x70, s31;
	[tilespmem:s1+$0x2080] =	vst v2  }
0x247: {  	s1 =	sor.u32 s6, s2;
	v2 =	vld [tilespmem:s30+$0x0]  }
0x248: {  	v3 =	vld [tilespmem:s1+$0x2080];
	_ =	sdelay $0x1  }
.Ltmp50:
0x249: {  	(pc) =	sbr.rel @p1 .LBB2_73-.Ltmp50, $3  }
0x24a: {  	_ =	sdelay $0x1  }
0x24b: {  	s31 =	sadd.s32 $0x10, s31;
	v2 =	vadd.f32 v2, v3  }
0x24c: {  	s28 =	sadd.s32 $0xFFFFFFFF, s28;
	s2 =	sadd.s32 s31, s0;
	s30 =	sadd.s32 $0x10, s30  }
.LBB2_74:
0x24d: {  	s0 =	sand.u32 $0xFFFFFF80, s2;
	s31 =	sand.u32 $0x70, s31;
	[tilespmem:s1+$0x2080] =	vst @p0 v2  }
0x24e: {  	s0 =	sor.u32 s31, s0;
	v2 =	vld [tilespmem:s30+$0x0]  }
0x24f: {  	v3 =	vld [tilespmem:s0+$0x2080];
	_ =	sdelay $0x4  }
0x250: {  	v2 =	vadd.f32 v2, v3;
	_ =	sdelay $0x1  }
0x251: {  	[tilespmem:s0+$0x2080] =	vst v2  }
.LBB2_75:
0x252: {  	(v2sf) =	vpush v1, $0xC;
	_ =	sdelay $0xe  }
0x253: {  	s0 =	spop (v2sf)  }
0x254: {  	s0 =	sshll.u32 s0, $0x8  }
0x255: {  	p0 =	sge.s32 s0, s7  }
0x256: {  	s1 =	ssub.s32 @!p0 s4, s0  }
0x257: {  	p1 =	sgt.s32 @!p0 s1, $0x0  }
0x258: {  	p1 =	por !p1, p0  }
0x259: {  	s2 =	ssub.s32 s0, s4;
	s1 =	simm.s32 @p1 $0x0  }
0x25a: {  	p1 =	sgt.s32 s2, $0x0;
	s1 =	sadd.s32 @!p0 s1, s19  }
0x25b: {  	s6 =	simm.s32 @!p0 $0x0;
	s2 =	simm.s32 @!p1 $0x0;
	s1 =	sshrl.u32 @!p0 s1, $0x3  }
0x25c: {  	s28 =	simm.s32 @!p0 $0x80;
	s2 =	ssub.s32 $0x2000, s2;
	s1 =	sadd.s32 @!p0 s3, s1  }
0x25d: {  	[tilespmem:s28], [sflag:$0x1] =	stream.linear.gather @!p0 [hbm4b:s1+s6], $0x2000, $0x38;
	[tilespmem:$0x4080] =	vst v63  }
0x25e: {  	s1 =	sshra.s32 s2, $0x4  }
0x25f: {  	p1 =	slt.s32 @!p0 s1, $0x1  }
0x260: {  	p1 =	por p0, p1  }
.Ltmp51:
0x261: {  	_ = 	snop;
	(pc) =	sbr.rel @p1 .LBB2_81-.Ltmp51, $4  }
0x262: {  	s2 =	simm.s32 @!p0 $0x1  }
0x263: {  	_ =	swait.ge @!p0 [sflag:s2], $0x2000  }
0x264: {  	[sflag:s2] =	ssyncset.done @!p0 $0x0  }
0x265: {  	[sflag:s2] =	ssyncadd.s32 @!p0 $0xFFFFE000  }
0x266: {  	p1 =	sne.s32 s1, $0x1  }
.Ltmp52:
0x267: {  	_ = 	snop;
	(pc) =	sbr.rel @!p1 .LBB2_77-.Ltmp52, $4  }
0x268: {  	s0 =	sadd.s32 s0, s25  }
0x269: {  	p0 =	sgt.s32 s0, $0x0  }
0x26a: {  	s30 =	simm.s32 $0x80;
	s31 =	simm.s32 $0x0;
	s0 =	simm.s32 @!p0 $0x0  }
0x26b: {  	s28 =	sadd.s32 $0xFFFFFFFF, s1;
	p0 =	por $0x0, $0x0;
	s2 =	sadd.s32 $0x0, s0  }
0x26c: {  	s1 =	sand.u32 $0xFFFFFF80, s2;
	s6 =	sand.u32 $0x70, s31  }
0x26d: {  	v2 =	vld [tilespmem:s30+$0x0];
	s1 =	sor.u32 s6, s1  }
0x26e: {  	v3 =	vld [tilespmem:s1+$0x2080]  }
0x26f: {  	p1 =	sne.s32 s28, $0x1  }
.Ltmp53:
0x270: {  	_ = 	snop;
	(pc) =	sbr.rel @!p1 .LBB2_80-.Ltmp53, $3  }
0x271: {  	_ =	sdelay $0x1  }
0x272: {  	s31 =	simm.s32 $0x10;
	s2 =	sadd.s32 $0x10, s0;
	v2 =	vadd.f32 v2, v3  }
0x273: {  	s28 =	sadd.s32 $0xFFFFFFFF, s28;
	s30 =	simm.s32 $0x90;
	p0 =	por $0x1, $0x1  }
.LBB2_79:
0x274: {  	p1 =	sne.s32 s28, $0x1;
	s2 =	sand.u32 $0xFFFFFF80, s2;
	s6 =	sand.u32 $0x70, s31;
	[tilespmem:s1+$0x2080] =	vst v2  }
0x275: {  	s1 =	sor.u32 s6, s2;
	v2 =	vld [tilespmem:s30+$0x0]  }
0x276: {  	v3 =	vld [tilespmem:s1+$0x2080];
	_ =	sdelay $0x1  }
.Ltmp54:
0x277: {  	(pc) =	sbr.rel @p1 .LBB2_79-.Ltmp54, $3  }
0x278: {  	_ =	sdelay $0x1  }
0x279: {  	s31 =	sadd.s32 $0x10, s31;
	v2 =	vadd.f32 v2, v3  }
0x27a: {  	s28 =	sadd.s32 $0xFFFFFFFF, s28;
	s2 =	sadd.s32 s31, s0;
	s30 =	sadd.s32 $0x10, s30  }
.LBB2_80:
0x27b: {  	s0 =	sand.u32 $0xFFFFFF80, s2;
	s31 =	sand.u32 $0x70, s31;
	[tilespmem:s1+$0x2080] =	vst @p0 v2  }
0x27c: {  	s0 =	sor.u32 s31, s0;
	v2 =	vld [tilespmem:s30+$0x0]  }
0x27d: {  	v3 =	vld [tilespmem:s0+$0x2080];
	_ =	sdelay $0x4  }
0x27e: {  	v2 =	vadd.f32 v2, v3;
	_ =	sdelay $0x1  }
0x27f: {  	[tilespmem:s0+$0x2080] =	vst v2  }
.LBB2_81:
0x280: {  	(v2sf) =	vpush v1, $0xD;
	_ =	sdelay $0xe  }
0x281: {  	s0 =	spop (v2sf)  }
0x282: {  	s0 =	sshll.u32 s0, $0x8  }
0x283: {  	p0 =	sge.s32 s0, s7  }
0x284: {  	s1 =	ssub.s32 @!p0 s4, s0  }
0x285: {  	p1 =	sgt.s32 @!p0 s1, $0x0  }
0x286: {  	p1 =	por !p1, p0  }
0x287: {  	s2 =	ssub.s32 s0, s4;
	s1 =	simm.s32 @p1 $0x0  }
0x288: {  	p1 =	sgt.s32 s2, $0x0;
	s1 =	sadd.s32 @!p0 s1, s20  }
0x289: {  	s6 =	simm.s32 @!p0 $0x0;
	s2 =	simm.s32 @!p1 $0x0;
	s1 =	sshrl.u32 @!p0 s1, $0x3  }
0x28a: {  	s28 =	simm.s32 @!p0 $0x80;
	s2 =	ssub.s32 $0x2000, s2;
	s1 =	sadd.s32 @!p0 s3, s1  }
0x28b: {  	[tilespmem:s28], [sflag:$0x1] =	stream.linear.gather @!p0 [hbm4b:s1+s6], $0x2000, $0x38;
	[tilespmem:$0x4080] =	vst v63  }
0x28c: {  	s1 =	sshra.s32 s2, $0x4  }
0x28d: {  	p1 =	slt.s32 @!p0 s1, $0x1  }
0x28e: {  	p1 =	por p0, p1  }
.Ltmp55:
0x28f: {  	_ = 	snop;
	(pc) =	sbr.rel @p1 .LBB2_87-.Ltmp55, $4  }
0x290: {  	s2 =	simm.s32 @!p0 $0x1  }
0x291: {  	_ =	swait.ge @!p0 [sflag:s2], $0x2000  }
0x292: {  	[sflag:s2] =	ssyncset.done @!p0 $0x0  }
0x293: {  	[sflag:s2] =	ssyncadd.s32 @!p0 $0xFFFFE000  }
0x294: {  	p1 =	sne.s32 s1, $0x1  }
.Ltmp56:
0x295: {  	_ = 	snop;
	(pc) =	sbr.rel @!p1 .LBB2_83-.Ltmp56, $4  }
0x296: {  	s0 =	sadd.s32 s0, s25  }
0x297: {  	p0 =	sgt.s32 s0, $0x0  }
0x298: {  	s30 =	simm.s32 $0x80;
	s31 =	simm.s32 $0x0;
	s0 =	simm.s32 @!p0 $0x0  }
0x299: {  	s28 =	sadd.s32 $0xFFFFFFFF, s1;
	p0 =	por $0x0, $0x0;
	s2 =	sadd.s32 $0x0, s0  }
0x29a: {  	s1 =	sand.u32 $0xFFFFFF80, s2;
	s6 =	sand.u32 $0x70, s31  }
0x29b: {  	v2 =	vld [tilespmem:s30+$0x0];
	s1 =	sor.u32 s6, s1  }
0x29c: {  	v3 =	vld [tilespmem:s1+$0x2080]  }
0x29d: {  	p1 =	sne.s32 s28, $0x1  }
.Ltmp57:
0x29e: {  	_ = 	snop;
	(pc) =	sbr.rel @!p1 .LBB2_86-.Ltmp57, $3  }
0x29f: {  	_ =	sdelay $0x1  }
0x2a0: {  	s31 =	simm.s32 $0x10;
	s2 =	sadd.s32 $0x10, s0;
	v2 =	vadd.f32 v2, v3  }
0x2a1: {  	s28 =	sadd.s32 $0xFFFFFFFF, s28;
	s30 =	simm.s32 $0x90;
	p0 =	por $0x1, $0x1  }
.LBB2_85:
0x2a2: {  	p1 =	sne.s32 s28, $0x1;
	s2 =	sand.u32 $0xFFFFFF80, s2;
	s6 =	sand.u32 $0x70, s31;
	[tilespmem:s1+$0x2080] =	vst v2  }
0x2a3: {  	s1 =	sor.u32 s6, s2;
	v2 =	vld [tilespmem:s30+$0x0]  }
0x2a4: {  	v3 =	vld [tilespmem:s1+$0x2080];
	_ =	sdelay $0x1  }
.Ltmp58:
0x2a5: {  	(pc) =	sbr.rel @p1 .LBB2_85-.Ltmp58, $3  }
0x2a6: {  	_ =	sdelay $0x1  }
0x2a7: {  	s31 =	sadd.s32 $0x10, s31;
	v2 =	vadd.f32 v2, v3  }
0x2a8: {  	s28 =	sadd.s32 $0xFFFFFFFF, s28;
	s2 =	sadd.s32 s31, s0;
	s30 =	sadd.s32 $0x10, s30  }
.LBB2_86:
0x2a9: {  	s0 =	sand.u32 $0xFFFFFF80, s2;
	s31 =	sand.u32 $0x70, s31;
	[tilespmem:s1+$0x2080] =	vst @p0 v2  }
0x2aa: {  	s0 =	sor.u32 s31, s0;
	v2 =	vld [tilespmem:s30+$0x0]  }
0x2ab: {  	v3 =	vld [tilespmem:s0+$0x2080];
	_ =	sdelay $0x4  }
0x2ac: {  	v2 =	vadd.f32 v2, v3;
	_ =	sdelay $0x1  }
0x2ad: {  	[tilespmem:s0+$0x2080] =	vst v2  }
.LBB2_87:
0x2ae: {  	(v2sf) =	vpush v1, $0xE;
	_ =	sdelay $0xe  }
0x2af: {  	s0 =	spop (v2sf)  }
0x2b0: {  	s0 =	sshll.u32 s0, $0x8  }
0x2b1: {  	p0 =	sge.s32 s0, s7  }
0x2b2: {  	s1 =	ssub.s32 @!p0 s4, s0  }
0x2b3: {  	p1 =	sgt.s32 @!p0 s1, $0x0  }
0x2b4: {  	p1 =	por !p1, p0  }
0x2b5: {  	s2 =	ssub.s32 s0, s4;
	s1 =	simm.s32 @p1 $0x0  }
0x2b6: {  	p1 =	sgt.s32 s2, $0x0;
	s1 =	sadd.s32 @!p0 s1, s22  }
0x2b7: {  	s6 =	simm.s32 @!p0 $0x0;
	s2 =	simm.s32 @!p1 $0x0;
	s1 =	sshrl.u32 @!p0 s1, $0x3  }
0x2b8: {  	s28 =	simm.s32 @!p0 $0x80;
	s2 =	ssub.s32 $0x2000, s2;
	s1 =	sadd.s32 @!p0 s3, s1  }
0x2b9: {  	[tilespmem:s28], [sflag:$0x1] =	stream.linear.gather @!p0 [hbm4b:s1+s6], $0x2000, $0x38;
	[tilespmem:$0x4080] =	vst v63  }
0x2ba: {  	s1 =	sshra.s32 s2, $0x4  }
0x2bb: {  	p1 =	slt.s32 @!p0 s1, $0x1  }
0x2bc: {  	p1 =	por p0, p1  }
.Ltmp59:
0x2bd: {  	_ = 	snop;
	(pc) =	sbr.rel @p1 .LBB2_93-.Ltmp59, $4  }
0x2be: {  	s2 =	simm.s32 @!p0 $0x1  }
0x2bf: {  	_ =	swait.ge @!p0 [sflag:s2], $0x2000  }
0x2c0: {  	[sflag:s2] =	ssyncset.done @!p0 $0x0  }
0x2c1: {  	[sflag:s2] =	ssyncadd.s32 @!p0 $0xFFFFE000  }
0x2c2: {  	p1 =	sne.s32 s1, $0x1  }
.Ltmp60:
0x2c3: {  	_ = 	snop;
	(pc) =	sbr.rel @!p1 .LBB2_89-.Ltmp60, $4  }
0x2c4: {  	s0 =	sadd.s32 s0, s25  }
0x2c5: {  	p0 =	sgt.s32 s0, $0x0  }
0x2c6: {  	s30 =	simm.s32 $0x80;
	s31 =	simm.s32 $0x0;
	s0 =	simm.s32 @!p0 $0x0  }
0x2c7: {  	s28 =	sadd.s32 $0xFFFFFFFF, s1;
	p0 =	por $0x0, $0x0;
	s2 =	sadd.s32 $0x0, s0  }
0x2c8: {  	s1 =	sand.u32 $0xFFFFFF80, s2;
	s6 =	sand.u32 $0x70, s31  }
0x2c9: {  	v2 =	vld [tilespmem:s30+$0x0];
	s1 =	sor.u32 s6, s1  }
0x2ca: {  	v3 =	vld [tilespmem:s1+$0x2080]  }
0x2cb: {  	p1 =	sne.s32 s28, $0x1  }
.Ltmp61:
0x2cc: {  	_ = 	snop;
	(pc) =	sbr.rel @!p1 .LBB2_92-.Ltmp61, $3  }
0x2cd: {  	_ =	sdelay $0x1  }
0x2ce: {  	s31 =	simm.s32 $0x10;
	s2 =	sadd.s32 $0x10, s0;
	v2 =	vadd.f32 v2, v3  }
0x2cf: {  	s28 =	sadd.s32 $0xFFFFFFFF, s28;
	s30 =	simm.s32 $0x90;
	p0 =	por $0x1, $0x1  }
.LBB2_91:
0x2d0: {  	p1 =	sne.s32 s28, $0x1;
	s2 =	sand.u32 $0xFFFFFF80, s2;
	s6 =	sand.u32 $0x70, s31;
	[tilespmem:s1+$0x2080] =	vst v2  }
0x2d1: {  	s1 =	sor.u32 s6, s2;
	v2 =	vld [tilespmem:s30+$0x0]  }
0x2d2: {  	v3 =	vld [tilespmem:s1+$0x2080];
	_ =	sdelay $0x1  }
.Ltmp62:
0x2d3: {  	(pc) =	sbr.rel @p1 .LBB2_91-.Ltmp62, $3  }
0x2d4: {  	_ =	sdelay $0x1  }
0x2d5: {  	s31 =	sadd.s32 $0x10, s31;
	v2 =	vadd.f32 v2, v3  }
0x2d6: {  	s28 =	sadd.s32 $0xFFFFFFFF, s28;
	s2 =	sadd.s32 s31, s0;
	s30 =	sadd.s32 $0x10, s30  }
.LBB2_92:
0x2d7: {  	s0 =	sand.u32 $0xFFFFFF80, s2;
	s31 =	sand.u32 $0x70, s31;
	[tilespmem:s1+$0x2080] =	vst @p0 v2  }
0x2d8: {  	s0 =	sor.u32 s31, s0;
	v2 =	vld [tilespmem:s30+$0x0]  }
0x2d9: {  	v3 =	vld [tilespmem:s0+$0x2080];
	_ =	sdelay $0x4  }
0x2da: {  	v2 =	vadd.f32 v2, v3;
	_ =	sdelay $0x1  }
0x2db: {  	[tilespmem:s0+$0x2080] =	vst v2  }
.LBB2_93:
0x2dc: {  	(v2sf) =	vpush v1, $0xF;
	_ =	sdelay $0xe  }
0x2dd: {  	s0 =	spop (v2sf)  }
0x2de: {  	s0 =	sshll.u32 s0, $0x8  }
0x2df: {  	p0 =	sge.s32 s0, s7  }
0x2e0: {  	s1 =	ssub.s32 @!p0 s4, s0  }
0x2e1: {  	p1 =	sgt.s32 @!p0 s1, $0x0  }
0x2e2: {  	p1 =	por !p1, p0  }
0x2e3: {  	s2 =	ssub.s32 s0, s4;
	s1 =	simm.s32 @p1 $0x0  }
0x2e4: {  	p1 =	sgt.s32 s2, $0x0;
	s1 =	sadd.s32 @!p0 s1, s23  }
0x2e5: {  	s6 =	simm.s32 @!p0 $0x0;
	s2 =	simm.s32 @!p1 $0x0;
	s1 =	sshrl.u32 @!p0 s1, $0x3  }
0x2e6: {  	s28 =	simm.s32 @!p0 $0x80;
	s2 =	ssub.s32 $0x2000, s2;
	s1 =	sadd.s32 @!p0 s3, s1  }
0x2e7: {  	[tilespmem:s28], [sflag:$0x1] =	stream.linear.gather @!p0 [hbm4b:s1+s6], $0x2000, $0x38;
	[tilespmem:$0x4080] =	vst v63  }
0x2e8: {  	s1 =	sshra.s32 s2, $0x4  }
0x2e9: {  	p1 =	slt.s32 @!p0 s1, $0x1  }
0x2ea: {  	p1 =	por p0, p1  }
.Ltmp63:
0x2eb: {  	_ = 	snop;
	(pc) =	sbr.rel @p1 .LBB2_99-.Ltmp63, $4  }
0x2ec: {  	s2 =	simm.s32 @!p0 $0x1  }
0x2ed: {  	_ =	swait.ge @!p0 [sflag:s2], $0x2000  }
0x2ee: {  	[sflag:s2] =	ssyncset.done @!p0 $0x0  }
0x2ef: {  	[sflag:s2] =	ssyncadd.s32 @!p0 $0xFFFFE000  }
0x2f0: {  	p1 =	sne.s32 s1, $0x1  }
.Ltmp64:
0x2f1: {  	_ = 	snop;
	(pc) =	sbr.rel @!p1 .LBB2_95-.Ltmp64, $4  }
0x2f2: {  	s0 =	sadd.s32 s0, s25  }
0x2f3: {  	p0 =	sgt.s32 s0, $0x0  }
0x2f4: {  	s30 =	simm.s32 $0x80;
	s31 =	simm.s32 $0x0;
	s0 =	simm.s32 @!p0 $0x0  }
0x2f5: {  	s28 =	sadd.s32 $0xFFFFFFFF, s1;
	p0 =	por $0x0, $0x0;
	s2 =	sadd.s32 $0x0, s0  }
0x2f6: {  	s1 =	sand.u32 $0xFFFFFF80, s2;
	s6 =	sand.u32 $0x70, s31  }
0x2f7: {  	v1 =	vld [tilespmem:s30+$0x0];
	s1 =	sor.u32 s6, s1  }
0x2f8: {  	v2 =	vld [tilespmem:s1+$0x2080]  }
0x2f9: {  	p1 =	sne.s32 s28, $0x1  }
.Ltmp65:
0x2fa: {  	_ = 	snop;
	(pc) =	sbr.rel @!p1 .LBB2_98-.Ltmp65, $3  }
0x2fb: {  	_ =	sdelay $0x1  }
0x2fc: {  	s31 =	simm.s32 $0x10;
	s2 =	sadd.s32 $0x10, s0;
	v1 =	vadd.f32 v1, v2  }
0x2fd: {  	s28 =	sadd.s32 $0xFFFFFFFF, s28;
	s30 =	simm.s32 $0x90;
	p0 =	por $0x1, $0x1  }
.LBB2_97:
0x2fe: {  	p1 =	sne.s32 s28, $0x1;
	s2 =	sand.u32 $0xFFFFFF80, s2;
	s6 =	sand.u32 $0x70, s31;
	[tilespmem:s1+$0x2080] =	vst v1  }
0x2ff: {  	s1 =	sor.u32 s6, s2;
	v1 =	vld [tilespmem:s30+$0x0]  }
0x300: {  	v2 =	vld [tilespmem:s1+$0x2080];
	_ =	sdelay $0x1  }
.Ltmp66:
0x301: {  	(pc) =	sbr.rel @p1 .LBB2_97-.Ltmp66, $3  }
0x302: {  	_ =	sdelay $0x1  }
0x303: {  	s31 =	sadd.s32 $0x10, s31;
	v1 =	vadd.f32 v1, v2  }
0x304: {  	s28 =	sadd.s32 $0xFFFFFFFF, s28;
	s2 =	sadd.s32 s31, s0;
	s30 =	sadd.s32 $0x10, s30  }
.Ltmp67:
0x305: {  	_ = 	snop;
	(pc) =	sbr.rel .LBB2_98-.Ltmp67, $1  }
0x306: {  	_ =	sdelay $0x3  }
.LBB2_5:
.Ltmp68:
0x307: {  	(pc) =	sbr.rel .LBB2_8-.Ltmp68, $2  }
0x308: {  	_ =	sdelay $0x2  }
0x309: {  	_ = 	snop  }
.LBB2_11:
.Ltmp69:
0x30a: {  	(pc) =	sbr.rel .LBB2_14-.Ltmp69, $2  }
0x30b: {  	_ =	sdelay $0x2  }
0x30c: {  	_ = 	snop  }
.LBB2_17:
.Ltmp70:
0x30d: {  	(pc) =	sbr.rel .LBB2_20-.Ltmp70, $2  }
0x30e: {  	_ =	sdelay $0x2  }
0x30f: {  	_ = 	snop  }
.LBB2_23:
.Ltmp71:
0x310: {  	(pc) =	sbr.rel .LBB2_26-.Ltmp71, $2  }
0x311: {  	_ =	sdelay $0x2  }
0x312: {  	_ = 	snop  }
.LBB2_29:
.Ltmp72:
0x313: {  	(pc) =	sbr.rel .LBB2_32-.Ltmp72, $2  }
0x314: {  	_ =	sdelay $0x2  }
0x315: {  	_ = 	snop  }
.LBB2_35:
.Ltmp73:
0x316: {  	(pc) =	sbr.rel .LBB2_38-.Ltmp73, $2  }
0x317: {  	_ =	sdelay $0x2  }
0x318: {  	_ = 	snop  }
.LBB2_41:
.Ltmp74:
0x319: {  	(pc) =	sbr.rel .LBB2_44-.Ltmp74, $2  }
0x31a: {  	_ =	sdelay $0x2  }
0x31b: {  	_ = 	snop  }
.LBB2_47:
.Ltmp75:
0x31c: {  	(pc) =	sbr.rel .LBB2_50-.Ltmp75, $2  }
0x31d: {  	_ =	sdelay $0x2  }
0x31e: {  	_ = 	snop  }
.LBB2_53:
.Ltmp76:
0x31f: {  	(pc) =	sbr.rel .LBB2_56-.Ltmp76, $2  }
0x320: {  	_ =	sdelay $0x2  }
0x321: {  	_ = 	snop  }
.LBB2_59:
.Ltmp77:
0x322: {  	(pc) =	sbr.rel .LBB2_62-.Ltmp77, $2  }
0x323: {  	_ =	sdelay $0x2  }
0x324: {  	_ = 	snop  }
.LBB2_65:
.Ltmp78:
0x325: {  	(pc) =	sbr.rel .LBB2_68-.Ltmp78, $2  }
0x326: {  	_ =	sdelay $0x2  }
0x327: {  	_ = 	snop  }
.LBB2_71:
.Ltmp79:
0x328: {  	(pc) =	sbr.rel .LBB2_74-.Ltmp79, $2  }
0x329: {  	_ =	sdelay $0x2  }
0x32a: {  	_ = 	snop  }
.LBB2_77:
.Ltmp80:
0x32b: {  	(pc) =	sbr.rel .LBB2_80-.Ltmp80, $2  }
0x32c: {  	_ =	sdelay $0x2  }
0x32d: {  	_ = 	snop  }
.LBB2_83:
.Ltmp81:
0x32e: {  	(pc) =	sbr.rel .LBB2_86-.Ltmp81, $2  }
0x32f: {  	_ =	sdelay $0x2  }
0x330: {  	_ = 	snop  }
.LBB2_89:
.Ltmp82:
0x331: {  	(pc) =	sbr.rel .LBB2_92-.Ltmp82, $2  }
0x332: {  	_ =	sdelay $0x2  }
0x333: {  	_ = 	snop  }
.LBB2_100:
0x334: {  	_ =	sfence.sel $0x180000  }
0x335: {  	[bflag:$0x0] =	sbarrier.arrive $0xFFFF  }
0x336: {  	_ =	strace $0x90000047  }
0x337: {  	s0 =	stileid.u32;
	[bflag:$0x2] =	sbarrier.arrive $0xFFFF  }
0x338: {  	p0 =	sne.s32 s0, $0x0;
	s0 =	rddreg [dreg:$0x2]  }
0x339: {  	s0 =	sadd.s32 @!p0 $0x100000, s0  }
0x33a: {  	[sflag:s0] =	ssyncadd.tile.s32 @!p0 $0x1;
	_ =	shalt  }
.Lfunc_end2:
_tile_overlayer_lowered:
.L_overlay_start_2:
0x33b: {  	(tag) =	ssettag $0x2  }
0x33c: {  	s0 =	rddreg [dreg:$0x0];
	s2 =	stileid.u32  }
0x33d: {  	s1 =	rddreg [dreg:$0x1];
	p0 =	sne.s32 s2, $0x0  }
0x33e: {  	s3 =	rddreg [dreg:$0x2];
	[bflag:$0x3] =	sbarrier.arrive $0xFFFF;
	s2 =	simm.s32 @!p0 $0x1C01  }
0x33f: {  	[timem:s3], [sflag:s2] =	dma.local @!p0 [hbm:s0], s1  }
0x340: {  	s0 =	simm.s32 @!p0 $0x1  }
0x341: {  	_ =	swait.ge @!p0 [sflag:s0], s1  }
0x342: {  	s1 =	ssub.s32 @!p0 $0x0, s1;
	[sflag:s0] =	ssyncset.done @!p0 $0x0  }
0x343: {  	[sflag:s0] =	ssyncadd.s32 @!p0 s1  }
0x344: {  	[bflag:$0x3] =	sbarrier.arrive $0xFFFF  }
0x345: {  	_ =	shalt  }

</sc_bundles>
